<compile_context>
chip_gen: v7x
topology: tpu7x:2x2x1
jax: 0.10.2.dev20260603
libtpu: 0.0.44.dev20260713+nightly
codegen_flags: <defaults>
</compile_context>

<pallas_src>
import functools

import jax
import jax.numpy as jnp
from jax import lax
from jax.experimental import pallas as pl
from jax.experimental.pallas import tpu as pltpu
from jax.experimental.pallas import tpu_sc as plsc

B = 16384
D = 128
L = 16
NVREG = D // L
CHUNK = 64
NSLOT = 4

NC, NS = 2, 16
NW = NC * NS
BPW = B // NW
NCHUNK = BPW // CHUNK
IDX_ROWS = B // CHUNK
ROWS_PW = IDX_ROWS // NW


def _sc_partial_body(uidx_hbm, iidx_hbm, uemb_hbm, iemb_hbm, out_hbm,
                     uidx_v, iidx_v, urows_v, irows_v, acc_v, isem,
                     sem0, sem1, sem2, sem3):
    sems = (sem0, sem1, sem2, sem3)
    wid = lax.axis_index("s") * NC + lax.axis_index("c")
    base = wid * BPW
    hu_idx = pltpu.async_copy(uidx_hbm.at[pl.ds(base, BPW)], uidx_v, isem)
    hi_idx = pltpu.async_copy(iidx_hbm.at[pl.ds(base, BPW)], iidx_v, isem)
    hu_idx.wait()
    hi_idx.wait()

    def fire(k):
        slot = k % NSLOT
        hu = pltpu.async_copy(uemb_hbm.at[uidx_v.at[pl.ds(k * CHUNK, CHUNK)]],
                              urows_v.at[slot], sems[slot])
        hi = pltpu.async_copy(iemb_hbm.at[iidx_v.at[pl.ds(k * CHUNK, CHUNK)]],
                              irows_v.at[slot], sems[slot])
        return hu, hi

    accs = tuple(jnp.zeros((L,), jnp.float32) for _ in range(NVREG))
    pend = [fire(k) for k in range(NSLOT - 1)]
    for k in range(NCHUNK):
        if k + NSLOT - 1 < NCHUNK:
            pend.append(fire(k + NSLOT - 1))
        hu, hi = pend.pop(0)
        hu.wait()
        hi.wait()
        u_ref = urows_v.at[k % NSLOT]
        i_ref = irows_v.at[k % NSLOT]

        def body(b2, acc):
            b = b2 * 2
            acc = tuple(
                acc[j] + u_ref[b, pl.ds(j * L, L)]
                for j in range(NVREG)
            )
            return tuple(
                acc[j] + u_ref[b + 1, pl.ds(j * L, L)]
                for j in range(NVREG)
            )

        accs = lax.fori_loop(0, CHUNK // 2, body, accs)

    for j in range(NVREG):
        acc_v[pl.ds(j * L, L)] = accs[j]
    pltpu.sync_copy(acc_v, out_hbm.at[wid])


@functools.cache
def _sc_partial():
    mesh = plsc.VectorSubcoreMesh(
        core_axis_name="c", subcore_axis_name="s",
        num_cores=NC, num_subcores=NS,
    )
    return pl.kernel(
        _sc_partial_body,
        mesh=mesh,
        out_type=jax.ShapeDtypeStruct((NW, D), jnp.float32),
        scratch_types=[
            pltpu.VMEM((BPW,), jnp.int32),
            pltpu.VMEM((BPW,), jnp.int32),
            pltpu.VMEM((NSLOT, CHUNK, D), jnp.float32),
            pltpu.VMEM((NSLOT, CHUNK, D), jnp.float32),
            pltpu.VMEM((D,), jnp.float32),
            pltpu.SemaphoreType.DMA,
            pltpu.SemaphoreType.DMA,
            pltpu.SemaphoreType.DMA,
            pltpu.SemaphoreType.DMA,
            pltpu.SemaphoreType.DMA,
        ],
    )


def _finale(p_ref, v_ref, o_ref):
    s = jnp.sum(p_ref[...], axis=0, keepdims=True)
    pred = 1.0 / (1.0 + jnp.exp(-s))
    v = (v_ref[0, 0] - 1.0) * 0.25
    r = pred - v
    o_ref[...] = r * r


def kernel(users_index, items_index, value, user_embed, item_embed):
    uidx = users_index.astype(jnp.int32)
    iidx = items_index.astype(jnp.int32)
    partials = _sc_partial()(uidx, iidx, user_embed, item_embed)
    out = pl.pallas_call(
        _finale,
        out_shape=jax.ShapeDtypeStruct((1, D), jnp.float32),
    )(partials, value.reshape(1, 1).astype(jnp.float32))
    return out.reshape(D)

# --- scband reference (transcript-rebuilt; emitter-appended) ---
"""Pipeline reference for scband-pmf-29016799051801 (READ-ONLY COPY).

The authoritative reference and input builder live on the scoring server;
editing this copy changes nothing except your own understanding.
"""

import jax, jax.numpy as jnp
import numpy as np

N_USER = 100000
N_ITEM = 100000
EMBED_DIM = 128
BATCH = 16384
K_RATE = 5

def setup_inputs(seed: int = 0) -> dict:
    key = jax.random.key(seed)
    k1, k2, k3, k4, k5 = jax.random.split(key, 5)
    users_index = jax.random.randint(k1, (BATCH,), 0, N_USER, dtype=jnp.int64 if jax.config.jax_enable_x64 else jnp.int32)
    items_index = jax.random.randint(k2, (BATCH,), 0, N_ITEM, dtype=jnp.int64 if jax.config.jax_enable_x64 else jnp.int32)
    value = jax.random.uniform(k3, (1,), dtype=jnp.float32)
    user_embed = jax.random.normal(k4, (N_USER, EMBED_DIM), dtype=jnp.float32)
    item_embed = jax.random.normal(k5, (N_ITEM, EMBED_DIM), dtype=jnp.float32)
    return {"users_index": users_index, "items_index": items_index, "value": value, "user_embed": user_embed, "item_embed": item_embed}

def reference(users_index, items_index, value, user_embed, item_embed):
    # Faithful translation of PMF.forward
    user_h1 = jnp.take(user_embed, users_index, axis=0)   # [B, D] gather
    item_h1 = jnp.take(item_embed, items_index, axis=0)   # [B, D] gather
    # NOTE: original sums over dim 0 (batch), yielding a [D]-shaped prediction
    pred = 1.0 / (1.0 + jnp.exp(-(user_h1 * item_h1).sum(0)))
    v = (value - 1.0) / (K_RATE - 1)
    result = pred - v
    return result ** 2

if __name__ == "__main__":
    import jax
    _d = setup_inputs()
    print(jax.jit(kernel)(*tuple(_d.values())))

</pallas_src>

<mosaic_0001>
#map = affine_map<(d0, d1) -> (0)>
#map1 = affine_map<(d0, d1) -> (0, 0)>
module attributes {stable_mosaic.version = 14 : i64} {
  func.func @_sc_partial_body(%arg0: i32, %arg1: i32, %arg2: memref<16384xi32, #tpu.memory_space<hbm>>, %arg3: memref<16384xi32, #tpu.memory_space<hbm>>, %arg4: memref<100000x128xf32, #tpu.memory_space<hbm>>, %arg5: memref<100000x128xf32, #tpu.memory_space<hbm>>, %arg6: memref<32x128xf32, #tpu.memory_space<hbm>>, %arg7: memref<512xi32, #tpu.memory_space<vmem>>, %arg8: memref<512xi32, #tpu.memory_space<vmem>>, %arg9: memref<4x64x128xf32, #tpu.memory_space<vmem>>, %arg10: memref<4x64x128xf32, #tpu.memory_space<vmem>>, %arg11: memref<128xf32, #tpu.memory_space<vmem>>, %arg12: memref<!tpu.dma_semaphore, #tpu.memory_space<semaphore_mem>>, %arg13: memref<!tpu.dma_semaphore, #tpu.memory_space<semaphore_mem>>, %arg14: memref<!tpu.dma_semaphore, #tpu.memory_space<semaphore_mem>>, %arg15: memref<!tpu.dma_semaphore, #tpu.memory_space<semaphore_mem>>, %arg16: memref<!tpu.dma_semaphore, #tpu.memory_space<semaphore_mem>>) attributes {dimension_semantics = [#tpu.dimension_semantics<core_parallel>, #tpu.dimension_semantics<subcore_parallel>], iteration_bounds = array<i64: 2, 16>, scalar_prefetch = 0 : i64, scratch_operands = 10 : i64, tpu.core_type = #tpu.core_type<sc_vector_subcore>, window_params = [{transform_indices = #map}, {transform_indices = #map}, {transform_indices = #map1}, {transform_indices = #map1}, {transform_indices = #map1}]} {
    %mul3A = arith.constant 2 : i32
    %mul3A_0 = arith.muli %arg1, %mul3A : i32
    %add3A = arith.addi %mul3A_0, %arg0 : i32
    %mul3A_1 = arith.constant 512 : i32
    %mul3A_2 = arith.muli %add3A, %mul3A_1 : i32
    %dma_start3A = tpu.memref_slice %arg2[%mul3A_2] : memref<16384xi32, #tpu.memory_space<hbm>> -> memref<512xi32, #tpu.memory_space<hbm>>
    %dma_start3A_3 = tpu.memref_slice %arg2[%mul3A_2] : memref<16384xi32, #tpu.memory_space<hbm>> -> memref<512xi32, #tpu.memory_space<hbm>>
    tpu.enqueue_dma source(%dma_start3A_3 : memref<512xi32, #tpu.memory_space<hbm>>) target(%arg7 : memref<512xi32, #tpu.memory_space<vmem>>) target_semaphore(%arg12 : memref<!tpu.dma_semaphore, #tpu.memory_space<semaphore_mem>>)
    %dma_start3A_4 = tpu.memref_slice %arg3[%mul3A_2] : memref<16384xi32, #tpu.memory_space<hbm>> -> memref<512xi32, #tpu.memory_space<hbm>>
    %dma_start3A_5 = tpu.memref_slice %arg3[%mul3A_2] : memref<16384xi32, #tpu.memory_space<hbm>> -> memref<512xi32, #tpu.memory_space<hbm>>
    tpu.enqueue_dma source(%dma_start3A_5 : memref<512xi32, #tpu.memory_space<hbm>>) target(%arg8 : memref<512xi32, #tpu.memory_space<vmem>>) target_semaphore(%arg12 : memref<!tpu.dma_semaphore, #tpu.memory_space<semaphore_mem>>)
    %dma_wait3A = tpu.memref_slice %arg2[%mul3A_2] : memref<16384xi32, #tpu.memory_space<hbm>> -> memref<512xi32, #tpu.memory_space<hbm>>
    %dma_wait3A_6 = tpu.memref_slice %arg2[%mul3A_2] : memref<16384xi32, #tpu.memory_space<hbm>> -> memref<512xi32, #tpu.memory_space<hbm>>
    tpu.wait_dma2 semaphore(%arg12 : memref<!tpu.dma_semaphore, #tpu.memory_space<semaphore_mem>>) src(%dma_wait3A_6 : memref<512xi32, #tpu.memory_space<hbm>>) dst(%arg7 : memref<512xi32, #tpu.memory_space<vmem>>)
    %dma_wait3A_7 = tpu.memref_slice %arg3[%mul3A_2] : memref<16384xi32, #tpu.memory_space<hbm>> -> memref<512xi32, #tpu.memory_space<hbm>>
    %dma_wait3A_8 = tpu.memref_slice %arg3[%mul3A_2] : memref<16384xi32, #tpu.memory_space<hbm>> -> memref<512xi32, #tpu.memory_space<hbm>>
    tpu.wait_dma2 semaphore(%arg12 : memref<!tpu.dma_semaphore, #tpu.memory_space<semaphore_mem>>) src(%dma_wait3A_8 : memref<512xi32, #tpu.memory_space<hbm>>) dst(%arg8 : memref<512xi32, #tpu.memory_space<vmem>>)
    %broadcast_in_dim3A = arith.constant 0.000000e+00 : f32
    %broadcast_in_dim3A_9 = vector.broadcast %broadcast_in_dim3A : f32 to vector<16xf32>
    %broadcast_in_dim3A_10 = arith.constant 0.000000e+00 : f32
    %broadcast_in_dim3A_11 = vector.broadcast %broadcast_in_dim3A_10 : f32 to vector<16xf32>
    %broadcast_in_dim3A_12 = arith.constant 0.000000e+00 : f32
    %broadcast_in_dim3A_13 = vector.broadcast %broadcast_in_dim3A_12 : f32 to vector<16xf32>
    %broadcast_in_dim3A_14 = arith.constant 0.000000e+00 : f32
    %broadcast_in_dim3A_15 = vector.broadcast %broadcast_in_dim3A_14 : f32 to vector<16xf32>
    %broadcast_in_dim3A_16 = arith.constant 0.000000e+00 : f32
    %broadcast_in_dim3A_17 = vector.broadcast %broadcast_in_dim3A_16 : f32 to vector<16xf32>
    %broadcast_in_dim3A_18 = arith.constant 0.000000e+00 : f32
    %broadcast_in_dim3A_19 = vector.broadcast %broadcast_in_dim3A_18 : f32 to vector<16xf32>
    %broadcast_in_dim3A_20 = arith.constant 0.000000e+00 : f32
    %broadcast_in_dim3A_21 = vector.broadcast %broadcast_in_dim3A_20 : f32 to vector<16xf32>
    %broadcast_in_dim3A_22 = arith.constant 0.000000e+00 : f32
    %broadcast_in_dim3A_23 = vector.broadcast %broadcast_in_dim3A_22 : f32 to vector<16xf32>
    %dma_start3A_24 = arith.constant 0 : i32
    %dma_start3A_25 = arith.constant 0 : i32
    %dma_start3A_26 = arith.constant 0 : i32
    %dma_start3A_27 = tpu.memref_slice %arg9[%dma_start3A_24, %dma_start3A_25, %dma_start3A_26] : memref<4x64x128xf32, #tpu.memory_space<vmem>> -> memref<1x64x128xf32, #tpu.memory_space<vmem>>
    %dma_start3A_28 = tpu.memref_squeeze %dma_start3A_27 : memref<1x64x128xf32, #tpu.memory_space<vmem>> -> memref<64x128xf32, #tpu.memory_space<vmem>>
    %dma_start3A_29 = arith.constant 0 : i32
    %dma_start3A_30 = tpu.memref_slice %arg7[%dma_start3A_29] : memref<512xi32, #tpu.memory_space<vmem>> -> memref<64xi32, #tpu.memory_space<vmem>>
    %dma_start3A_31 = arith.constant 0 : i32
    %dma_start3A_32 = arith.constant 0 : i32
    %dma_start3A_33 = tpu.memref_slice %arg4[%dma_start3A_31, %dma_start3A_32] : memref<100000x128xf32, #tpu.memory_space<hbm>> -> memref<100000x128xf32, #tpu.memory_space<hbm>>
    tpu.enqueue_indirect_dma source(%dma_start3A_33 : memref<100000x128xf32, #tpu.memory_space<hbm>>) target(%dma_start3A_28 : memref<64x128xf32, #tpu.memory_space<vmem>>) offsets(%dma_start3A_30 : memref<64xi32, #tpu.memory_space<vmem>>) semaphore(%arg13 : memref<!tpu.dma_semaphore, #tpu.memory_space<semaphore_mem>>)
    %dma_start3A_34 = arith.constant 0 : i32
    %dma_start3A_35 = arith.constant 0 : i32
    %dma_start3A_36 = arith.constant 0 : i32
    %dma_start3A_37 = tpu.memref_slice %arg10[%dma_start3A_34, %dma_start3A_35, %dma_start3A_36] : memref<4x64x128xf32, #tpu.memory_space<vmem>> -> memref<1x64x128xf32, #tpu.memory_space<vmem>>
    %dma_start3A_38 = tpu.memref_squeeze %dma_start3A_37 : memref<1x64x128xf32, #tpu.memory_space<vmem>> -> memref<64x128xf32, #tpu.memory_space<vmem>>
    %dma_start3A_39 = arith.constant 0 : i32
    %dma_start3A_40 = tpu.memref_slice %arg8[%dma_start3A_39] : memref<512xi32, #tpu.memory_space<vmem>> -> memref<64xi32, #tpu.memory_space<vmem>>
    %dma_start3A_41 = arith.constant 0 : i32
    %dma_start3A_42 = arith.constant 0 : i32
    %dma_start3A_43 = tpu.memref_slice %arg5[%dma_start3A_41, %dma_start3A_42] : memref<100000x128xf32, #tpu.memory_space<hbm>> -> memref<100000x128xf32, #tpu.memory_space<hbm>>
    tpu.enqueue_indirect_dma source(%dma_start3A_43 : memref<100000x128xf32, #tpu.memory_space<hbm>>) target(%dma_start3A_38 : memref<64x128xf32, #tpu.memory_space<vmem>>) offsets(%dma_start3A_40 : memref<64xi32, #tpu.memory_space<vmem>>) semaphore(%arg13 : memref<!tpu.dma_semaphore, #tpu.memory_space<semaphore_mem>>)
    %dma_start3A_44 = arith.constant 1 : i32
    %dma_start3A_45 = arith.constant 0 : i32
    %dma_start3A_46 = arith.constant 0 : i32
    %dma_start3A_47 = tpu.memref_slice %arg9[%dma_start3A_44, %dma_start3A_45, %dma_start3A_46] : memref<4x64x128xf32, #tpu.memory_space<vmem>> -> memref<1x64x128xf32, #tpu.memory_space<vmem>>
    %dma_start3A_48 = tpu.memref_squeeze %dma_start3A_47 : memref<1x64x128xf32, #tpu.memory_space<vmem>> -> memref<64x128xf32, #tpu.memory_space<vmem>>
    %dma_start3A_49 = arith.constant 64 : i32
    %dma_start3A_50 = tpu.memref_slice %arg7[%dma_start3A_49] : memref<512xi32, #tpu.memory_space<vmem>> -> memref<64xi32, #tpu.memory_space<vmem>>
    %dma_start3A_51 = arith.constant 0 : i32
    %dma_start3A_52 = arith.constant 0 : i32
    %dma_start3A_53 = tpu.memref_slice %arg4[%dma_start3A_51, %dma_start3A_52] : memref<100000x128xf32, #tpu.memory_space<hbm>> -> memref<100000x128xf32, #tpu.memory_space<hbm>>
    tpu.enqueue_indirect_dma source(%dma_start3A_53 : memref<100000x128xf32, #tpu.memory_space<hbm>>) target(%dma_start3A_48 : memref<64x128xf32, #tpu.memory_space<vmem>>) offsets(%dma_start3A_50 : memref<64xi32, #tpu.memory_space<vmem>>) semaphore(%arg14 : memref<!tpu.dma_semaphore, #tpu.memory_space<semaphore_mem>>)
    %dma_start3A_54 = arith.constant 1 : i32
    %dma_start3A_55 = arith.constant 0 : i32
    %dma_start3A_56 = arith.constant 0 : i32
    %dma_start3A_57 = tpu.memref_slice %arg10[%dma_start3A_54, %dma_start3A_55, %dma_start3A_56] : memref<4x64x128xf32, #tpu.memory_space<vmem>> -> memref<1x64x128xf32, #tpu.memory_space<vmem>>
    %dma_start3A_58 = tpu.memref_squeeze %dma_start3A_57 : memref<1x64x128xf32, #tpu.memory_space<vmem>> -> memref<64x128xf32, #tpu.memory_space<vmem>>
    %dma_start3A_59 = arith.constant 64 : i32
    %dma_start3A_60 = tpu.memref_slice %arg8[%dma_start3A_59] : memref<512xi32, #tpu.memory_space<vmem>> -> memref<64xi32, #tpu.memory_space<vmem>>
    %dma_start3A_61 = arith.constant 0 : i32
    %dma_start3A_62 = arith.constant 0 : i32
    %dma_start3A_63 = tpu.memref_slice %arg5[%dma_start3A_61, %dma_start3A_62] : memref<100000x128xf32, #tpu.memory_space<hbm>> -> memref<100000x128xf32, #tpu.memory_space<hbm>>
    tpu.enqueue_indirect_dma source(%dma_start3A_63 : memref<100000x128xf32, #tpu.memory_space<hbm>>) target(%dma_start3A_58 : memref<64x128xf32, #tpu.memory_space<vmem>>) offsets(%dma_start3A_60 : memref<64xi32, #tpu.memory_space<vmem>>) semaphore(%arg14 : memref<!tpu.dma_semaphore, #tpu.memory_space<semaphore_mem>>)
    %dma_start3A_64 = arith.constant 2 : i32
    %dma_start3A_65 = arith.constant 0 : i32
    %dma_start3A_66 = arith.constant 0 : i32
    %dma_start3A_67 = tpu.memref_slice %arg9[%dma_start3A_64, %dma_start3A_65, %dma_start3A_66] : memref<4x64x128xf32, #tpu.memory_space<vmem>> -> memref<1x64x128xf32, #tpu.memory_space<vmem>>
    %dma_start3A_68 = tpu.memref_squeeze %dma_start3A_67 : memref<1x64x128xf32, #tpu.memory_space<vmem>> -> memref<64x128xf32, #tpu.memory_space<vmem>>
    %dma_start3A_69 = arith.constant 128 : i32
    %dma_start3A_70 = tpu.memref_slice %arg7[%dma_start3A_69] : memref<512xi32, #tpu.memory_space<vmem>> -> memref<64xi32, #tpu.memory_space<vmem>>
    %dma_start3A_71 = arith.constant 0 : i32
    %dma_start3A_72 = arith.constant 0 : i32
    %dma_start3A_73 = tpu.memref_slice %arg4[%dma_start3A_71, %dma_start3A_72] : memref<100000x128xf32, #tpu.memory_space<hbm>> -> memref<100000x128xf32, #tpu.memory_space<hbm>>
    tpu.enqueue_indirect_dma source(%dma_start3A_73 : memref<100000x128xf32, #tpu.memory_space<hbm>>) target(%dma_start3A_68 : memref<64x128xf32, #tpu.memory_space<vmem>>) offsets(%dma_start3A_70 : memref<64xi32, #tpu.memory_space<vmem>>) semaphore(%arg15 : memref<!tpu.dma_semaphore, #tpu.memory_space<semaphore_mem>>)
    %dma_start3A_74 = arith.constant 2 : i32
    %dma_start3A_75 = arith.constant 0 : i32
    %dma_start3A_76 = arith.constant 0 : i32
    %dma_start3A_77 = tpu.memref_slice %arg10[%dma_start3A_74, %dma_start3A_75, %dma_start3A_76] : memref<4x64x128xf32, #tpu.memory_space<vmem>> -> memref<1x64x128xf32, #tpu.memory_space<vmem>>
    %dma_start3A_78 = tpu.memref_squeeze %dma_start3A_77 : memref<1x64x128xf32, #tpu.memory_space<vmem>> -> memref<64x128xf32, #tpu.memory_space<vmem>>
    %dma_start3A_79 = arith.constant 128 : i32
    %dma_start3A_80 = tpu.memref_slice %arg8[%dma_start3A_79] : memref<512xi32, #tpu.memory_space<vmem>> -> memref<64xi32, #tpu.memory_space<vmem>>
    %dma_start3A_81 = arith.constant 0 : i32
    %dma_start3A_82 = arith.constant 0 : i32
    %dma_start3A_83 = tpu.memref_slice %arg5[%dma_start3A_81, %dma_start3A_82] : memref<100000x128xf32, #tpu.memory_space<hbm>> -> memref<100000x128xf32, #tpu.memory_space<hbm>>
    tpu.enqueue_indirect_dma source(%dma_start3A_83 : memref<100000x128xf32, #tpu.memory_space<hbm>>) target(%dma_start3A_78 : memref<64x128xf32, #tpu.memory_space<vmem>>) offsets(%dma_start3A_80 : memref<64xi32, #tpu.memory_space<vmem>>) semaphore(%arg15 : memref<!tpu.dma_semaphore, #tpu.memory_space<semaphore_mem>>)
    %dma_start3A_84 = arith.constant 3 : i32
    %dma_start3A_85 = arith.constant 0 : i32
    %dma_start3A_86 = arith.constant 0 : i32
    %dma_start3A_87 = tpu.memref_slice %arg9[%dma_start3A_84, %dma_start3A_85, %dma_start3A_86] : memref<4x64x128xf32, #tpu.memory_space<vmem>> -> memref<1x64x128xf32, #tpu.memory_space<vmem>>
    %dma_start3A_88 = tpu.memref_squeeze %dma_start3A_87 : memref<1x64x128xf32, #tpu.memory_space<vmem>> -> memref<64x128xf32, #tpu.memory_space<vmem>>
    %dma_start3A_89 = arith.constant 192 : i32
    %dma_start3A_90 = tpu.memref_slice %arg7[%dma_start3A_89] : memref<512xi32, #tpu.memory_space<vmem>> -> memref<64xi32, #tpu.memory_space<vmem>>
    %dma_start3A_91 = arith.constant 0 : i32
    %dma_start3A_92 = arith.constant 0 : i32
    %dma_start3A_93 = tpu.memref_slice %arg4[%dma_start3A_91, %dma_start3A_92] : memref<100000x128xf32, #tpu.memory_space<hbm>> -> memref<100000x128xf32, #tpu.memory_space<hbm>>
    tpu.enqueue_indirect_dma source(%dma_start3A_93 : memref<100000x128xf32, #tpu.memory_space<hbm>>) target(%dma_start3A_88 : memref<64x128xf32, #tpu.memory_space<vmem>>) offsets(%dma_start3A_90 : memref<64xi32, #tpu.memory_space<vmem>>) semaphore(%arg16 : memref<!tpu.dma_semaphore, #tpu.memory_space<semaphore_mem>>)
    %dma_start3A_94 = arith.constant 3 : i32
    %dma_start3A_95 = arith.constant 0 : i32
    %dma_start3A_96 = arith.constant 0 : i32
    %dma_start3A_97 = tpu.memref_slice %arg10[%dma_start3A_94, %dma_start3A_95, %dma_start3A_96] : memref<4x64x128xf32, #tpu.memory_space<vmem>> -> memref<1x64x128xf32, #tpu.memory_space<vmem>>
    %dma_start3A_98 = tpu.memref_squeeze %dma_start3A_97 : memref<1x64x128xf32, #tpu.memory_space<vmem>> -> memref<64x128xf32, #tpu.memory_space<vmem>>
    %dma_start3A_99 = arith.constant 192 : i32
    %dma_start3A_100 = tpu.memref_slice %arg8[%dma_start3A_99] : memref<512xi32, #tpu.memory_space<vmem>> -> memref<64xi32, #tpu.memory_space<vmem>>
    %dma_start3A_101 = arith.constant 0 : i32
    %dma_start3A_102 = arith.constant 0 : i32
    %dma_start3A_103 = tpu.memref_slice %arg5[%dma_start3A_101, %dma_start3A_102] : memref<100000x128xf32, #tpu.memory_space<hbm>> -> memref<100000x128xf32, #tpu.memory_space<hbm>>
    tpu.enqueue_indirect_dma source(%dma_start3A_103 : memref<100000x128xf32, #tpu.memory_space<hbm>>) target(%dma_start3A_98 : memref<64x128xf32, #tpu.memory_space<vmem>>) offsets(%dma_start3A_100 : memref<64xi32, #tpu.memory_space<vmem>>) semaphore(%arg16 : memref<!tpu.dma_semaphore, #tpu.memory_space<semaphore_mem>>)
    %dma_wait3A_104 = arith.constant 0 : i32
    %dma_wait3A_105 = arith.constant 0 : i32
    %dma_wait3A_106 = arith.constant 0 : i32
    %dma_wait3A_107 = tpu.memref_slice %arg9[%dma_wait3A_104, %dma_wait3A_105, %dma_wait3A_106] : memref<4x64x128xf32, #tpu.memory_space<vmem>> -> memref<1x64x128xf32, #tpu.memory_space<vmem>>
    %dma_wait3A_108 = tpu.memref_squeeze %dma_wait3A_107 : memref<1x64x128xf32, #tpu.memory_space<vmem>> -> memref<64x128xf32, #tpu.memory_space<vmem>>
    %dma_wait3A_109 = arith.constant 0 : i32
    %dma_wait3A_110 = tpu.memref_slice %arg7[%dma_wait3A_109] : memref<512xi32, #tpu.memory_space<vmem>> -> memref<64xi32, #tpu.memory_space<vmem>>
    %dma_wait3A_111 = arith.constant 0 : i32
    %dma_wait3A_112 = arith.constant 0 : i32
    %dma_wait3A_113 = tpu.memref_slice %arg4[%dma_wait3A_111, %dma_wait3A_112] : memref<100000x128xf32, #tpu.memory_space<hbm>> -> memref<100000x128xf32, #tpu.memory_space<hbm>>
    tpu.wait_indirect_dma semaphore(%arg13 : memref<!tpu.dma_semaphore, #tpu.memory_space<semaphore_mem>>) src(%dma_wait3A_113 : memref<100000x128xf32, #tpu.memory_space<hbm>>) dst(%dma_wait3A_108 : memref<64x128xf32, #tpu.memory_space<vmem>>)
    %dma_wait3A_114 = arith.constant 0 : i32
    %dma_wait3A_115 = arith.constant 0 : i32
    %dma_wait3A_116 = arith.constant 0 : i32
    %dma_wait3A_117 = tpu.memref_slice %arg10[%dma_wait3A_114, %dma_wait3A_115, %dma_wait3A_116] : memref<4x64x128xf32, #tpu.memory_space<vmem>> -> memref<1x64x128xf32, #tpu.memory_space<vmem>>
    %dma_wait3A_118 = tpu.memref_squeeze %dma_wait3A_117 : memref<1x64x128xf32, #tpu.memory_space<vmem>> -> memref<64x128xf32, #tpu.memory_space<vmem>>
    %dma_wait3A_119 = arith.constant 0 : i32
    %dma_wait3A_120 = tpu.memref_slice %arg8[%dma_wait3A_119] : memref<512xi32, #tpu.memory_space<vmem>> -> memref<64xi32, #tpu.memory_space<vmem>>
    %dma_wait3A_121 = arith.constant 0 : i32
    %dma_wait3A_122 = arith.constant 0 : i32
    %dma_wait3A_123 = tpu.memref_slice %arg5[%dma_wait3A_121, %dma_wait3A_122] : memref<100000x128xf32, #tpu.memory_space<hbm>> -> memref<100000x128xf32, #tpu.memory_space<hbm>>
    tpu.wait_indirect_dma semaphore(%arg13 : memref<!tpu.dma_semaphore, #tpu.memory_space<semaphore_mem>>) src(%dma_wait3A_123 : memref<100000x128xf32, #tpu.memory_space<hbm>>) dst(%dma_wait3A_118 : memref<64x128xf32, #tpu.memory_space<vmem>>)
    %scan3A = arith.constant 0 : i32
    %scan3A_124 = arith.constant 0 : i32
    %scan3A_125 = arith.constant 32 : i32
    %scan3A_126 = arith.addi %scan3A_124, %scan3A_125 : i32
    %scan3A_127 = arith.constant 1 : i32
    %scan3A_128:8 = scf.for %scan3A_430 = %scan3A_124 to %scan3A_126 step %scan3A_127 iter_args(%scan3A_431 = %broadcast_in_dim3A_9, %scan3A_432 = %broadcast_in_dim3A_11, %scan3A_433 = %broadcast_in_dim3A_13, %scan3A_434 = %broadcast_in_dim3A_15, %scan3A_435 = %broadcast_in_dim3A_17, %scan3A_436 = %broadcast_in_dim3A_19, %scan3A_437 = %broadcast_in_dim3A_21, %scan3A_438 = %broadcast_in_dim3A_23) -> (vector<16xf32>, vector<16xf32>, vector<16xf32>, vector<16xf32>, vector<16xf32>, vector<16xf32>, vector<16xf32>, vector<16xf32>)  : i32 {
      %mul3A_439 = arith.constant 2 : i32
      %mul3A_440 = arith.muli %scan3A_430, %mul3A_439 : i32
      %get3A = arith.constant 0 : i32
      %get3A_441 = arith.constant 0 : i32
      %get3A_442 = tpu.memref_slice %arg9[%scan3A, %get3A, %get3A_441] : memref<4x64x128xf32, #tpu.memory_space<vmem>> -> memref<1x64x128xf32, #tpu.memory_space<vmem>>
      %get3A_443 = tpu.memref_squeeze %get3A_442 : memref<1x64x128xf32, #tpu.memory_space<vmem>> -> memref<64x128xf32, #tpu.memory_space<vmem>>
      %get3A_444 = arith.index_cast %mul3A_440 : i32 to index
      %get3A_445 = arith.constant 0 : index
      %get3A_446 = tpu.vector_load %get3A_443[%get3A_444, %get3A_445] {strides = array<i32>} : memref<64x128xf32, #tpu.memory_space<vmem>>, vector<1x16xf32>,
      %get3A_447 = vector.shape_cast %get3A_446 : vector<1x16xf32> to vector<16xf32>
      %add3A_448 = arith.addf %scan3A_431, %get3A_447 : vector<16xf32>
      %get3A_449 = arith.constant 0 : i32
      %get3A_450 = arith.constant 0 : i32
      %get3A_451 = tpu.memref_slice %arg9[%scan3A, %get3A_449, %get3A_450] : memref<4x64x128xf32, #tpu.memory_space<vmem>> -> memref<1x64x128xf32, #tpu.memory_space<vmem>>
      %get3A_452 = tpu.memref_squeeze %get3A_451 : memref<1x64x128xf32, #tpu.memory_space<vmem>> -> memref<64x128xf32, #tpu.memory_space<vmem>>
      %get3A_453 = arith.index_cast %mul3A_440 : i32 to index
      %get3A_454 = arith.constant 16 : index
      %get3A_455 = tpu.vector_load %get3A_452[%get3A_453, %get3A_454] {strides = array<i32>} : memref<64x128xf32, #tpu.memory_space<vmem>>, vector<1x16xf32>,
      %get3A_456 = vector.shape_cast %get3A_455 : vector<1x16xf32> to vector<16xf32>
      %add3A_457 = arith.addf %scan3A_432, %get3A_456 : vector<16xf32>
      %get3A_458 = arith.constant 0 : i32
      %get3A_459 = arith.constant 0 : i32
      %get3A_460 = tpu.memref_slice %arg9[%scan3A, %get3A_458, %get3A_459] : memref<4x64x128xf32, #tpu.memory_space<vmem>> -> memref<1x64x128xf32, #tpu.memory_space<vmem>>
      %get3A_461 = tpu.memref_squeeze %get3A_460 : memref<1x64x128xf32, #tpu.memory_space<vmem>> -> memref<64x128xf32, #tpu.memory_space<vmem>>
      %get3A_462 = arith.index_cast %mul3A_440 : i32 to index
      %get3A_463 = arith.constant 32 : index
      %get3A_464 = tpu.vector_load %get3A_461[%get3A_462, %get3A_463] {strides = array<i32>} : memref<64x128xf32, #tpu.memory_space<vmem>>, vector<1x16xf32>,
      %get3A_465 = vector.shape_cast %get3A_464 : vector<1x16xf32> to vector<16xf32>
      %add3A_466 = arith.addf %scan3A_433, %get3A_465 : vector<16xf32>
      %get3A_467 = arith.constant 0 : i32
      %get3A_468 = arith.constant 0 : i32
      %get3A_469 = tpu.memref_slice %arg9[%scan3A, %get3A_467, %get3A_468] : memref<4x64x128xf32, #tpu.memory_space<vmem>> -> memref<1x64x128xf32, #tpu.memory_space<vmem>>
      %get3A_470 = tpu.memref_squeeze %get3A_469 : memref<1x64x128xf32, #tpu.memory_space<vmem>> -> memref<64x128xf32, #tpu.memory_space<vmem>>
      %get3A_471 = arith.index_cast %mul3A_440 : i32 to index
      %get3A_472 = arith.constant 48 : index
      %get3A_473 = tpu.vector_load %get3A_470[%get3A_471, %get3A_472] {strides = array<i32>} : memref<64x128xf32, #tpu.memory_space<vmem>>, vector<1x16xf32>,
      %get3A_474 = vector.shape_cast %get3A_473 : vector<1x16xf32> to vector<16xf32>
      %add3A_475 = arith.addf %scan3A_434, %get3A_474 : vector<16xf32>
      %get3A_476 = arith.constant 0 : i32
      %get3A_477 = arith.constant 0 : i32
      %get3A_478 = tpu.memref_slice %arg9[%scan3A, %get3A_476, %get3A_477] : memref<4x64x128xf32, #tpu.memory_space<vmem>> -> memref<1x64x128xf32, #tpu.memory_space<vmem>>
      %get3A_479 = tpu.memref_squeeze %get3A_478 : memref<1x64x128xf32, #tpu.memory_space<vmem>> -> memref<64x128xf32, #tpu.memory_space<vmem>>
      %get3A_480 = arith.index_cast %mul3A_440 : i32 to index
      %get3A_481 = arith.constant 64 : index
      %get3A_482 = tpu.vector_load %get3A_479[%get3A_480, %get3A_481] {strides = array<i32>} : memref<64x128xf32, #tpu.memory_space<vmem>>, vector<1x16xf32>,
      %get3A_483 = vector.shape_cast %get3A_482 : vector<1x16xf32> to vector<16xf32>
      %add3A_484 = arith.addf %scan3A_435, %get3A_483 : vector<16xf32>
      %get3A_485 = arith.constant 0 : i32
      %get3A_486 = arith.constant 0 : i32
      %get3A_487 = tpu.memref_slice %arg9[%scan3A, %get3A_485, %get3A_486] : memref<4x64x128xf32, #tpu.memory_space<vmem>> -> memref<1x64x128xf32, #tpu.memory_space<vmem>>
      %get3A_488 = tpu.memref_squeeze %get3A_487 : memref<1x64x128xf32, #tpu.memory_space<vmem>> -> memref<64x128xf32, #tpu.memory_space<vmem>>
      %get3A_489 = arith.index_cast %mul3A_440 : i32 to index
      %get3A_490 = arith.constant 80 : index
      %get3A_491 = tpu.vector_load %get3A_488[%get3A_489, %get3A_490] {strides = array<i32>} : memref<64x128xf32, #tpu.memory_space<vmem>>, vector<1x16xf32>,
      %get3A_492 = vector.shape_cast %get3A_491 : vector<1x16xf32> to vector<16xf32>
      %add3A_493 = arith.addf %scan3A_436, %get3A_492 : vector<16xf32>
      %get3A_494 = arith.constant 0 : i32
      %get3A_495 = arith.constant 0 : i32
      %get3A_496 = tpu.memref_slice %arg9[%scan3A, %get3A_494, %get3A_495] : memref<4x64x128xf32, #tpu.memory_space<vmem>> -> memref<1x64x128xf32, #tpu.memory_space<vmem>>
      %get3A_497 = tpu.memref_squeeze %get3A_496 : memref<1x64x128xf32, #tpu.memory_space<vmem>> -> memref<64x128xf32, #tpu.memory_space<vmem>>
      %get3A_498 = arith.index_cast %mul3A_440 : i32 to index
      %get3A_499 = arith.constant 96 : index
      %get3A_500 = tpu.vector_load %get3A_497[%get3A_498, %get3A_499] {strides = array<i32>} : memref<64x128xf32, #tpu.memory_space<vmem>>, vector<1x16xf32>,
      %get3A_501 = vector.shape_cast %get3A_500 : vector<1x16xf32> to vector<16xf32>
      %add3A_502 = arith.addf %scan3A_437, %get3A_501 : vector<16xf32>
      %get3A_503 = arith.constant 0 : i32
      %get3A_504 = arith.constant 0 : i32
      %get3A_505 = tpu.memref_slice %arg9[%scan3A, %get3A_503, %get3A_504] : memref<4x64x128xf32, #tpu.memory_space<vmem>> -> memref<1x64x128xf32, #tpu.memory_space<vmem>>
      %get3A_506 = tpu.memref_squeeze %get3A_505 : memref<1x64x128xf32, #tpu.memory_space<vmem>> -> memref<64x128xf32, #tpu.memory_space<vmem>>
      %get3A_507 = arith.index_cast %mul3A_440 : i32 to index
      %get3A_508 = arith.constant 112 : index
      %get3A_509 = tpu.vector_load %get3A_506[%get3A_507, %get3A_508] {strides = array<i32>} : memref<64x128xf32, #tpu.memory_space<vmem>>, vector<1x16xf32>,
      %get3A_510 = vector.shape_cast %get3A_509 : vector<1x16xf32> to vector<16xf32>
      %add3A_511 = arith.addf %scan3A_438, %get3A_510 : vector<16xf32>
      %add3A_512 = arith.constant 1 : i32
      %add3A_513 = arith.addi %mul3A_440, %add3A_512 : i32
      %get3A_514 = arith.constant 0 : i32
      %get3A_515 = arith.constant 0 : i32
      %get3A_516 = tpu.memref_slice %arg9[%scan3A, %get3A_514, %get3A_515] : memref<4x64x128xf32, #tpu.memory_space<vmem>> -> memref<1x64x128xf32, #tpu.memory_space<vmem>>
      %get3A_517 = tpu.memref_squeeze %get3A_516 : memref<1x64x128xf32, #tpu.memory_space<vmem>> -> memref<64x128xf32, #tpu.memory_space<vmem>>
      %get3A_518 = arith.index_cast %add3A_513 : i32 to index
      %get3A_519 = arith.constant 0 : index
      %get3A_520 = tpu.vector_load %get3A_517[%get3A_518, %get3A_519] {strides = array<i32>} : memref<64x128xf32, #tpu.memory_space<vmem>>, vector<1x16xf32>,
      %get3A_521 = vector.shape_cast %get3A_520 : vector<1x16xf32> to vector<16xf32>
      %add3A_522 = arith.addf %add3A_448, %get3A_521 : vector<16xf32>
      %add3A_523 = arith.constant 1 : i32
      %add3A_524 = arith.addi %mul3A_440, %add3A_523 : i32
      %get3A_525 = arith.constant 0 : i32
      %get3A_526 = arith.constant 0 : i32
      %get3A_527 = tpu.memref_slice %arg9[%scan3A, %get3A_525, %get3A_526] : memref<4x64x128xf32, #tpu.memory_space<vmem>> -> memref<1x64x128xf32, #tpu.memory_space<vmem>>
      %get3A_528 = tpu.memref_squeeze %get3A_527 : memref<1x64x128xf32, #tpu.memory_space<vmem>> -> memref<64x128xf32, #tpu.memory_space<vmem>>
      %get3A_529 = arith.index_cast %add3A_524 : i32 to index
      %get3A_530 = arith.constant 16 : index
      %get3A_531 = tpu.vector_load %get3A_528[%get3A_529, %get3A_530] {strides = array<i32>} : memref<64x128xf32, #tpu.memory_space<vmem>>, vector<1x16xf32>,
      %get3A_532 = vector.shape_cast %get3A_531 : vector<1x16xf32> to vector<16xf32>
      %add3A_533 = arith.addf %add3A_457, %get3A_532 : vector<16xf32>
      %add3A_534 = arith.constant 1 : i32
      %add3A_535 = arith.addi %mul3A_440, %add3A_534 : i32
      %get3A_536 = arith.constant 0 : i32
      %get3A_537 = arith.constant 0 : i32
      %get3A_538 = tpu.memref_slice %arg9[%scan3A, %get3A_536, %get3A_537] : memref<4x64x128xf32, #tpu.memory_space<vmem>> -> memref<1x64x128xf32, #tpu.memory_space<vmem>>
      %get3A_539 = tpu.memref_squeeze %get3A_538 : memref<1x64x128xf32, #tpu.memory_space<vmem>> -> memref<64x128xf32, #tpu.memory_space<vmem>>
      %get3A_540 = arith.index_cast %add3A_535 : i32 to index
      %get3A_541 = arith.constant 32 : index
      %get3A_542 = tpu.vector_load %get3A_539[%get3A_540, %get3A_541] {strides = array<i32>} : memref<64x128xf32, #tpu.memory_space<vmem>>, vector<1x16xf32>,
      %get3A_543 = vector.shape_cast %get3A_542 : vector<1x16xf32> to vector<16xf32>
      %add3A_544 = arith.addf %add3A_466, %get3A_543 : vector<16xf32>
      %add3A_545 = arith.constant 1 : i32
      %add3A_546 = arith.addi %mul3A_440, %add3A_545 : i32
      %get3A_547 = arith.constant 0 : i32
      %get3A_548 = arith.constant 0 : i32
      %get3A_549 = tpu.memref_slice %arg9[%scan3A, %get3A_547, %get3A_548] : memref<4x64x128xf32, #tpu.memory_space<vmem>> -> memref<1x64x128xf32, #tpu.memory_space<vmem>>
      %get3A_550 = tpu.memref_squeeze %get3A_549 : memref<1x64x128xf32, #tpu.memory_space<vmem>> -> memref<64x128xf32, #tpu.memory_space<vmem>>
      %get3A_551 = arith.index_cast %add3A_546 : i32 to index
      %get3A_552 = arith.constant 48 : index
      %get3A_553 = tpu.vector_load %get3A_550[%get3A_551, %get3A_552] {strides = array<i32>} : memref<64x128xf32, #tpu.memory_space<vmem>>, vector<1x16xf32>,
      %get3A_554 = vector.shape_cast %get3A_553 : vector<1x16xf32> to vector<16xf32>
      %add3A_555 = arith.addf %add3A_475, %get3A_554 : vector<16xf32>
      %add3A_556 = arith.constant 1 : i32
      %add3A_557 = arith.addi %mul3A_440, %add3A_556 : i32
      %get3A_558 = arith.constant 0 : i32
      %get3A_559 = arith.constant 0 : i32
      %get3A_560 = tpu.memref_slice %arg9[%scan3A, %get3A_558, %get3A_559] : memref<4x64x128xf32, #tpu.memory_space<vmem>> -> memref<1x64x128xf32, #tpu.memory_space<vmem>>
      %get3A_561 = tpu.memref_squeeze %get3A_560 : memref<1x64x128xf32, #tpu.memory_space<vmem>> -> memref<64x128xf32, #tpu.memory_space<vmem>>
      %get3A_562 = arith.index_cast %add3A_557 : i32 to index
      %get3A_563 = arith.constant 64 : index
      %get3A_564 = tpu.vector_load %get3A_561[%get3A_562, %get3A_563] {strides = array<i32>} : memref<64x128xf32, #tpu.memory_space<vmem>>, vector<1x16xf32>,
      %get3A_565 = vector.shape_cast %get3A_564 : vector<1x16xf32> to vector<16xf32>
      %add3A_566 = arith.addf %add3A_484, %get3A_565 : vector<16xf32>
      %add3A_567 = arith.constant 1 : i32
      %add3A_568 = arith.addi %mul3A_440, %add3A_567 : i32
      %get3A_569 = arith.constant 0 : i32
      %get3A_570 = arith.constant 0 : i32
      %get3A_571 = tpu.memref_slice %arg9[%scan3A, %get3A_569, %get3A_570] : memref<4x64x128xf32, #tpu.memory_space<vmem>> -> memref<1x64x128xf32, #tpu.memory_space<vmem>>
      %get3A_572 = tpu.memref_squeeze %get3A_571 : memref<1x64x128xf32, #tpu.memory_space<vmem>> -> memref<64x128xf32, #tpu.memory_space<vmem>>
      %get3A_573 = arith.index_cast %add3A_568 : i32 to index
      %get3A_574 = arith.constant 80 : index
      %get3A_575 = tpu.vector_load %get3A_572[%get3A_573, %get3A_574] {strides = array<i32>} : memref<64x128xf32, #tpu.memory_space<vmem>>, vector<1x16xf32>,
      %get3A_576 = vector.shape_cast %get3A_575 : vector<1x16xf32> to vector<16xf32>
      %add3A_577 = arith.addf %add3A_493, %get3A_576 : vector<16xf32>
      %add3A_578 = arith.constant 1 : i32
      %add3A_579 = arith.addi %mul3A_440, %add3A_578 : i32
      %get3A_580 = arith.constant 0 : i32
      %get3A_581 = arith.constant 0 : i32
      %get3A_582 = tpu.memref_slice %arg9[%scan3A, %get3A_580, %get3A_581] : memref<4x64x128xf32, #tpu.memory_space<vmem>> -> memref<1x64x128xf32, #tpu.memory_space<vmem>>
      %get3A_583 = tpu.memref_squeeze %get3A_582 : memref<1x64x128xf32, #tpu.memory_space<vmem>> -> memref<64x128xf32, #tpu.memory_space<vmem>>
      %get3A_584 = arith.index_cast %add3A_579 : i32 to index
      %get3A_585 = arith.constant 96 : index
      %get3A_586 = tpu.vector_load %get3A_583[%get3A_584, %get3A_585] {strides = array<i32>} : memref<64x128xf32, #tpu.memory_space<vmem>>, vector<1x16xf32>,
      %get3A_587 = vector.shape_cast %get3A_586 : vector<1x16xf32> to vector<16xf32>
      %add3A_588 = arith.addf %add3A_502, %get3A_587 : vector<16xf32>
      %add3A_589 = arith.constant 1 : i32
      %add3A_590 = arith.addi %mul3A_440, %add3A_589 : i32
      %get3A_591 = arith.constant 0 : i32
      %get3A_592 = arith.constant 0 : i32
      %get3A_593 = tpu.memref_slice %arg9[%scan3A, %get3A_591, %get3A_592] : memref<4x64x128xf32, #tpu.memory_space<vmem>> -> memref<1x64x128xf32, #tpu.memory_space<vmem>>
      %get3A_594 = tpu.memref_squeeze %get3A_593 : memref<1x64x128xf32, #tpu.memory_space<vmem>> -> memref<64x128xf32, #tpu.memory_space<vmem>>
      %get3A_595 = arith.index_cast %add3A_590 : i32 to index
      %get3A_596 = arith.constant 112 : index
      %get3A_597 = tpu.vector_load %get3A_594[%get3A_595, %get3A_596] {strides = array<i32>} : memref<64x128xf32, #tpu.memory_space<vmem>>, vector<1x16xf32>,
      %get3A_598 = vector.shape_cast %get3A_597 : vector<1x16xf32> to vector<16xf32>
      %add3A_599 = arith.addf %add3A_511, %get3A_598 : vector<16xf32>
      scf.yield %add3A_522, %add3A_533, %add3A_544, %add3A_555, %add3A_566, %add3A_577, %add3A_588, %add3A_599 : vector<16xf32>, vector<16xf32>, vector<16xf32>, vector<16xf32>, vector<16xf32>, vector<16xf32>, vector<16xf32>, vector<16xf32>
    }
    %scan3A_129 = arith.constant 32 : i32
    %dma_start3A_130 = arith.constant 0 : i32
    %dma_start3A_131 = arith.constant 0 : i32
    %dma_start3A_132 = arith.constant 0 : i32
    %dma_start3A_133 = tpu.memref_slice %arg9[%dma_start3A_130, %dma_start3A_131, %dma_start3A_132] : memref<4x64x128xf32, #tpu.memory_space<vmem>> -> memref<1x64x128xf32, #tpu.memory_space<vmem>>
    %dma_start3A_134 = tpu.memref_squeeze %dma_start3A_133 : memref<1x64x128xf32, #tpu.memory_space<vmem>> -> memref<64x128xf32, #tpu.memory_space<vmem>>
    %dma_start3A_135 = arith.constant 256 : i32
    %dma_start3A_136 = tpu.memref_slice %arg7[%dma_start3A_135] : memref<512xi32, #tpu.memory_space<vmem>> -> memref<64xi32, #tpu.memory_space<vmem>>
    %dma_start3A_137 = arith.constant 0 : i32
    %dma_start3A_138 = arith.constant 0 : i32
    %dma_start3A_139 = tpu.memref_slice %arg4[%dma_start3A_137, %dma_start3A_138] : memref<100000x128xf32, #tpu.memory_space<hbm>> -> memref<100000x128xf32, #tpu.memory_space<hbm>>
    tpu.enqueue_indirect_dma source(%dma_start3A_139 : memref<100000x128xf32, #tpu.memory_space<hbm>>) target(%dma_start3A_134 : memref<64x128xf32, #tpu.memory_space<vmem>>) offsets(%dma_start3A_136 : memref<64xi32, #tpu.memory_space<vmem>>) semaphore(%arg13 : memref<!tpu.dma_semaphore, #tpu.memory_space<semaphore_mem>>)
    %dma_start3A_140 = arith.constant 0 : i32
    %dma_start3A_141 = arith.constant 0 : i32
    %dma_start3A_142 = arith.constant 0 : i32
    %dma_start3A_143 = tpu.memref_slice %arg10[%dma_start3A_140, %dma_start3A_141, %dma_start3A_142] : memref<4x64x128xf32, #tpu.memory_space<vmem>> -> memref<1x64x128xf32, #tpu.memory_space<vmem>>
    %dma_start3A_144 = tpu.memref_squeeze %dma_start3A_143 : memref<1x64x128xf32, #tpu.memory_space<vmem>> -> memref<64x128xf32, #tpu.memory_space<vmem>>
    %dma_start3A_145 = arith.constant 256 : i32
    %dma_start3A_146 = tpu.memref_slice %arg8[%dma_start3A_145] : memref<512xi32, #tpu.memory_space<vmem>> -> memref<64xi32, #tpu.memory_space<vmem>>
    %dma_start3A_147 = arith.constant 0 : i32
    %dma_start3A_148 = arith.constant 0 : i32
    %dma_start3A_149 = tpu.memref_slice %arg5[%dma_start3A_147, %dma_start3A_148] : memref<100000x128xf32, #tpu.memory_space<hbm>> -> memref<100000x128xf32, #tpu.memory_space<hbm>>
    tpu.enqueue_indirect_dma source(%dma_start3A_149 : memref<100000x128xf32, #tpu.memory_space<hbm>>) target(%dma_start3A_144 : memref<64x128xf32, #tpu.memory_space<vmem>>) offsets(%dma_start3A_146 : memref<64xi32, #tpu.memory_space<vmem>>) semaphore(%arg13 : memref<!tpu.dma_semaphore, #tpu.memory_space<semaphore_mem>>)
    %dma_wait3A_150 = arith.constant 1 : i32
    %dma_wait3A_151 = arith.constant 0 : i32
    %dma_wait3A_152 = arith.constant 0 : i32
    %dma_wait3A_153 = tpu.memref_slice %arg9[%dma_wait3A_150, %dma_wait3A_151, %dma_wait3A_152] : memref<4x64x128xf32, #tpu.memory_space<vmem>> -> memref<1x64x128xf32, #tpu.memory_space<vmem>>
    %dma_wait3A_154 = tpu.memref_squeeze %dma_wait3A_153 : memref<1x64x128xf32, #tpu.memory_space<vmem>> -> memref<64x128xf32, #tpu.memory_space<vmem>>
    %dma_wait3A_155 = arith.constant 64 : i32
    %dma_wait3A_156 = tpu.memref_slice %arg7[%dma_wait3A_155] : memref<512xi32, #tpu.memory_space<vmem>> -> memref<64xi32, #tpu.memory_space<vmem>>
    %dma_wait3A_157 = arith.constant 0 : i32
    %dma_wait3A_158 = arith.constant 0 : i32
    %dma_wait3A_159 = tpu.memref_slice %arg4[%dma_wait3A_157, %dma_wait3A_158] : memref<100000x128xf32, #tpu.memory_space<hbm>> -> memref<100000x128xf32, #tpu.memory_space<hbm>>
    tpu.wait_indirect_dma semaphore(%arg14 : memref<!tpu.dma_semaphore, #tpu.memory_space<semaphore_mem>>) src(%dma_wait3A_159 : memref<100000x128xf32, #tpu.memory_space<hbm>>) dst(%dma_wait3A_154 : memref<64x128xf32, #tpu.memory_space<vmem>>)
    %dma_wait3A_160 = arith.constant 1 : i32
    %dma_wait3A_161 = arith.constant 0 : i32
    %dma_wait3A_162 = arith.constant 0 : i32
    %dma_wait3A_163 = tpu.memref_slice %arg10[%dma_wait3A_160, %dma_wait3A_161, %dma_wait3A_162] : memref<4x64x128xf32, #tpu.memory_space<vmem>> -> memref<1x64x128xf32, #tpu.memory_space<vmem>>
    %dma_wait3A_164 = tpu.memref_squeeze %dma_wait3A_163 : memref<1x64x128xf32, #tpu.memory_space<vmem>> -> memref<64x128xf32, #tpu.memory_space<vmem>>
    %dma_wait3A_165 = arith.constant 64 : i32
    %dma_wait3A_166 = tpu.memref_slice %arg8[%dma_wait3A_165] : memref<512xi32, #tpu.memory_space<vmem>> -> memref<64xi32, #tpu.memory_space<vmem>>
    %dma_wait3A_167 = arith.constant 0 : i32
    %dma_wait3A_168 = arith.constant 0 : i32
    %dma_wait3A_169 = tpu.memref_slice %arg5[%dma_wait3A_167, %dma_wait3A_168] : memref<100000x128xf32, #tpu.memory_space<hbm>> -> memref<100000x128xf32, #tpu.memory_space<hbm>>
    tpu.wait_indirect_dma semaphore(%arg14 : memref<!tpu.dma_semaphore, #tpu.memory_space<semaphore_mem>>) src(%dma_wait3A_169 : memref<100000x128xf32, #tpu.memory_space<hbm>>) dst(%dma_wait3A_164 : memref<64x128xf32, #tpu.memory_space<vmem>>)
    %scan3A_170 = arith.constant 1 : i32
    %scan3A_171 = arith.constant 0 : i32
    %scan3A_172 = arith.constant 32 : i32
    %scan3A_173 = arith.addi %scan3A_171, %scan3A_172 : i32
    %scan3A_174 = arith.constant 1 : i32
    %scan3A_175:8 = scf.for %scan3A_430 = %scan3A_171 to %scan3A_173 step %scan3A_174 iter_args(%scan3A_431 = %scan3A_128#0, %scan3A_432 = %scan3A_128#1, %scan3A_433 = %scan3A_128#2, %scan3A_434 = %scan3A_128#3, %scan3A_435 = %scan3A_128#4, %scan3A_436 = %scan3A_128#5, %scan3A_437 = %scan3A_128#6, %scan3A_438 = %scan3A_128#7) -> (vector<16xf32>, vector<16xf32>, vector<16xf32>, vector<16xf32>, vector<16xf32>, vector<16xf32>, vector<16xf32>, vector<16xf32>)  : i32 {
      %mul3A_439 = arith.constant 2 : i32
      %mul3A_440 = arith.muli %scan3A_430, %mul3A_439 : i32
      %get3A = arith.constant 0 : i32
      %get3A_441 = arith.constant 0 : i32
      %get3A_442 = tpu.memref_slice %arg9[%scan3A_170, %get3A, %get3A_441] : memref<4x64x128xf32, #tpu.memory_space<vmem>> -> memref<1x64x128xf32, #tpu.memory_space<vmem>>
      %get3A_443 = tpu.memref_squeeze %get3A_442 : memref<1x64x128xf32, #tpu.memory_space<vmem>> -> memref<64x128xf32, #tpu.memory_space<vmem>>
      %get3A_444 = arith.index_cast %mul3A_440 : i32 to index
      %get3A_445 = arith.constant 0 : index
      %get3A_446 = tpu.vector_load %get3A_443[%get3A_444, %get3A_445] {strides = array<i32>} : memref<64x128xf32, #tpu.memory_space<vmem>>, vector<1x16xf32>,
      %get3A_447 = vector.shape_cast %get3A_446 : vector<1x16xf32> to vector<16xf32>
      %add3A_448 = arith.addf %scan3A_431, %get3A_447 : vector<16xf32>
      %get3A_449 = arith.constant 0 : i32
      %get3A_450 = arith.constant 0 : i32
      %get3A_451 = tpu.memref_slice %arg9[%scan3A_170, %get3A_449, %get3A_450] : memref<4x64x128xf32, #tpu.memory_space<vmem>> -> memref<1x64x128xf32, #tpu.memory_space<vmem>>
      %get3A_452 = tpu.memref_squeeze %get3A_451 : memref<1x64x128xf32, #tpu.memory_space<vmem>> -> memref<64x128xf32, #tpu.memory_space<vmem>>
      %get3A_453 = arith.index_cast %mul3A_440 : i32 to index
      %get3A_454 = arith.constant 16 : index
      %get3A_455 = tpu.vector_load %get3A_452[%get3A_453, %get3A_454] {strides = array<i32>} : memref<64x128xf32, #tpu.memory_space<vmem>>, vector<1x16xf32>,
      %get3A_456 = vector.shape_cast %get3A_455 : vector<1x16xf32> to vector<16xf32>
      %add3A_457 = arith.addf %scan3A_432, %get3A_456 : vector<16xf32>
      %get3A_458 = arith.constant 0 : i32
      %get3A_459 = arith.constant 0 : i32
      %get3A_460 = tpu.memref_slice %arg9[%scan3A_170, %get3A_458, %get3A_459] : memref<4x64x128xf32, #tpu.memory_space<vmem>> -> memref<1x64x128xf32, #tpu.memory_space<vmem>>
      %get3A_461 = tpu.memref_squeeze %get3A_460 : memref<1x64x128xf32, #tpu.memory_space<vmem>> -> memref<64x128xf32, #tpu.memory_space<vmem>>
      %get3A_462 = arith.index_cast %mul3A_440 : i32 to index
      %get3A_463 = arith.constant 32 : index
      %get3A_464 = tpu.vector_load %get3A_461[%get3A_462, %get3A_463] {strides = array<i32>} : memref<64x128xf32, #tpu.memory_space<vmem>>, vector<1x16xf32>,
      %get3A_465 = vector.shape_cast %get3A_464 : vector<1x16xf32> to vector<16xf32>
      %add3A_466 = arith.addf %scan3A_433, %get3A_465 : vector<16xf32>
      %get3A_467 = arith.constant 0 : i32
      %get3A_468 = arith.constant 0 : i32
      %get3A_469 = tpu.memref_slice %arg9[%scan3A_170, %get3A_467, %get3A_468] : memref<4x64x128xf32, #tpu.memory_space<vmem>> -> memref<1x64x128xf32, #tpu.memory_space<vmem>>
      %get3A_470 = tpu.memref_squeeze %get3A_469 : memref<1x64x128xf32, #tpu.memory_space<vmem>> -> memref<64x128xf32, #tpu.memory_space<vmem>>
      %get3A_471 = arith.index_cast %mul3A_440 : i32 to index
      %get3A_472 = arith.constant 48 : index
      %get3A_473 = tpu.vector_load %get3A_470[%get3A_471, %get3A_472] {strides = array<i32>} : memref<64x128xf32, #tpu.memory_space<vmem>>, vector<1x16xf32>,
      %get3A_474 = vector.shape_cast %get3A_473 : vector<1x16xf32> to vector<16xf32>
      %add3A_475 = arith.addf %scan3A_434, %get3A_474 : vector<16xf32>
      %get3A_476 = arith.constant 0 : i32
      %get3A_477 = arith.constant 0 : i32
      %get3A_478 = tpu.memref_slice %arg9[%scan3A_170, %get3A_476, %get3A_477] : memref<4x64x128xf32, #tpu.memory_space<vmem>> -> memref<1x64x128xf32, #tpu.memory_space<vmem>>
      %get3A_479 = tpu.memref_squeeze %get3A_478 : memref<1x64x128xf32, #tpu.memory_space<vmem>> -> memref<64x128xf32, #tpu.memory_space<vmem>>
      %get3A_480 = arith.index_cast %mul3A_440 : i32 to index
      %get3A_481 = arith.constant 64 : index
      %get3A_482 = tpu.vector_load %get3A_479[%get3A_480, %get3A_481] {strides = array<i32>} : memref<64x128xf32, #tpu.memory_space<vmem>>, vector<1x16xf32>,
      %get3A_483 = vector.shape_cast %get3A_482 : vector<1x16xf32> to vector<16xf32>
      %add3A_484 = arith.addf %scan3A_435, %get3A_483 : vector<16xf32>
      %get3A_485 = arith.constant 0 : i32
      %get3A_486 = arith.constant 0 : i32
      %get3A_487 = tpu.memref_slice %arg9[%scan3A_170, %get3A_485, %get3A_486] : memref<4x64x128xf32, #tpu.memory_space<vmem>> -> memref<1x64x128xf32, #tpu.memory_space<vmem>>
      %get3A_488 = tpu.memref_squeeze %get3A_487 : memref<1x64x128xf32, #tpu.memory_space<vmem>> -> memref<64x128xf32, #tpu.memory_space<vmem>>
      %get3A_489 = arith.index_cast %mul3A_440 : i32 to index
      %get3A_490 = arith.constant 80 : index
      %get3A_491 = tpu.vector_load %get3A_488[%get3A_489, %get3A_490] {strides = array<i32>} : memref<64x128xf32, #tpu.memory_space<vmem>>, vector<1x16xf32>,
      %get3A_492 = vector.shape_cast %get3A_491 : vector<1x16xf32> to vector<16xf32>
      %add3A_493 = arith.addf %scan3A_436, %get3A_492 : vector<16xf32>
      %get3A_494 = arith.constant 0 : i32
      %get3A_495 = arith.constant 0 : i32
      %get3A_496 = tpu.memref_slice %arg9[%scan3A_170, %get3A_494, %get3A_495] : memref<4x64x128xf32, #tpu.memory_space<vmem>> -> memref<1x64x128xf32, #tpu.memory_space<vmem>>
      %get3A_497 = tpu.memref_squeeze %get3A_496 : memref<1x64x128xf32, #tpu.memory_space<vmem>> -> memref<64x128xf32, #tpu.memory_space<vmem>>
      %get3A_498 = arith.index_cast %mul3A_440 : i32 to index
      %get3A_499 = arith.constant 96 : index
      %get3A_500 = tpu.vector_load %get3A_497[%get3A_498, %get3A_499] {strides = array<i32>} : memref<64x128xf32, #tpu.memory_space<vmem>>, vector<1x16xf32>,
      %get3A_501 = vector.shape_cast %get3A_500 : vector<1x16xf32> to vector<16xf32>
      %add3A_502 = arith.addf %scan3A_437, %get3A_501 : vector<16xf32>
      %get3A_503 = arith.constant 0 : i32
      %get3A_504 = arith.constant 0 : i32
      %get3A_505 = tpu.memref_slice %arg9[%scan3A_170, %get3A_503, %get3A_504] : memref<4x64x128xf32, #tpu.memory_space<vmem>> -> memref<1x64x128xf32, #tpu.memory_space<vmem>>
      %get3A_506 = tpu.memref_squeeze %get3A_505 : memref<1x64x128xf32, #tpu.memory_space<vmem>> -> memref<64x128xf32, #tpu.memory_space<vmem>>
      %get3A_507 = arith.index_cast %mul3A_440 : i32 to index
      %get3A_508 = arith.constant 112 : index
      %get3A_509 = tpu.vector_load %get3A_506[%get3A_507, %get3A_508] {strides = array<i32>} : memref<64x128xf32, #tpu.memory_space<vmem>>, vector<1x16xf32>,
      %get3A_510 = vector.shape_cast %get3A_509 : vector<1x16xf32> to vector<16xf32>
      %add3A_511 = arith.addf %scan3A_438, %get3A_510 : vector<16xf32>
      %add3A_512 = arith.constant 1 : i32
      %add3A_513 = arith.addi %mul3A_440, %add3A_512 : i32
      %get3A_514 = arith.constant 0 : i32
      %get3A_515 = arith.constant 0 : i32
      %get3A_516 = tpu.memref_slice %arg9[%scan3A_170, %get3A_514, %get3A_515] : memref<4x64x128xf32, #tpu.memory_space<vmem>> -> memref<1x64x128xf32, #tpu.memory_space<vmem>>
      %get3A_517 = tpu.memref_squeeze %get3A_516 : memref<1x64x128xf32, #tpu.memory_space<vmem>> -> memref<64x128xf32, #tpu.memory_space<vmem>>
      %get3A_518 = arith.index_cast %add3A_513 : i32 to index
      %get3A_519 = arith.constant 0 : index
      %get3A_520 = tpu.vector_load %get3A_517[%get3A_518, %get3A_519] {strides = array<i32>} : memref<64x128xf32, #tpu.memory_space<vmem>>, vector<1x16xf32>,
      %get3A_521 = vector.shape_cast %get3A_520 : vector<1x16xf32> to vector<16xf32>
      %add3A_522 = arith.addf %add3A_448, %get3A_521 : vector<16xf32>
      %add3A_523 = arith.constant 1 : i32
      %add3A_524 = arith.addi %mul3A_440, %add3A_523 : i32
      %get3A_525 = arith.constant 0 : i32
      %get3A_526 = arith.constant 0 : i32
      %get3A_527 = tpu.memref_slice %arg9[%scan3A_170, %get3A_525, %get3A_526] : memref<4x64x128xf32, #tpu.memory_space<vmem>> -> memref<1x64x128xf32, #tpu.memory_space<vmem>>
      %get3A_528 = tpu.memref_squeeze %get3A_527 : memref<1x64x128xf32, #tpu.memory_space<vmem>> -> memref<64x128xf32, #tpu.memory_space<vmem>>
      %get3A_529 = arith.index_cast %add3A_524 : i32 to index
      %get3A_530 = arith.constant 16 : index
      %get3A_531 = tpu.vector_load %get3A_528[%get3A_529, %get3A_530] {strides = array<i32>} : memref<64x128xf32, #tpu.memory_space<vmem>>, vector<1x16xf32>,
      %get3A_532 = vector.shape_cast %get3A_531 : vector<1x16xf32> to vector<16xf32>
      %add3A_533 = arith.addf %add3A_457, %get3A_532 : vector<16xf32>
      %add3A_534 = arith.constant 1 : i32
      %add3A_535 = arith.addi %mul3A_440, %add3A_534 : i32
      %get3A_536 = arith.constant 0 : i32
      %get3A_537 = arith.constant 0 : i32
      %get3A_538 = tpu.memref_slice %arg9[%scan3A_170, %get3A_536, %get3A_537] : memref<4x64x128xf32, #tpu.memory_space<vmem>> -> memref<1x64x128xf32, #tpu.memory_space<vmem>>
      %get3A_539 = tpu.memref_squeeze %get3A_538 : memref<1x64x128xf32, #tpu.memory_space<vmem>> -> memref<64x128xf32, #tpu.memory_space<vmem>>
      %get3A_540 = arith.index_cast %add3A_535 : i32 to index
      %get3A_541 = arith.constant 32 : index
      %get3A_542 = tpu.vector_load %get3A_539[%get3A_540, %get3A_541] {strides = array<i32>} : memref<64x128xf32, #tpu.memory_space<vmem>>, vector<1x16xf32>,
      %get3A_543 = vector.shape_cast %get3A_542 : vector<1x16xf32> to vector<16xf32>
      %add3A_544 = arith.addf %add3A_466, %get3A_543 : vector<16xf32>
      %add3A_545 = arith.constant 1 : i32
      %add3A_546 = arith.addi %mul3A_440, %add3A_545 : i32
      %get3A_547 = arith.constant 0 : i32
      %get3A_548 = arith.constant 0 : i32
      %get3A_549 = tpu.memref_slice %arg9[%scan3A_170, %get3A_547, %get3A_548] : memref<4x64x128xf32, #tpu.memory_space<vmem>> -> memref<1x64x128xf32, #tpu.memory_space<vmem>>
      %get3A_550 = tpu.memref_squeeze %get3A_549 : memref<1x64x128xf32, #tpu.memory_space<vmem>> -> memref<64x128xf32, #tpu.memory_space<vmem>>
      %get3A_551 = arith.index_cast %add3A_546 : i32 to index
      %get3A_552 = arith.constant 48 : index
      %get3A_553 = tpu.vector_load %get3A_550[%get3A_551, %get3A_552] {strides = array<i32>} : memref<64x128xf32, #tpu.memory_space<vmem>>, vector<1x16xf32>,
      %get3A_554 = vector.shape_cast %get3A_553 : vector<1x16xf32> to vector<16xf32>
      %add3A_555 = arith.addf %add3A_475, %get3A_554 : vector<16xf32>
      %add3A_556 = arith.constant 1 : i32
      %add3A_557 = arith.addi %mul3A_440, %add3A_556 : i32
      %get3A_558 = arith.constant 0 : i32
      %get3A_559 = arith.constant 0 : i32
      %get3A_560 = tpu.memref_slice %arg9[%scan3A_170, %get3A_558, %get3A_559] : memref<4x64x128xf32, #tpu.memory_space<vmem>> -> memref<1x64x128xf32, #tpu.memory_space<vmem>>
      %get3A_561 = tpu.memref_squeeze %get3A_560 : memref<1x64x128xf32, #tpu.memory_space<vmem>> -> memref<64x128xf32, #tpu.memory_space<vmem>>
      %get3A_562 = arith.index_cast %add3A_557 : i32 to index
      %get3A_563 = arith.constant 64 : index
      %get3A_564 = tpu.vector_load %get3A_561[%get3A_562, %get3A_563] {strides = array<i32>} : memref<64x128xf32, #tpu.memory_space<vmem>>, vector<1x16xf32>,
      %get3A_565 = vector.shape_cast %get3A_564 : vector<1x16xf32> to vector<16xf32>
      %add3A_566 = arith.addf %add3A_484, %get3A_565 : vector<16xf32>
      %add3A_567 = arith.constant 1 : i32
      %add3A_568 = arith.addi %mul3A_440, %add3A_567 : i32
      %get3A_569 = arith.constant 0 : i32
      %get3A_570 = arith.constant 0 : i32
      %get3A_571 = tpu.memref_slice %arg9[%scan3A_170, %get3A_569, %get3A_570] : memref<4x64x128xf32, #tpu.memory_space<vmem>> -> memref<1x64x128xf32, #tpu.memory_space<vmem>>
      %get3A_572 = tpu.memref_squeeze %get3A_571 : memref<1x64x128xf32, #tpu.memory_space<vmem>> -> memref<64x128xf32, #tpu.memory_space<vmem>>
      %get3A_573 = arith.index_cast %add3A_568 : i32 to index
      %get3A_574 = arith.constant 80 : index
      %get3A_575 = tpu.vector_load %get3A_572[%get3A_573, %get3A_574] {strides = array<i32>} : memref<64x128xf32, #tpu.memory_space<vmem>>, vector<1x16xf32>,
      %get3A_576 = vector.shape_cast %get3A_575 : vector<1x16xf32> to vector<16xf32>
      %add3A_577 = arith.addf %add3A_493, %get3A_576 : vector<16xf32>
      %add3A_578 = arith.constant 1 : i32
      %add3A_579 = arith.addi %mul3A_440, %add3A_578 : i32
      %get3A_580 = arith.constant 0 : i32
      %get3A_581 = arith.constant 0 : i32
      %get3A_582 = tpu.memref_slice %arg9[%scan3A_170, %get3A_580, %get3A_581] : memref<4x64x128xf32, #tpu.memory_space<vmem>> -> memref<1x64x128xf32, #tpu.memory_space<vmem>>
      %get3A_583 = tpu.memref_squeeze %get3A_582 : memref<1x64x128xf32, #tpu.memory_space<vmem>> -> memref<64x128xf32, #tpu.memory_space<vmem>>
      %get3A_584 = arith.index_cast %add3A_579 : i32 to index
      %get3A_585 = arith.constant 96 : index
      %get3A_586 = tpu.vector_load %get3A_583[%get3A_584, %get3A_585] {strides = array<i32>} : memref<64x128xf32, #tpu.memory_space<vmem>>, vector<1x16xf32>,
      %get3A_587 = vector.shape_cast %get3A_586 : vector<1x16xf32> to vector<16xf32>
      %add3A_588 = arith.addf %add3A_502, %get3A_587 : vector<16xf32>
      %add3A_589 = arith.constant 1 : i32
      %add3A_590 = arith.addi %mul3A_440, %add3A_589 : i32
      %get3A_591 = arith.constant 0 : i32
      %get3A_592 = arith.constant 0 : i32
      %get3A_593 = tpu.memref_slice %arg9[%scan3A_170, %get3A_591, %get3A_592] : memref<4x64x128xf32, #tpu.memory_space<vmem>> -> memref<1x64x128xf32, #tpu.memory_space<vmem>>
      %get3A_594 = tpu.memref_squeeze %get3A_593 : memref<1x64x128xf32, #tpu.memory_space<vmem>> -> memref<64x128xf32, #tpu.memory_space<vmem>>
      %get3A_595 = arith.index_cast %add3A_590 : i32 to index
      %get3A_596 = arith.constant 112 : index
      %get3A_597 = tpu.vector_load %get3A_594[%get3A_595, %get3A_596] {strides = array<i32>} : memref<64x128xf32, #tpu.memory_space<vmem>>, vector<1x16xf32>,
      %get3A_598 = vector.shape_cast %get3A_597 : vector<1x16xf32> to vector<16xf32>
      %add3A_599 = arith.addf %add3A_511, %get3A_598 : vector<16xf32>
      scf.yield %add3A_522, %add3A_533, %add3A_544, %add3A_555, %add3A_566, %add3A_577, %add3A_588, %add3A_599 : vector<16xf32>, vector<16xf32>, vector<16xf32>, vector<16xf32>, vector<16xf32>, vector<16xf32>, vector<16xf32>, vector<16xf32>
    }
    %scan3A_176 = arith.constant 32 : i32
    %dma_start3A_177 = arith.constant 1 : i32
    %dma_start3A_178 = arith.constant 0 : i32
    %dma_start3A_179 = arith.constant 0 : i32
    %dma_start3A_180 = tpu.memref_slice %arg9[%dma_start3A_177, %dma_start3A_178, %dma_start3A_179] : memref<4x64x128xf32, #tpu.memory_space<vmem>> -> memref<1x64x128xf32, #tpu.memory_space<vmem>>
    %dma_start3A_181 = tpu.memref_squeeze %dma_start3A_180 : memref<1x64x128xf32, #tpu.memory_space<vmem>> -> memref<64x128xf32, #tpu.memory_space<vmem>>
    %dma_start3A_182 = arith.constant 320 : i32
    %dma_start3A_183 = tpu.memref_slice %arg7[%dma_start3A_182] : memref<512xi32, #tpu.memory_space<vmem>> -> memref<64xi32, #tpu.memory_space<vmem>>
    %dma_start3A_184 = arith.constant 0 : i32
    %dma_start3A_185 = arith.constant 0 : i32
    %dma_start3A_186 = tpu.memref_slice %arg4[%dma_start3A_184, %dma_start3A_185] : memref<100000x128xf32, #tpu.memory_space<hbm>> -> memref<100000x128xf32, #tpu.memory_space<hbm>>
    tpu.enqueue_indirect_dma source(%dma_start3A_186 : memref<100000x128xf32, #tpu.memory_space<hbm>>) target(%dma_start3A_181 : memref<64x128xf32, #tpu.memory_space<vmem>>) offsets(%dma_start3A_183 : memref<64xi32, #tpu.memory_space<vmem>>) semaphore(%arg14 : memref<!tpu.dma_semaphore, #tpu.memory_space<semaphore_mem>>)
    %dma_start3A_187 = arith.constant 1 : i32
    %dma_start3A_188 = arith.constant 0 : i32
    %dma_start3A_189 = arith.constant 0 : i32
    %dma_start3A_190 = tpu.memref_slice %arg10[%dma_start3A_187, %dma_start3A_188, %dma_start3A_189] : memref<4x64x128xf32, #tpu.memory_space<vmem>> -> memref<1x64x128xf32, #tpu.memory_space<vmem>>
    %dma_start3A_191 = tpu.memref_squeeze %dma_start3A_190 : memref<1x64x128xf32, #tpu.memory_space<vmem>> -> memref<64x128xf32, #tpu.memory_space<vmem>>
    %dma_start3A_192 = arith.constant 320 : i32
    %dma_start3A_193 = tpu.memref_slice %arg8[%dma_start3A_192] : memref<512xi32, #tpu.memory_space<vmem>> -> memref<64xi32, #tpu.memory_space<vmem>>
    %dma_start3A_194 = arith.constant 0 : i32
    %dma_start3A_195 = arith.constant 0 : i32
    %dma_start3A_196 = tpu.memref_slice %arg5[%dma_start3A_194, %dma_start3A_195] : memref<100000x128xf32, #tpu.memory_space<hbm>> -> memref<100000x128xf32, #tpu.memory_space<hbm>>
    tpu.enqueue_indirect_dma source(%dma_start3A_196 : memref<100000x128xf32, #tpu.memory_space<hbm>>) target(%dma_start3A_191 : memref<64x128xf32, #tpu.memory_space<vmem>>) offsets(%dma_start3A_193 : memref<64xi32, #tpu.memory_space<vmem>>) semaphore(%arg14 : memref<!tpu.dma_semaphore, #tpu.memory_space<semaphore_mem>>)
    %dma_wait3A_197 = arith.constant 2 : i32
    %dma_wait3A_198 = arith.constant 0 : i32
    %dma_wait3A_199 = arith.constant 0 : i32
    %dma_wait3A_200 = tpu.memref_slice %arg9[%dma_wait3A_197, %dma_wait3A_198, %dma_wait3A_199] : memref<4x64x128xf32, #tpu.memory_space<vmem>> -> memref<1x64x128xf32, #tpu.memory_space<vmem>>
    %dma_wait3A_201 = tpu.memref_squeeze %dma_wait3A_200 : memref<1x64x128xf32, #tpu.memory_space<vmem>> -> memref<64x128xf32, #tpu.memory_space<vmem>>
    %dma_wait3A_202 = arith.constant 128 : i32
    %dma_wait3A_203 = tpu.memref_slice %arg7[%dma_wait3A_202] : memref<512xi32, #tpu.memory_space<vmem>> -> memref<64xi32, #tpu.memory_space<vmem>>
    %dma_wait3A_204 = arith.constant 0 : i32
    %dma_wait3A_205 = arith.constant 0 : i32
    %dma_wait3A_206 = tpu.memref_slice %arg4[%dma_wait3A_204, %dma_wait3A_205] : memref<100000x128xf32, #tpu.memory_space<hbm>> -> memref<100000x128xf32, #tpu.memory_space<hbm>>
    tpu.wait_indirect_dma semaphore(%arg15 : memref<!tpu.dma_semaphore, #tpu.memory_space<semaphore_mem>>) src(%dma_wait3A_206 : memref<100000x128xf32, #tpu.memory_space<hbm>>) dst(%dma_wait3A_201 : memref<64x128xf32, #tpu.memory_space<vmem>>)
    %dma_wait3A_207 = arith.constant 2 : i32
    %dma_wait3A_208 = arith.constant 0 : i32
    %dma_wait3A_209 = arith.constant 0 : i32
    %dma_wait3A_210 = tpu.memref_slice %arg10[%dma_wait3A_207, %dma_wait3A_208, %dma_wait3A_209] : memref<4x64x128xf32, #tpu.memory_space<vmem>> -> memref<1x64x128xf32, #tpu.memory_space<vmem>>
    %dma_wait3A_211 = tpu.memref_squeeze %dma_wait3A_210 : memref<1x64x128xf32, #tpu.memory_space<vmem>> -> memref<64x128xf32, #tpu.memory_space<vmem>>
    %dma_wait3A_212 = arith.constant 128 : i32
    %dma_wait3A_213 = tpu.memref_slice %arg8[%dma_wait3A_212] : memref<512xi32, #tpu.memory_space<vmem>> -> memref<64xi32, #tpu.memory_space<vmem>>
    %dma_wait3A_214 = arith.constant 0 : i32
    %dma_wait3A_215 = arith.constant 0 : i32
    %dma_wait3A_216 = tpu.memref_slice %arg5[%dma_wait3A_214, %dma_wait3A_215] : memref<100000x128xf32, #tpu.memory_space<hbm>> -> memref<100000x128xf32, #tpu.memory_space<hbm>>
    tpu.wait_indirect_dma semaphore(%arg15 : memref<!tpu.dma_semaphore, #tpu.memory_space<semaphore_mem>>) src(%dma_wait3A_216 : memref<100000x128xf32, #tpu.memory_space<hbm>>) dst(%dma_wait3A_211 : memref<64x128xf32, #tpu.memory_space<vmem>>)
    %scan3A_217 = arith.constant 2 : i32
    %scan3A_218 = arith.constant 0 : i32
    %scan3A_219 = arith.constant 32 : i32
    %scan3A_220 = arith.addi %scan3A_218, %scan3A_219 : i32
    %scan3A_221 = arith.constant 1 : i32
    %scan3A_222:8 = scf.for %scan3A_430 = %scan3A_218 to %scan3A_220 step %scan3A_221 iter_args(%scan3A_431 = %scan3A_175#0, %scan3A_432 = %scan3A_175#1, %scan3A_433 = %scan3A_175#2, %scan3A_434 = %scan3A_175#3, %scan3A_435 = %scan3A_175#4, %scan3A_436 = %scan3A_175#5, %scan3A_437 = %scan3A_175#6, %scan3A_438 = %scan3A_175#7) -> (vector<16xf32>, vector<16xf32>, vector<16xf32>, vector<16xf32>, vector<16xf32>, vector<16xf32>, vector<16xf32>, vector<16xf32>)  : i32 {
      %mul3A_439 = arith.constant 2 : i32
      %mul3A_440 = arith.muli %scan3A_430, %mul3A_439 : i32
      %get3A = arith.constant 0 : i32
      %get3A_441 = arith.constant 0 : i32
      %get3A_442 = tpu.memref_slice %arg9[%scan3A_217, %get3A, %get3A_441] : memref<4x64x128xf32, #tpu.memory_space<vmem>> -> memref<1x64x128xf32, #tpu.memory_space<vmem>>
      %get3A_443 = tpu.memref_squeeze %get3A_442 : memref<1x64x128xf32, #tpu.memory_space<vmem>> -> memref<64x128xf32, #tpu.memory_space<vmem>>
      %get3A_444 = arith.index_cast %mul3A_440 : i32 to index
      %get3A_445 = arith.constant 0 : index
      %get3A_446 = tpu.vector_load %get3A_443[%get3A_444, %get3A_445] {strides = array<i32>} : memref<64x128xf32, #tpu.memory_space<vmem>>, vector<1x16xf32>,
      %get3A_447 = vector.shape_cast %get3A_446 : vector<1x16xf32> to vector<16xf32>
      %add3A_448 = arith.addf %scan3A_431, %get3A_447 : vector<16xf32>
      %get3A_449 = arith.constant 0 : i32
      %get3A_450 = arith.constant 0 : i32
      %get3A_451 = tpu.memref_slice %arg9[%scan3A_217, %get3A_449, %get3A_450] : memref<4x64x128xf32, #tpu.memory_space<vmem>> -> memref<1x64x128xf32, #tpu.memory_space<vmem>>
      %get3A_452 = tpu.memref_squeeze %get3A_451 : memref<1x64x128xf32, #tpu.memory_space<vmem>> -> memref<64x128xf32, #tpu.memory_space<vmem>>
      %get3A_453 = arith.index_cast %mul3A_440 : i32 to index
      %get3A_454 = arith.constant 16 : index
      %get3A_455 = tpu.vector_load %get3A_452[%get3A_453, %get3A_454] {strides = array<i32>} : memref<64x128xf32, #tpu.memory_space<vmem>>, vector<1x16xf32>,
      %get3A_456 = vector.shape_cast %get3A_455 : vector<1x16xf32> to vector<16xf32>
      %add3A_457 = arith.addf %scan3A_432, %get3A_456 : vector<16xf32>
      %get3A_458 = arith.constant 0 : i32
      %get3A_459 = arith.constant 0 : i32
      %get3A_460 = tpu.memref_slice %arg9[%scan3A_217, %get3A_458, %get3A_459] : memref<4x64x128xf32, #tpu.memory_space<vmem>> -> memref<1x64x128xf32, #tpu.memory_space<vmem>>
      %get3A_461 = tpu.memref_squeeze %get3A_460 : memref<1x64x128xf32, #tpu.memory_space<vmem>> -> memref<64x128xf32, #tpu.memory_space<vmem>>
      %get3A_462 = arith.index_cast %mul3A_440 : i32 to index
      %get3A_463 = arith.constant 32 : index
      %get3A_464 = tpu.vector_load %get3A_461[%get3A_462, %get3A_463] {strides = array<i32>} : memref<64x128xf32, #tpu.memory_space<vmem>>, vector<1x16xf32>,
      %get3A_465 = vector.shape_cast %get3A_464 : vector<1x16xf32> to vector<16xf32>
      %add3A_466 = arith.addf %scan3A_433, %get3A_465 : vector<16xf32>
      %get3A_467 = arith.constant 0 : i32
      %get3A_468 = arith.constant 0 : i32
      %get3A_469 = tpu.memref_slice %arg9[%scan3A_217, %get3A_467, %get3A_468] : memref<4x64x128xf32, #tpu.memory_space<vmem>> -> memref<1x64x128xf32, #tpu.memory_space<vmem>>
      %get3A_470 = tpu.memref_squeeze %get3A_469 : memref<1x64x128xf32, #tpu.memory_space<vmem>> -> memref<64x128xf32, #tpu.memory_space<vmem>>
      %get3A_471 = arith.index_cast %mul3A_440 : i32 to index
      %get3A_472 = arith.constant 48 : index
      %get3A_473 = tpu.vector_load %get3A_470[%get3A_471, %get3A_472] {strides = array<i32>} : memref<64x128xf32, #tpu.memory_space<vmem>>, vector<1x16xf32>,
      %get3A_474 = vector.shape_cast %get3A_473 : vector<1x16xf32> to vector<16xf32>
      %add3A_475 = arith.addf %scan3A_434, %get3A_474 : vector<16xf32>
      %get3A_476 = arith.constant 0 : i32
      %get3A_477 = arith.constant 0 : i32
      %get3A_478 = tpu.memref_slice %arg9[%scan3A_217, %get3A_476, %get3A_477] : memref<4x64x128xf32, #tpu.memory_space<vmem>> -> memref<1x64x128xf32, #tpu.memory_space<vmem>>
      %get3A_479 = tpu.memref_squeeze %get3A_478 : memref<1x64x128xf32, #tpu.memory_space<vmem>> -> memref<64x128xf32, #tpu.memory_space<vmem>>
      %get3A_480 = arith.index_cast %mul3A_440 : i32 to index
      %get3A_481 = arith.constant 64 : index
      %get3A_482 = tpu.vector_load %get3A_479[%get3A_480, %get3A_481] {strides = array<i32>} : memref<64x128xf32, #tpu.memory_space<vmem>>, vector<1x16xf32>,
      %get3A_483 = vector.shape_cast %get3A_482 : vector<1x16xf32> to vector<16xf32>
      %add3A_484 = arith.addf %scan3A_435, %get3A_483 : vector<16xf32>
      %get3A_485 = arith.constant 0 : i32
      %get3A_486 = arith.constant 0 : i32
      %get3A_487 = tpu.memref_slice %arg9[%scan3A_217, %get3A_485, %get3A_486] : memref<4x64x128xf32, #tpu.memory_space<vmem>> -> memref<1x64x128xf32, #tpu.memory_space<vmem>>
      %get3A_488 = tpu.memref_squeeze %get3A_487 : memref<1x64x128xf32, #tpu.memory_space<vmem>> -> memref<64x128xf32, #tpu.memory_space<vmem>>
      %get3A_489 = arith.index_cast %mul3A_440 : i32 to index
      %get3A_490 = arith.constant 80 : index
      %get3A_491 = tpu.vector_load %get3A_488[%get3A_489, %get3A_490] {strides = array<i32>} : memref<64x128xf32, #tpu.memory_space<vmem>>, vector<1x16xf32>,
      %get3A_492 = vector.shape_cast %get3A_491 : vector<1x16xf32> to vector<16xf32>
      %add3A_493 = arith.addf %scan3A_436, %get3A_492 : vector<16xf32>
      %get3A_494 = arith.constant 0 : i32
      %get3A_495 = arith.constant 0 : i32
      %get3A_496 = tpu.memref_slice %arg9[%scan3A_217, %get3A_494, %get3A_495] : memref<4x64x128xf32, #tpu.memory_space<vmem>> -> memref<1x64x128xf32, #tpu.memory_space<vmem>>
      %get3A_497 = tpu.memref_squeeze %get3A_496 : memref<1x64x128xf32, #tpu.memory_space<vmem>> -> memref<64x128xf32, #tpu.memory_space<vmem>>
      %get3A_498 = arith.index_cast %mul3A_440 : i32 to index
      %get3A_499 = arith.constant 96 : index
      %get3A_500 = tpu.vector_load %get3A_497[%get3A_498, %get3A_499] {strides = array<i32>} : memref<64x128xf32, #tpu.memory_space<vmem>>, vector<1x16xf32>,
      %get3A_501 = vector.shape_cast %get3A_500 : vector<1x16xf32> to vector<16xf32>
      %add3A_502 = arith.addf %scan3A_437, %get3A_501 : vector<16xf32>
      %get3A_503 = arith.constant 0 : i32
      %get3A_504 = arith.constant 0 : i32
      %get3A_505 = tpu.memref_slice %arg9[%scan3A_217, %get3A_503, %get3A_504] : memref<4x64x128xf32, #tpu.memory_space<vmem>> -> memref<1x64x128xf32, #tpu.memory_space<vmem>>
      %get3A_506 = tpu.memref_squeeze %get3A_505 : memref<1x64x128xf32, #tpu.memory_space<vmem>> -> memref<64x128xf32, #tpu.memory_space<vmem>>
      %get3A_507 = arith.index_cast %mul3A_440 : i32 to index
      %get3A_508 = arith.constant 112 : index
      %get3A_509 = tpu.vector_load %get3A_506[%get3A_507, %get3A_508] {strides = array<i32>} : memref<64x128xf32, #tpu.memory_space<vmem>>, vector<1x16xf32>,
      %get3A_510 = vector.shape_cast %get3A_509 : vector<1x16xf32> to vector<16xf32>
      %add3A_511 = arith.addf %scan3A_438, %get3A_510 : vector<16xf32>
      %add3A_512 = arith.constant 1 : i32
      %add3A_513 = arith.addi %mul3A_440, %add3A_512 : i32
      %get3A_514 = arith.constant 0 : i32
      %get3A_515 = arith.constant 0 : i32
      %get3A_516 = tpu.memref_slice %arg9[%scan3A_217, %get3A_514, %get3A_515] : memref<4x64x128xf32, #tpu.memory_space<vmem>> -> memref<1x64x128xf32, #tpu.memory_space<vmem>>
      %get3A_517 = tpu.memref_squeeze %get3A_516 : memref<1x64x128xf32, #tpu.memory_space<vmem>> -> memref<64x128xf32, #tpu.memory_space<vmem>>
      %get3A_518 = arith.index_cast %add3A_513 : i32 to index
      %get3A_519 = arith.constant 0 : index
      %get3A_520 = tpu.vector_load %get3A_517[%get3A_518, %get3A_519] {strides = array<i32>} : memref<64x128xf32, #tpu.memory_space<vmem>>, vector<1x16xf32>,
      %get3A_521 = vector.shape_cast %get3A_520 : vector<1x16xf32> to vector<16xf32>
      %add3A_522 = arith.addf %add3A_448, %get3A_521 : vector<16xf32>
      %add3A_523 = arith.constant 1 : i32
      %add3A_524 = arith.addi %mul3A_440, %add3A_523 : i32
      %get3A_525 = arith.constant 0 : i32
      %get3A_526 = arith.constant 0 : i32
      %get3A_527 = tpu.memref_slice %arg9[%scan3A_217, %get3A_525, %get3A_526] : memref<4x64x128xf32, #tpu.memory_space<vmem>> -> memref<1x64x128xf32, #tpu.memory_space<vmem>>
      %get3A_528 = tpu.memref_squeeze %get3A_527 : memref<1x64x128xf32, #tpu.memory_space<vmem>> -> memref<64x128xf32, #tpu.memory_space<vmem>>
      %get3A_529 = arith.index_cast %add3A_524 : i32 to index
      %get3A_530 = arith.constant 16 : index
      %get3A_531 = tpu.vector_load %get3A_528[%get3A_529, %get3A_530] {strides = array<i32>} : memref<64x128xf32, #tpu.memory_space<vmem>>, vector<1x16xf32>,
      %get3A_532 = vector.shape_cast %get3A_531 : vector<1x16xf32> to vector<16xf32>
      %add3A_533 = arith.addf %add3A_457, %get3A_532 : vector<16xf32>
      %add3A_534 = arith.constant 1 : i32
      %add3A_535 = arith.addi %mul3A_440, %add3A_534 : i32
      %get3A_536 = arith.constant 0 : i32
      %get3A_537 = arith.constant 0 : i32
      %get3A_538 = tpu.memref_slice %arg9[%scan3A_217, %get3A_536, %get3A_537] : memref<4x64x128xf32, #tpu.memory_space<vmem>> -> memref<1x64x128xf32, #tpu.memory_space<vmem>>
      %get3A_539 = tpu.memref_squeeze %get3A_538 : memref<1x64x128xf32, #tpu.memory_space<vmem>> -> memref<64x128xf32, #tpu.memory_space<vmem>>
      %get3A_540 = arith.index_cast %add3A_535 : i32 to index
      %get3A_541 = arith.constant 32 : index
      %get3A_542 = tpu.vector_load %get3A_539[%get3A_540, %get3A_541] {strides = array<i32>} : memref<64x128xf32, #tpu.memory_space<vmem>>, vector<1x16xf32>,
      %get3A_543 = vector.shape_cast %get3A_542 : vector<1x16xf32> to vector<16xf32>
      %add3A_544 = arith.addf %add3A_466, %get3A_543 : vector<16xf32>
      %add3A_545 = arith.constant 1 : i32
      %add3A_546 = arith.addi %mul3A_440, %add3A_545 : i32
      %get3A_547 = arith.constant 0 : i32
      %get3A_548 = arith.constant 0 : i32
      %get3A_549 = tpu.memref_slice %arg9[%scan3A_217, %get3A_547, %get3A_548] : memref<4x64x128xf32, #tpu.memory_space<vmem>> -> memref<1x64x128xf32, #tpu.memory_space<vmem>>
      %get3A_550 = tpu.memref_squeeze %get3A_549 : memref<1x64x128xf32, #tpu.memory_space<vmem>> -> memref<64x128xf32, #tpu.memory_space<vmem>>
      %get3A_551 = arith.index_cast %add3A_546 : i32 to index
      %get3A_552 = arith.constant 48 : index
      %get3A_553 = tpu.vector_load %get3A_550[%get3A_551, %get3A_552] {strides = array<i32>} : memref<64x128xf32, #tpu.memory_space<vmem>>, vector<1x16xf32>,
      %get3A_554 = vector.shape_cast %get3A_553 : vector<1x16xf32> to vector<16xf32>
      %add3A_555 = arith.addf %add3A_475, %get3A_554 : vector<16xf32>
      %add3A_556 = arith.constant 1 : i32
      %add3A_557 = arith.addi %mul3A_440, %add3A_556 : i32
      %get3A_558 = arith.constant 0 : i32
      %get3A_559 = arith.constant 0 : i32
      %get3A_560 = tpu.memref_slice %arg9[%scan3A_217, %get3A_558, %get3A_559] : memref<4x64x128xf32, #tpu.memory_space<vmem>> -> memref<1x64x128xf32, #tpu.memory_space<vmem>>
      %get3A_561 = tpu.memref_squeeze %get3A_560 : memref<1x64x128xf32, #tpu.memory_space<vmem>> -> memref<64x128xf32, #tpu.memory_space<vmem>>
      %get3A_562 = arith.index_cast %add3A_557 : i32 to index
      %get3A_563 = arith.constant 64 : index
      %get3A_564 = tpu.vector_load %get3A_561[%get3A_562, %get3A_563] {strides = array<i32>} : memref<64x128xf32, #tpu.memory_space<vmem>>, vector<1x16xf32>,
      %get3A_565 = vector.shape_cast %get3A_564 : vector<1x16xf32> to vector<16xf32>
      %add3A_566 = arith.addf %add3A_484, %get3A_565 : vector<16xf32>
      %add3A_567 = arith.constant 1 : i32
      %add3A_568 = arith.addi %mul3A_440, %add3A_567 : i32
      %get3A_569 = arith.constant 0 : i32
      %get3A_570 = arith.constant 0 : i32
      %get3A_571 = tpu.memref_slice %arg9[%scan3A_217, %get3A_569, %get3A_570] : memref<4x64x128xf32, #tpu.memory_space<vmem>> -> memref<1x64x128xf32, #tpu.memory_space<vmem>>
      %get3A_572 = tpu.memref_squeeze %get3A_571 : memref<1x64x128xf32, #tpu.memory_space<vmem>> -> memref<64x128xf32, #tpu.memory_space<vmem>>
      %get3A_573 = arith.index_cast %add3A_568 : i32 to index
      %get3A_574 = arith.constant 80 : index
      %get3A_575 = tpu.vector_load %get3A_572[%get3A_573, %get3A_574] {strides = array<i32>} : memref<64x128xf32, #tpu.memory_space<vmem>>, vector<1x16xf32>,
      %get3A_576 = vector.shape_cast %get3A_575 : vector<1x16xf32> to vector<16xf32>
      %add3A_577 = arith.addf %add3A_493, %get3A_576 : vector<16xf32>
      %add3A_578 = arith.constant 1 : i32
      %add3A_579 = arith.addi %mul3A_440, %add3A_578 : i32
      %get3A_580 = arith.constant 0 : i32
      %get3A_581 = arith.constant 0 : i32
      %get3A_582 = tpu.memref_slice %arg9[%scan3A_217, %get3A_580, %get3A_581] : memref<4x64x128xf32, #tpu.memory_space<vmem>> -> memref<1x64x128xf32, #tpu.memory_space<vmem>>
      %get3A_583 = tpu.memref_squeeze %get3A_582 : memref<1x64x128xf32, #tpu.memory_space<vmem>> -> memref<64x128xf32, #tpu.memory_space<vmem>>
      %get3A_584 = arith.index_cast %add3A_579 : i32 to index
      %get3A_585 = arith.constant 96 : index
      %get3A_586 = tpu.vector_load %get3A_583[%get3A_584, %get3A_585] {strides = array<i32>} : memref<64x128xf32, #tpu.memory_space<vmem>>, vector<1x16xf32>,
      %get3A_587 = vector.shape_cast %get3A_586 : vector<1x16xf32> to vector<16xf32>
      %add3A_588 = arith.addf %add3A_502, %get3A_587 : vector<16xf32>
      %add3A_589 = arith.constant 1 : i32
      %add3A_590 = arith.addi %mul3A_440, %add3A_589 : i32
      %get3A_591 = arith.constant 0 : i32
      %get3A_592 = arith.constant 0 : i32
      %get3A_593 = tpu.memref_slice %arg9[%scan3A_217, %get3A_591, %get3A_592] : memref<4x64x128xf32, #tpu.memory_space<vmem>> -> memref<1x64x128xf32, #tpu.memory_space<vmem>>
      %get3A_594 = tpu.memref_squeeze %get3A_593 : memref<1x64x128xf32, #tpu.memory_space<vmem>> -> memref<64x128xf32, #tpu.memory_space<vmem>>
      %get3A_595 = arith.index_cast %add3A_590 : i32 to index
      %get3A_596 = arith.constant 112 : index
      %get3A_597 = tpu.vector_load %get3A_594[%get3A_595, %get3A_596] {strides = array<i32>} : memref<64x128xf32, #tpu.memory_space<vmem>>, vector<1x16xf32>,
      %get3A_598 = vector.shape_cast %get3A_597 : vector<1x16xf32> to vector<16xf32>
      %add3A_599 = arith.addf %add3A_511, %get3A_598 : vector<16xf32>
      scf.yield %add3A_522, %add3A_533, %add3A_544, %add3A_555, %add3A_566, %add3A_577, %add3A_588, %add3A_599 : vector<16xf32>, vector<16xf32>, vector<16xf32>, vector<16xf32>, vector<16xf32>, vector<16xf32>, vector<16xf32>, vector<16xf32>
    }
    %scan3A_223 = arith.constant 32 : i32
    %dma_start3A_224 = arith.constant 2 : i32
    %dma_start3A_225 = arith.constant 0 : i32
    %dma_start3A_226 = arith.constant 0 : i32
    %dma_start3A_227 = tpu.memref_slice %arg9[%dma_start3A_224, %dma_start3A_225, %dma_start3A_226] : memref<4x64x128xf32, #tpu.memory_space<vmem>> -> memref<1x64x128xf32, #tpu.memory_space<vmem>>
    %dma_start3A_228 = tpu.memref_squeeze %dma_start3A_227 : memref<1x64x128xf32, #tpu.memory_space<vmem>> -> memref<64x128xf32, #tpu.memory_space<vmem>>
    %dma_start3A_229 = arith.constant 384 : i32
    %dma_start3A_230 = tpu.memref_slice %arg7[%dma_start3A_229] : memref<512xi32, #tpu.memory_space<vmem>> -> memref<64xi32, #tpu.memory_space<vmem>>
    %dma_start3A_231 = arith.constant 0 : i32
    %dma_start3A_232 = arith.constant 0 : i32
    %dma_start3A_233 = tpu.memref_slice %arg4[%dma_start3A_231, %dma_start3A_232] : memref<100000x128xf32, #tpu.memory_space<hbm>> -> memref<100000x128xf32, #tpu.memory_space<hbm>>
    tpu.enqueue_indirect_dma source(%dma_start3A_233 : memref<100000x128xf32, #tpu.memory_space<hbm>>) target(%dma_start3A_228 : memref<64x128xf32, #tpu.memory_space<vmem>>) offsets(%dma_start3A_230 : memref<64xi32, #tpu.memory_space<vmem>>) semaphore(%arg15 : memref<!tpu.dma_semaphore, #tpu.memory_space<semaphore_mem>>)
    %dma_start3A_234 = arith.constant 2 : i32
    %dma_start3A_235 = arith.constant 0 : i32
    %dma_start3A_236 = arith.constant 0 : i32
    %dma_start3A_237 = tpu.memref_slice %arg10[%dma_start3A_234, %dma_start3A_235, %dma_start3A_236] : memref<4x64x128xf32, #tpu.memory_space<vmem>> -> memref<1x64x128xf32, #tpu.memory_space<vmem>>
    %dma_start3A_238 = tpu.memref_squeeze %dma_start3A_237 : memref<1x64x128xf32, #tpu.memory_space<vmem>> -> memref<64x128xf32, #tpu.memory_space<vmem>>
    %dma_start3A_239 = arith.constant 384 : i32
    %dma_start3A_240 = tpu.memref_slice %arg8[%dma_start3A_239] : memref<512xi32, #tpu.memory_space<vmem>> -> memref<64xi32, #tpu.memory_space<vmem>>
    %dma_start3A_241 = arith.constant 0 : i32
    %dma_start3A_242 = arith.constant 0 : i32
    %dma_start3A_243 = tpu.memref_slice %arg5[%dma_start3A_241, %dma_start3A_242] : memref<100000x128xf32, #tpu.memory_space<hbm>> -> memref<100000x128xf32, #tpu.memory_space<hbm>>
    tpu.enqueue_indirect_dma source(%dma_start3A_243 : memref<100000x128xf32, #tpu.memory_space<hbm>>) target(%dma_start3A_238 : memref<64x128xf32, #tpu.memory_space<vmem>>) offsets(%dma_start3A_240 : memref<64xi32, #tpu.memory_space<vmem>>) semaphore(%arg15 : memref<!tpu.dma_semaphore, #tpu.memory_space<semaphore_mem>>)
    %dma_wait3A_244 = arith.constant 3 : i32
    %dma_wait3A_245 = arith.constant 0 : i32
    %dma_wait3A_246 = arith.constant 0 : i32
    %dma_wait3A_247 = tpu.memref_slice %arg9[%dma_wait3A_244, %dma_wait3A_245, %dma_wait3A_246] : memref<4x64x128xf32, #tpu.memory_space<vmem>> -> memref<1x64x128xf32, #tpu.memory_space<vmem>>
    %dma_wait3A_248 = tpu.memref_squeeze %dma_wait3A_247 : memref<1x64x128xf32, #tpu.memory_space<vmem>> -> memref<64x128xf32, #tpu.memory_space<vmem>>
    %dma_wait3A_249 = arith.constant 192 : i32
    %dma_wait3A_250 = tpu.memref_slice %arg7[%dma_wait3A_249] : memref<512xi32, #tpu.memory_space<vmem>> -> memref<64xi32, #tpu.memory_space<vmem>>
    %dma_wait3A_251 = arith.constant 0 : i32
    %dma_wait3A_252 = arith.constant 0 : i32
    %dma_wait3A_253 = tpu.memref_slice %arg4[%dma_wait3A_251, %dma_wait3A_252] : memref<100000x128xf32, #tpu.memory_space<hbm>> -> memref<100000x128xf32, #tpu.memory_space<hbm>>
    tpu.wait_indirect_dma semaphore(%arg16 : memref<!tpu.dma_semaphore, #tpu.memory_space<semaphore_mem>>) src(%dma_wait3A_253 : memref<100000x128xf32, #tpu.memory_space<hbm>>) dst(%dma_wait3A_248 : memref<64x128xf32, #tpu.memory_space<vmem>>)
    %dma_wait3A_254 = arith.constant 3 : i32
    %dma_wait3A_255 = arith.constant 0 : i32
    %dma_wait3A_256 = arith.constant 0 : i32
    %dma_wait3A_257 = tpu.memref_slice %arg10[%dma_wait3A_254, %dma_wait3A_255, %dma_wait3A_256] : memref<4x64x128xf32, #tpu.memory_space<vmem>> -> memref<1x64x128xf32, #tpu.memory_space<vmem>>
    %dma_wait3A_258 = tpu.memref_squeeze %dma_wait3A_257 : memref<1x64x128xf32, #tpu.memory_space<vmem>> -> memref<64x128xf32, #tpu.memory_space<vmem>>
    %dma_wait3A_259 = arith.constant 192 : i32
    %dma_wait3A_260 = tpu.memref_slice %arg8[%dma_wait3A_259] : memref<512xi32, #tpu.memory_space<vmem>> -> memref<64xi32, #tpu.memory_space<vmem>>
    %dma_wait3A_261 = arith.constant 0 : i32
    %dma_wait3A_262 = arith.constant 0 : i32
    %dma_wait3A_263 = tpu.memref_slice %arg5[%dma_wait3A_261, %dma_wait3A_262] : memref<100000x128xf32, #tpu.memory_space<hbm>> -> memref<100000x128xf32, #tpu.memory_space<hbm>>
    tpu.wait_indirect_dma semaphore(%arg16 : memref<!tpu.dma_semaphore, #tpu.memory_space<semaphore_mem>>) src(%dma_wait3A_263 : memref<100000x128xf32, #tpu.memory_space<hbm>>) dst(%dma_wait3A_258 : memref<64x128xf32, #tpu.memory_space<vmem>>)
    %scan3A_264 = arith.constant 3 : i32
    %scan3A_265 = arith.constant 0 : i32
    %scan3A_266 = arith.constant 32 : i32
    %scan3A_267 = arith.addi %scan3A_265, %scan3A_266 : i32
    %scan3A_268 = arith.constant 1 : i32
    %scan3A_269:8 = scf.for %scan3A_430 = %scan3A_265 to %scan3A_267 step %scan3A_268 iter_args(%scan3A_431 = %scan3A_222#0, %scan3A_432 = %scan3A_222#1, %scan3A_433 = %scan3A_222#2, %scan3A_434 = %scan3A_222#3, %scan3A_435 = %scan3A_222#4, %scan3A_436 = %scan3A_222#5, %scan3A_437 = %scan3A_222#6, %scan3A_438 = %scan3A_222#7) -> (vector<16xf32>, vector<16xf32>, vector<16xf32>, vector<16xf32>, vector<16xf32>, vector<16xf32>, vector<16xf32>, vector<16xf32>)  : i32 {
      %mul3A_439 = arith.constant 2 : i32
      %mul3A_440 = arith.muli %scan3A_430, %mul3A_439 : i32
      %get3A = arith.constant 0 : i32
      %get3A_441 = arith.constant 0 : i32
      %get3A_442 = tpu.memref_slice %arg9[%scan3A_264, %get3A, %get3A_441] : memref<4x64x128xf32, #tpu.memory_space<vmem>> -> memref<1x64x128xf32, #tpu.memory_space<vmem>>
      %get3A_443 = tpu.memref_squeeze %get3A_442 : memref<1x64x128xf32, #tpu.memory_space<vmem>> -> memref<64x128xf32, #tpu.memory_space<vmem>>
      %get3A_444 = arith.index_cast %mul3A_440 : i32 to index
      %get3A_445 = arith.constant 0 : index
      %get3A_446 = tpu.vector_load %get3A_443[%get3A_444, %get3A_445] {strides = array<i32>} : memref<64x128xf32, #tpu.memory_space<vmem>>, vector<1x16xf32>,
      %get3A_447 = vector.shape_cast %get3A_446 : vector<1x16xf32> to vector<16xf32>
      %add3A_448 = arith.addf %scan3A_431, %get3A_447 : vector<16xf32>
      %get3A_449 = arith.constant 0 : i32
      %get3A_450 = arith.constant 0 : i32
      %get3A_451 = tpu.memref_slice %arg9[%scan3A_264, %get3A_449, %get3A_450] : memref<4x64x128xf32, #tpu.memory_space<vmem>> -> memref<1x64x128xf32, #tpu.memory_space<vmem>>
      %get3A_452 = tpu.memref_squeeze %get3A_451 : memref<1x64x128xf32, #tpu.memory_space<vmem>> -> memref<64x128xf32, #tpu.memory_space<vmem>>
      %get3A_453 = arith.index_cast %mul3A_440 : i32 to index
      %get3A_454 = arith.constant 16 : index
      %get3A_455 = tpu.vector_load %get3A_452[%get3A_453, %get3A_454] {strides = array<i32>} : memref<64x128xf32, #tpu.memory_space<vmem>>, vector<1x16xf32>,
      %get3A_456 = vector.shape_cast %get3A_455 : vector<1x16xf32> to vector<16xf32>
      %add3A_457 = arith.addf %scan3A_432, %get3A_456 : vector<16xf32>
      %get3A_458 = arith.constant 0 : i32
      %get3A_459 = arith.constant 0 : i32
      %get3A_460 = tpu.memref_slice %arg9[%scan3A_264, %get3A_458, %get3A_459] : memref<4x64x128xf32, #tpu.memory_space<vmem>> -> memref<1x64x128xf32, #tpu.memory_space<vmem>>
      %get3A_461 = tpu.memref_squeeze %get3A_460 : memref<1x64x128xf32, #tpu.memory_space<vmem>> -> memref<64x128xf32, #tpu.memory_space<vmem>>
      %get3A_462 = arith.index_cast %mul3A_440 : i32 to index
      %get3A_463 = arith.constant 32 : index
      %get3A_464 = tpu.vector_load %get3A_461[%get3A_462, %get3A_463] {strides = array<i32>} : memref<64x128xf32, #tpu.memory_space<vmem>>, vector<1x16xf32>,
      %get3A_465 = vector.shape_cast %get3A_464 : vector<1x16xf32> to vector<16xf32>
      %add3A_466 = arith.addf %scan3A_433, %get3A_465 : vector<16xf32>
      %get3A_467 = arith.constant 0 : i32
      %get3A_468 = arith.constant 0 : i32
      %get3A_469 = tpu.memref_slice %arg9[%scan3A_264, %get3A_467, %get3A_468] : memref<4x64x128xf32, #tpu.memory_space<vmem>> -> memref<1x64x128xf32, #tpu.memory_space<vmem>>
      %get3A_470 = tpu.memref_squeeze %get3A_469 : memref<1x64x128xf32, #tpu.memory_space<vmem>> -> memref<64x128xf32, #tpu.memory_space<vmem>>
      %get3A_471 = arith.index_cast %mul3A_440 : i32 to index
      %get3A_472 = arith.constant 48 : index
      %get3A_473 = tpu.vector_load %get3A_470[%get3A_471, %get3A_472] {strides = array<i32>} : memref<64x128xf32, #tpu.memory_space<vmem>>, vector<1x16xf32>,
      %get3A_474 = vector.shape_cast %get3A_473 : vector<1x16xf32> to vector<16xf32>
      %add3A_475 = arith.addf %scan3A_434, %get3A_474 : vector<16xf32>
      %get3A_476 = arith.constant 0 : i32
      %get3A_477 = arith.constant 0 : i32
      %get3A_478 = tpu.memref_slice %arg9[%scan3A_264, %get3A_476, %get3A_477] : memref<4x64x128xf32, #tpu.memory_space<vmem>> -> memref<1x64x128xf32, #tpu.memory_space<vmem>>
      %get3A_479 = tpu.memref_squeeze %get3A_478 : memref<1x64x128xf32, #tpu.memory_space<vmem>> -> memref<64x128xf32, #tpu.memory_space<vmem>>
      %get3A_480 = arith.index_cast %mul3A_440 : i32 to index
      %get3A_481 = arith.constant 64 : index
      %get3A_482 = tpu.vector_load %get3A_479[%get3A_480, %get3A_481] {strides = array<i32>} : memref<64x128xf32, #tpu.memory_space<vmem>>, vector<1x16xf32>,
      %get3A_483 = vector.shape_cast %get3A_482 : vector<1x16xf32> to vector<16xf32>
      %add3A_484 = arith.addf %scan3A_435, %get3A_483 : vector<16xf32>
      %get3A_485 = arith.constant 0 : i32
      %get3A_486 = arith.constant 0 : i32
      %get3A_487 = tpu.memref_slice %arg9[%scan3A_264, %get3A_485, %get3A_486] : memref<4x64x128xf32, #tpu.memory_space<vmem>> -> memref<1x64x128xf32, #tpu.memory_space<vmem>>
      %get3A_488 = tpu.memref_squeeze %get3A_487 : memref<1x64x128xf32, #tpu.memory_space<vmem>> -> memref<64x128xf32, #tpu.memory_space<vmem>>
      %get3A_489 = arith.index_cast %mul3A_440 : i32 to index
      %get3A_490 = arith.constant 80 : index
      %get3A_491 = tpu.vector_load %get3A_488[%get3A_489, %get3A_490] {strides = array<i32>} : memref<64x128xf32, #tpu.memory_space<vmem>>, vector<1x16xf32>,
      %get3A_492 = vector.shape_cast %get3A_491 : vector<1x16xf32> to vector<16xf32>
      %add3A_493 = arith.addf %scan3A_436, %get3A_492 : vector<16xf32>
      %get3A_494 = arith.constant 0 : i32
      %get3A_495 = arith.constant 0 : i32
      %get3A_496 = tpu.memref_slice %arg9[%scan3A_264, %get3A_494, %get3A_495] : memref<4x64x128xf32, #tpu.memory_space<vmem>> -> memref<1x64x128xf32, #tpu.memory_space<vmem>>
      %get3A_497 = tpu.memref_squeeze %get3A_496 : memref<1x64x128xf32, #tpu.memory_space<vmem>> -> memref<64x128xf32, #tpu.memory_space<vmem>>
      %get3A_498 = arith.index_cast %mul3A_440 : i32 to index
      %get3A_499 = arith.constant 96 : index
      %get3A_500 = tpu.vector_load %get3A_497[%get3A_498, %get3A_499] {strides = array<i32>} : memref<64x128xf32, #tpu.memory_space<vmem>>, vector<1x16xf32>,
      %get3A_501 = vector.shape_cast %get3A_500 : vector<1x16xf32> to vector<16xf32>
      %add3A_502 = arith.addf %scan3A_437, %get3A_501 : vector<16xf32>
      %get3A_503 = arith.constant 0 : i32
      %get3A_504 = arith.constant 0 : i32
      %get3A_505 = tpu.memref_slice %arg9[%scan3A_264, %get3A_503, %get3A_504] : memref<4x64x128xf32, #tpu.memory_space<vmem>> -> memref<1x64x128xf32, #tpu.memory_space<vmem>>
      %get3A_506 = tpu.memref_squeeze %get3A_505 : memref<1x64x128xf32, #tpu.memory_space<vmem>> -> memref<64x128xf32, #tpu.memory_space<vmem>>
      %get3A_507 = arith.index_cast %mul3A_440 : i32 to index
      %get3A_508 = arith.constant 112 : index
      %get3A_509 = tpu.vector_load %get3A_506[%get3A_507, %get3A_508] {strides = array<i32>} : memref<64x128xf32, #tpu.memory_space<vmem>>, vector<1x16xf32>,
      %get3A_510 = vector.shape_cast %get3A_509 : vector<1x16xf32> to vector<16xf32>
      %add3A_511 = arith.addf %scan3A_438, %get3A_510 : vector<16xf32>
      %add3A_512 = arith.constant 1 : i32
      %add3A_513 = arith.addi %mul3A_440, %add3A_512 : i32
      %get3A_514 = arith.constant 0 : i32
      %get3A_515 = arith.constant 0 : i32
      %get3A_516 = tpu.memref_slice %arg9[%scan3A_264, %get3A_514, %get3A_515] : memref<4x64x128xf32, #tpu.memory_space<vmem>> -> memref<1x64x128xf32, #tpu.memory_space<vmem>>
      %get3A_517 = tpu.memref_squeeze %get3A_516 : memref<1x64x128xf32, #tpu.memory_space<vmem>> -> memref<64x128xf32, #tpu.memory_space<vmem>>
      %get3A_518 = arith.index_cast %add3A_513 : i32 to index
      %get3A_519 = arith.constant 0 : index
      %get3A_520 = tpu.vector_load %get3A_517[%get3A_518, %get3A_519] {strides = array<i32>} : memref<64x128xf32, #tpu.memory_space<vmem>>, vector<1x16xf32>,
      %get3A_521 = vector.shape_cast %get3A_520 : vector<1x16xf32> to vector<16xf32>
      %add3A_522 = arith.addf %add3A_448, %get3A_521 : vector<16xf32>
      %add3A_523 = arith.constant 1 : i32
      %add3A_524 = arith.addi %mul3A_440, %add3A_523 : i32
      %get3A_525 = arith.constant 0 : i32
      %get3A_526 = arith.constant 0 : i32
      %get3A_527 = tpu.memref_slice %arg9[%scan3A_264, %get3A_525, %get3A_526] : memref<4x64x128xf32, #tpu.memory_space<vmem>> -> memref<1x64x128xf32, #tpu.memory_space<vmem>>
      %get3A_528 = tpu.memref_squeeze %get3A_527 : memref<1x64x128xf32, #tpu.memory_space<vmem>> -> memref<64x128xf32, #tpu.memory_space<vmem>>
      %get3A_529 = arith.index_cast %add3A_524 : i32 to index
      %get3A_530 = arith.constant 16 : index
      %get3A_531 = tpu.vector_load %get3A_528[%get3A_529, %get3A_530] {strides = array<i32>} : memref<64x128xf32, #tpu.memory_space<vmem>>, vector<1x16xf32>,
      %get3A_532 = vector.shape_cast %get3A_531 : vector<1x16xf32> to vector<16xf32>
      %add3A_533 = arith.addf %add3A_457, %get3A_532 : vector<16xf32>
      %add3A_534 = arith.constant 1 : i32
      %add3A_535 = arith.addi %mul3A_440, %add3A_534 : i32
      %get3A_536 = arith.constant 0 : i32
      %get3A_537 = arith.constant 0 : i32
      %get3A_538 = tpu.memref_slice %arg9[%scan3A_264, %get3A_536, %get3A_537] : memref<4x64x128xf32, #tpu.memory_space<vmem>> -> memref<1x64x128xf32, #tpu.memory_space<vmem>>
      %get3A_539 = tpu.memref_squeeze %get3A_538 : memref<1x64x128xf32, #tpu.memory_space<vmem>> -> memref<64x128xf32, #tpu.memory_space<vmem>>
      %get3A_540 = arith.index_cast %add3A_535 : i32 to index
      %get3A_541 = arith.constant 32 : index
      %get3A_542 = tpu.vector_load %get3A_539[%get3A_540, %get3A_541] {strides = array<i32>} : memref<64x128xf32, #tpu.memory_space<vmem>>, vector<1x16xf32>,
      %get3A_543 = vector.shape_cast %get3A_542 : vector<1x16xf32> to vector<16xf32>
      %add3A_544 = arith.addf %add3A_466, %get3A_543 : vector<16xf32>
      %add3A_545 = arith.constant 1 : i32
      %add3A_546 = arith.addi %mul3A_440, %add3A_545 : i32
      %get3A_547 = arith.constant 0 : i32
      %get3A_548 = arith.constant 0 : i32
      %get3A_549 = tpu.memref_slice %arg9[%scan3A_264, %get3A_547, %get3A_548] : memref<4x64x128xf32, #tpu.memory_space<vmem>> -> memref<1x64x128xf32, #tpu.memory_space<vmem>>
      %get3A_550 = tpu.memref_squeeze %get3A_549 : memref<1x64x128xf32, #tpu.memory_space<vmem>> -> memref<64x128xf32, #tpu.memory_space<vmem>>
      %get3A_551 = arith.index_cast %add3A_546 : i32 to index
      %get3A_552 = arith.constant 48 : index
      %get3A_553 = tpu.vector_load %get3A_550[%get3A_551, %get3A_552] {strides = array<i32>} : memref<64x128xf32, #tpu.memory_space<vmem>>, vector<1x16xf32>,
      %get3A_554 = vector.shape_cast %get3A_553 : vector<1x16xf32> to vector<16xf32>
      %add3A_555 = arith.addf %add3A_475, %get3A_554 : vector<16xf32>
      %add3A_556 = arith.constant 1 : i32
      %add3A_557 = arith.addi %mul3A_440, %add3A_556 : i32
      %get3A_558 = arith.constant 0 : i32
      %get3A_559 = arith.constant 0 : i32
      %get3A_560 = tpu.memref_slice %arg9[%scan3A_264, %get3A_558, %get3A_559] : memref<4x64x128xf32, #tpu.memory_space<vmem>> -> memref<1x64x128xf32, #tpu.memory_space<vmem>>
      %get3A_561 = tpu.memref_squeeze %get3A_560 : memref<1x64x128xf32, #tpu.memory_space<vmem>> -> memref<64x128xf32, #tpu.memory_space<vmem>>
      %get3A_562 = arith.index_cast %add3A_557 : i32 to index
      %get3A_563 = arith.constant 64 : index
      %get3A_564 = tpu.vector_load %get3A_561[%get3A_562, %get3A_563] {strides = array<i32>} : memref<64x128xf32, #tpu.memory_space<vmem>>, vector<1x16xf32>,
      %get3A_565 = vector.shape_cast %get3A_564 : vector<1x16xf32> to vector<16xf32>
      %add3A_566 = arith.addf %add3A_484, %get3A_565 : vector<16xf32>
      %add3A_567 = arith.constant 1 : i32
      %add3A_568 = arith.addi %mul3A_440, %add3A_567 : i32
      %get3A_569 = arith.constant 0 : i32
      %get3A_570 = arith.constant 0 : i32
      %get3A_571 = tpu.memref_slice %arg9[%scan3A_264, %get3A_569, %get3A_570] : memref<4x64x128xf32, #tpu.memory_space<vmem>> -> memref<1x64x128xf32, #tpu.memory_space<vmem>>
      %get3A_572 = tpu.memref_squeeze %get3A_571 : memref<1x64x128xf32, #tpu.memory_space<vmem>> -> memref<64x128xf32, #tpu.memory_space<vmem>>
      %get3A_573 = arith.index_cast %add3A_568 : i32 to index
      %get3A_574 = arith.constant 80 : index
      %get3A_575 = tpu.vector_load %get3A_572[%get3A_573, %get3A_574] {strides = array<i32>} : memref<64x128xf32, #tpu.memory_space<vmem>>, vector<1x16xf32>,
      %get3A_576 = vector.shape_cast %get3A_575 : vector<1x16xf32> to vector<16xf32>
      %add3A_577 = arith.addf %add3A_493, %get3A_576 : vector<16xf32>
      %add3A_578 = arith.constant 1 : i32
      %add3A_579 = arith.addi %mul3A_440, %add3A_578 : i32
      %get3A_580 = arith.constant 0 : i32
      %get3A_581 = arith.constant 0 : i32
      %get3A_582 = tpu.memref_slice %arg9[%scan3A_264, %get3A_580, %get3A_581] : memref<4x64x128xf32, #tpu.memory_space<vmem>> -> memref<1x64x128xf32, #tpu.memory_space<vmem>>
      %get3A_583 = tpu.memref_squeeze %get3A_582 : memref<1x64x128xf32, #tpu.memory_space<vmem>> -> memref<64x128xf32, #tpu.memory_space<vmem>>
      %get3A_584 = arith.index_cast %add3A_579 : i32 to index
      %get3A_585 = arith.constant 96 : index
      %get3A_586 = tpu.vector_load %get3A_583[%get3A_584, %get3A_585] {strides = array<i32>} : memref<64x128xf32, #tpu.memory_space<vmem>>, vector<1x16xf32>,
      %get3A_587 = vector.shape_cast %get3A_586 : vector<1x16xf32> to vector<16xf32>
      %add3A_588 = arith.addf %add3A_502, %get3A_587 : vector<16xf32>
      %add3A_589 = arith.constant 1 : i32
      %add3A_590 = arith.addi %mul3A_440, %add3A_589 : i32
      %get3A_591 = arith.constant 0 : i32
      %get3A_592 = arith.constant 0 : i32
      %get3A_593 = tpu.memref_slice %arg9[%scan3A_264, %get3A_591, %get3A_592] : memref<4x64x128xf32, #tpu.memory_space<vmem>> -> memref<1x64x128xf32, #tpu.memory_space<vmem>>
      %get3A_594 = tpu.memref_squeeze %get3A_593 : memref<1x64x128xf32, #tpu.memory_space<vmem>> -> memref<64x128xf32, #tpu.memory_space<vmem>>
      %get3A_595 = arith.index_cast %add3A_590 : i32 to index
      %get3A_596 = arith.constant 112 : index
      %get3A_597 = tpu.vector_load %get3A_594[%get3A_595, %get3A_596] {strides = array<i32>} : memref<64x128xf32, #tpu.memory_space<vmem>>, vector<1x16xf32>,
      %get3A_598 = vector.shape_cast %get3A_597 : vector<1x16xf32> to vector<16xf32>
      %add3A_599 = arith.addf %add3A_511, %get3A_598 : vector<16xf32>
      scf.yield %add3A_522, %add3A_533, %add3A_544, %add3A_555, %add3A_566, %add3A_577, %add3A_588, %add3A_599 : vector<16xf32>, vector<16xf32>, vector<16xf32>, vector<16xf32>, vector<16xf32>, vector<16xf32>, vector<16xf32>, vector<16xf32>
    }
    %scan3A_270 = arith.constant 32 : i32
    %dma_start3A_271 = arith.constant 3 : i32
    %dma_start3A_272 = arith.constant 0 : i32
    %dma_start3A_273 = arith.constant 0 : i32
    %dma_start3A_274 = tpu.memref_slice %arg9[%dma_start3A_271, %dma_start3A_272, %dma_start3A_273] : memref<4x64x128xf32, #tpu.memory_space<vmem>> -> memref<1x64x128xf32, #tpu.memory_space<vmem>>
    %dma_start3A_275 = tpu.memref_squeeze %dma_start3A_274 : memref<1x64x128xf32, #tpu.memory_space<vmem>> -> memref<64x128xf32, #tpu.memory_space<vmem>>
    %dma_start3A_276 = arith.constant 448 : i32
    %dma_start3A_277 = tpu.memref_slice %arg7[%dma_start3A_276] : memref<512xi32, #tpu.memory_space<vmem>> -> memref<64xi32, #tpu.memory_space<vmem>>
    %dma_start3A_278 = arith.constant 0 : i32
    %dma_start3A_279 = arith.constant 0 : i32
    %dma_start3A_280 = tpu.memref_slice %arg4[%dma_start3A_278, %dma_start3A_279] : memref<100000x128xf32, #tpu.memory_space<hbm>> -> memref<100000x128xf32, #tpu.memory_space<hbm>>
    tpu.enqueue_indirect_dma source(%dma_start3A_280 : memref<100000x128xf32, #tpu.memory_space<hbm>>) target(%dma_start3A_275 : memref<64x128xf32, #tpu.memory_space<vmem>>) offsets(%dma_start3A_277 : memref<64xi32, #tpu.memory_space<vmem>>) semaphore(%arg16 : memref<!tpu.dma_semaphore, #tpu.memory_space<semaphore_mem>>)
    %dma_start3A_281 = arith.constant 3 : i32
    %dma_start3A_282 = arith.constant 0 : i32
    %dma_start3A_283 = arith.constant 0 : i32
    %dma_start3A_284 = tpu.memref_slice %arg10[%dma_start3A_281, %dma_start3A_282, %dma_start3A_283] : memref<4x64x128xf32, #tpu.memory_space<vmem>> -> memref<1x64x128xf32, #tpu.memory_space<vmem>>
    %dma_start3A_285 = tpu.memref_squeeze %dma_start3A_284 : memref<1x64x128xf32, #tpu.memory_space<vmem>> -> memref<64x128xf32, #tpu.memory_space<vmem>>
    %dma_start3A_286 = arith.constant 448 : i32
    %dma_start3A_287 = tpu.memref_slice %arg8[%dma_start3A_286] : memref<512xi32, #tpu.memory_space<vmem>> -> memref<64xi32, #tpu.memory_space<vmem>>
    %dma_start3A_288 = arith.constant 0 : i32
    %dma_start3A_289 = arith.constant 0 : i32
    %dma_start3A_290 = tpu.memref_slice %arg5[%dma_start3A_288, %dma_start3A_289] : memref<100000x128xf32, #tpu.memory_space<hbm>> -> memref<100000x128xf32, #tpu.memory_space<hbm>>
    tpu.enqueue_indirect_dma source(%dma_start3A_290 : memref<100000x128xf32, #tpu.memory_space<hbm>>) target(%dma_start3A_285 : memref<64x128xf32, #tpu.memory_space<vmem>>) offsets(%dma_start3A_287 : memref<64xi32, #tpu.memory_space<vmem>>) semaphore(%arg16 : memref<!tpu.dma_semaphore, #tpu.memory_space<semaphore_mem>>)
    %dma_wait3A_291 = arith.constant 0 : i32
    %dma_wait3A_292 = arith.constant 0 : i32
    %dma_wait3A_293 = arith.constant 0 : i32
    %dma_wait3A_294 = tpu.memref_slice %arg9[%dma_wait3A_291, %dma_wait3A_292, %dma_wait3A_293] : memref<4x64x128xf32, #tpu.memory_space<vmem>> -> memref<1x64x128xf32, #tpu.memory_space<vmem>>
    %dma_wait3A_295 = tpu.memref_squeeze %dma_wait3A_294 : memref<1x64x128xf32, #tpu.memory_space<vmem>> -> memref<64x128xf32, #tpu.memory_space<vmem>>
    %dma_wait3A_296 = arith.constant 256 : i32
    %dma_wait3A_297 = tpu.memref_slice %arg7[%dma_wait3A_296] : memref<512xi32, #tpu.memory_space<vmem>> -> memref<64xi32, #tpu.memory_space<vmem>>
    %dma_wait3A_298 = arith.constant 0 : i32
    %dma_wait3A_299 = arith.constant 0 : i32
    %dma_wait3A_300 = tpu.memref_slice %arg4[%dma_wait3A_298, %dma_wait3A_299] : memref<100000x128xf32, #tpu.memory_space<hbm>> -> memref<100000x128xf32, #tpu.memory_space<hbm>>
    tpu.wait_indirect_dma semaphore(%arg13 : memref<!tpu.dma_semaphore, #tpu.memory_space<semaphore_mem>>) src(%dma_wait3A_300 : memref<100000x128xf32, #tpu.memory_space<hbm>>) dst(%dma_wait3A_295 : memref<64x128xf32, #tpu.memory_space<vmem>>)
    %dma_wait3A_301 = arith.constant 0 : i32
    %dma_wait3A_302 = arith.constant 0 : i32
    %dma_wait3A_303 = arith.constant 0 : i32
    %dma_wait3A_304 = tpu.memref_slice %arg10[%dma_wait3A_301, %dma_wait3A_302, %dma_wait3A_303] : memref<4x64x128xf32, #tpu.memory_space<vmem>> -> memref<1x64x128xf32, #tpu.memory_space<vmem>>
    %dma_wait3A_305 = tpu.memref_squeeze %dma_wait3A_304 : memref<1x64x128xf32, #tpu.memory_space<vmem>> -> memref<64x128xf32, #tpu.memory_space<vmem>>
    %dma_wait3A_306 = arith.constant 256 : i32
    %dma_wait3A_307 = tpu.memref_slice %arg8[%dma_wait3A_306] : memref<512xi32, #tpu.memory_space<vmem>> -> memref<64xi32, #tpu.memory_space<vmem>>
    %dma_wait3A_308 = arith.constant 0 : i32
    %dma_wait3A_309 = arith.constant 0 : i32
    %dma_wait3A_310 = tpu.memref_slice %arg5[%dma_wait3A_308, %dma_wait3A_309] : memref<100000x128xf32, #tpu.memory_space<hbm>> -> memref<100000x128xf32, #tpu.memory_space<hbm>>
    tpu.wait_indirect_dma semaphore(%arg13 : memref<!tpu.dma_semaphore, #tpu.memory_space<semaphore_mem>>) src(%dma_wait3A_310 : memref<100000x128xf32, #tpu.memory_space<hbm>>) dst(%dma_wait3A_305 : memref<64x128xf32, #tpu.memory_space<vmem>>)
    %scan3A_311 = arith.constant 0 : i32
    %scan3A_312 = arith.constant 0 : i32
    %scan3A_313 = arith.constant 32 : i32
    %scan3A_314 = arith.addi %scan3A_312, %scan3A_313 : i32
    %scan3A_315 = arith.constant 1 : i32
    %scan3A_316:8 = scf.for %scan3A_430 = %scan3A_312 to %scan3A_314 step %scan3A_315 iter_args(%scan3A_431 = %scan3A_269#0, %scan3A_432 = %scan3A_269#1, %scan3A_433 = %scan3A_269#2, %scan3A_434 = %scan3A_269#3, %scan3A_435 = %scan3A_269#4, %scan3A_436 = %scan3A_269#5, %scan3A_437 = %scan3A_269#6, %scan3A_438 = %scan3A_269#7) -> (vector<16xf32>, vector<16xf32>, vector<16xf32>, vector<16xf32>, vector<16xf32>, vector<16xf32>, vector<16xf32>, vector<16xf32>)  : i32 {
      %mul3A_439 = arith.constant 2 : i32
      %mul3A_440 = arith.muli %scan3A_430, %mul3A_439 : i32
      %get3A = arith.constant 0 : i32
      %get3A_441 = arith.constant 0 : i32
      %get3A_442 = tpu.memref_slice %arg9[%scan3A_311, %get3A, %get3A_441] : memref<4x64x128xf32, #tpu.memory_space<vmem>> -> memref<1x64x128xf32, #tpu.memory_space<vmem>>
      %get3A_443 = tpu.memref_squeeze %get3A_442 : memref<1x64x128xf32, #tpu.memory_space<vmem>> -> memref<64x128xf32, #tpu.memory_space<vmem>>
      %get3A_444 = arith.index_cast %mul3A_440 : i32 to index
      %get3A_445 = arith.constant 0 : index
      %get3A_446 = tpu.vector_load %get3A_443[%get3A_444, %get3A_445] {strides = array<i32>} : memref<64x128xf32, #tpu.memory_space<vmem>>, vector<1x16xf32>,
      %get3A_447 = vector.shape_cast %get3A_446 : vector<1x16xf32> to vector<16xf32>
      %add3A_448 = arith.addf %scan3A_431, %get3A_447 : vector<16xf32>
      %get3A_449 = arith.constant 0 : i32
      %get3A_450 = arith.constant 0 : i32
      %get3A_451 = tpu.memref_slice %arg9[%scan3A_311, %get3A_449, %get3A_450] : memref<4x64x128xf32, #tpu.memory_space<vmem>> -> memref<1x64x128xf32, #tpu.memory_space<vmem>>
      %get3A_452 = tpu.memref_squeeze %get3A_451 : memref<1x64x128xf32, #tpu.memory_space<vmem>> -> memref<64x128xf32, #tpu.memory_space<vmem>>
      %get3A_453 = arith.index_cast %mul3A_440 : i32 to index
      %get3A_454 = arith.constant 16 : index
      %get3A_455 = tpu.vector_load %get3A_452[%get3A_453, %get3A_454] {strides = array<i32>} : memref<64x128xf32, #tpu.memory_space<vmem>>, vector<1x16xf32>,
      %get3A_456 = vector.shape_cast %get3A_455 : vector<1x16xf32> to vector<16xf32>
      %add3A_457 = arith.addf %scan3A_432, %get3A_456 : vector<16xf32>
      %get3A_458 = arith.constant 0 : i32
      %get3A_459 = arith.constant 0 : i32
      %get3A_460 = tpu.memref_slice %arg9[%scan3A_311, %get3A_458, %get3A_459] : memref<4x64x128xf32, #tpu.memory_space<vmem>> -> memref<1x64x128xf32, #tpu.memory_space<vmem>>
      %get3A_461 = tpu.memref_squeeze %get3A_460 : memref<1x64x128xf32, #tpu.memory_space<vmem>> -> memref<64x128xf32, #tpu.memory_space<vmem>>
      %get3A_462 = arith.index_cast %mul3A_440 : i32 to index
      %get3A_463 = arith.constant 32 : index
      %get3A_464 = tpu.vector_load %get3A_461[%get3A_462, %get3A_463] {strides = array<i32>} : memref<64x128xf32, #tpu.memory_space<vmem>>, vector<1x16xf32>,
      %get3A_465 = vector.shape_cast %get3A_464 : vector<1x16xf32> to vector<16xf32>
      %add3A_466 = arith.addf %scan3A_433, %get3A_465 : vector<16xf32>
      %get3A_467 = arith.constant 0 : i32
      %get3A_468 = arith.constant 0 : i32
      %get3A_469 = tpu.memref_slice %arg9[%scan3A_311, %get3A_467, %get3A_468] : memref<4x64x128xf32, #tpu.memory_space<vmem>> -> memref<1x64x128xf32, #tpu.memory_space<vmem>>
      %get3A_470 = tpu.memref_squeeze %get3A_469 : memref<1x64x128xf32, #tpu.memory_space<vmem>> -> memref<64x128xf32, #tpu.memory_space<vmem>>
      %get3A_471 = arith.index_cast %mul3A_440 : i32 to index
      %get3A_472 = arith.constant 48 : index
      %get3A_473 = tpu.vector_load %get3A_470[%get3A_471, %get3A_472] {strides = array<i32>} : memref<64x128xf32, #tpu.memory_space<vmem>>, vector<1x16xf32>,
      %get3A_474 = vector.shape_cast %get3A_473 : vector<1x16xf32> to vector<16xf32>
      %add3A_475 = arith.addf %scan3A_434, %get3A_474 : vector<16xf32>
      %get3A_476 = arith.constant 0 : i32
      %get3A_477 = arith.constant 0 : i32
      %get3A_478 = tpu.memref_slice %arg9[%scan3A_311, %get3A_476, %get3A_477] : memref<4x64x128xf32, #tpu.memory_space<vmem>> -> memref<1x64x128xf32, #tpu.memory_space<vmem>>
      %get3A_479 = tpu.memref_squeeze %get3A_478 : memref<1x64x128xf32, #tpu.memory_space<vmem>> -> memref<64x128xf32, #tpu.memory_space<vmem>>
      %get3A_480 = arith.index_cast %mul3A_440 : i32 to index
      %get3A_481 = arith.constant 64 : index
      %get3A_482 = tpu.vector_load %get3A_479[%get3A_480, %get3A_481] {strides = array<i32>} : memref<64x128xf32, #tpu.memory_space<vmem>>, vector<1x16xf32>,
      %get3A_483 = vector.shape_cast %get3A_482 : vector<1x16xf32> to vector<16xf32>
      %add3A_484 = arith.addf %scan3A_435, %get3A_483 : vector<16xf32>
      %get3A_485 = arith.constant 0 : i32
      %get3A_486 = arith.constant 0 : i32
      %get3A_487 = tpu.memref_slice %arg9[%scan3A_311, %get3A_485, %get3A_486] : memref<4x64x128xf32, #tpu.memory_space<vmem>> -> memref<1x64x128xf32, #tpu.memory_space<vmem>>
      %get3A_488 = tpu.memref_squeeze %get3A_487 : memref<1x64x128xf32, #tpu.memory_space<vmem>> -> memref<64x128xf32, #tpu.memory_space<vmem>>
      %get3A_489 = arith.index_cast %mul3A_440 : i32 to index
      %get3A_490 = arith.constant 80 : index
      %get3A_491 = tpu.vector_load %get3A_488[%get3A_489, %get3A_490] {strides = array<i32>} : memref<64x128xf32, #tpu.memory_space<vmem>>, vector<1x16xf32>,
      %get3A_492 = vector.shape_cast %get3A_491 : vector<1x16xf32> to vector<16xf32>
      %add3A_493 = arith.addf %scan3A_436, %get3A_492 : vector<16xf32>
      %get3A_494 = arith.constant 0 : i32
      %get3A_495 = arith.constant 0 : i32
      %get3A_496 = tpu.memref_slice %arg9[%scan3A_311, %get3A_494, %get3A_495] : memref<4x64x128xf32, #tpu.memory_space<vmem>> -> memref<1x64x128xf32, #tpu.memory_space<vmem>>
      %get3A_497 = tpu.memref_squeeze %get3A_496 : memref<1x64x128xf32, #tpu.memory_space<vmem>> -> memref<64x128xf32, #tpu.memory_space<vmem>>
      %get3A_498 = arith.index_cast %mul3A_440 : i32 to index
      %get3A_499 = arith.constant 96 : index
      %get3A_500 = tpu.vector_load %get3A_497[%get3A_498, %get3A_499] {strides = array<i32>} : memref<64x128xf32, #tpu.memory_space<vmem>>, vector<1x16xf32>,
      %get3A_501 = vector.shape_cast %get3A_500 : vector<1x16xf32> to vector<16xf32>
      %add3A_502 = arith.addf %scan3A_437, %get3A_501 : vector<16xf32>
      %get3A_503 = arith.constant 0 : i32
      %get3A_504 = arith.constant 0 : i32
      %get3A_505 = tpu.memref_slice %arg9[%scan3A_311, %get3A_503, %get3A_504] : memref<4x64x128xf32, #tpu.memory_space<vmem>> -> memref<1x64x128xf32, #tpu.memory_space<vmem>>
      %get3A_506 = tpu.memref_squeeze %get3A_505 : memref<1x64x128xf32, #tpu.memory_space<vmem>> -> memref<64x128xf32, #tpu.memory_space<vmem>>
      %get3A_507 = arith.index_cast %mul3A_440 : i32 to index
      %get3A_508 = arith.constant 112 : index
      %get3A_509 = tpu.vector_load %get3A_506[%get3A_507, %get3A_508] {strides = array<i32>} : memref<64x128xf32, #tpu.memory_space<vmem>>, vector<1x16xf32>,
      %get3A_510 = vector.shape_cast %get3A_509 : vector<1x16xf32> to vector<16xf32>
      %add3A_511 = arith.addf %scan3A_438, %get3A_510 : vector<16xf32>
      %add3A_512 = arith.constant 1 : i32
      %add3A_513 = arith.addi %mul3A_440, %add3A_512 : i32
      %get3A_514 = arith.constant 0 : i32
      %get3A_515 = arith.constant 0 : i32
      %get3A_516 = tpu.memref_slice %arg9[%scan3A_311, %get3A_514, %get3A_515] : memref<4x64x128xf32, #tpu.memory_space<vmem>> -> memref<1x64x128xf32, #tpu.memory_space<vmem>>
      %get3A_517 = tpu.memref_squeeze %get3A_516 : memref<1x64x128xf32, #tpu.memory_space<vmem>> -> memref<64x128xf32, #tpu.memory_space<vmem>>
      %get3A_518 = arith.index_cast %add3A_513 : i32 to index
      %get3A_519 = arith.constant 0 : index
      %get3A_520 = tpu.vector_load %get3A_517[%get3A_518, %get3A_519] {strides = array<i32>} : memref<64x128xf32, #tpu.memory_space<vmem>>, vector<1x16xf32>,
      %get3A_521 = vector.shape_cast %get3A_520 : vector<1x16xf32> to vector<16xf32>
      %add3A_522 = arith.addf %add3A_448, %get3A_521 : vector<16xf32>
      %add3A_523 = arith.constant 1 : i32
      %add3A_524 = arith.addi %mul3A_440, %add3A_523 : i32
      %get3A_525 = arith.constant 0 : i32
      %get3A_526 = arith.constant 0 : i32
      %get3A_527 = tpu.memref_slice %arg9[%scan3A_311, %get3A_525, %get3A_526] : memref<4x64x128xf32, #tpu.memory_space<vmem>> -> memref<1x64x128xf32, #tpu.memory_space<vmem>>
      %get3A_528 = tpu.memref_squeeze %get3A_527 : memref<1x64x128xf32, #tpu.memory_space<vmem>> -> memref<64x128xf32, #tpu.memory_space<vmem>>
      %get3A_529 = arith.index_cast %add3A_524 : i32 to index
      %get3A_530 = arith.constant 16 : index
      %get3A_531 = tpu.vector_load %get3A_528[%get3A_529, %get3A_530] {strides = array<i32>} : memref<64x128xf32, #tpu.memory_space<vmem>>, vector<1x16xf32>,
      %get3A_532 = vector.shape_cast %get3A_531 : vector<1x16xf32> to vector<16xf32>
      %add3A_533 = arith.addf %add3A_457, %get3A_532 : vector<16xf32>
      %add3A_534 = arith.constant 1 : i32
      %add3A_535 = arith.addi %mul3A_440, %add3A_534 : i32
      %get3A_536 = arith.constant 0 : i32
      %get3A_537 = arith.constant 0 : i32
      %get3A_538 = tpu.memref_slice %arg9[%scan3A_311, %get3A_536, %get3A_537] : memref<4x64x128xf32, #tpu.memory_space<vmem>> -> memref<1x64x128xf32, #tpu.memory_space<vmem>>
      %get3A_539 = tpu.memref_squeeze %get3A_538 : memref<1x64x128xf32, #tpu.memory_space<vmem>> -> memref<64x128xf32, #tpu.memory_space<vmem>>
      %get3A_540 = arith.index_cast %add3A_535 : i32 to index
      %get3A_541 = arith.constant 32 : index
      %get3A_542 = tpu.vector_load %get3A_539[%get3A_540, %get3A_541] {strides = array<i32>} : memref<64x128xf32, #tpu.memory_space<vmem>>, vector<1x16xf32>,
      %get3A_543 = vector.shape_cast %get3A_542 : vector<1x16xf32> to vector<16xf32>
      %add3A_544 = arith.addf %add3A_466, %get3A_543 : vector<16xf32>
      %add3A_545 = arith.constant 1 : i32
      %add3A_546 = arith.addi %mul3A_440, %add3A_545 : i32
      %get3A_547 = arith.constant 0 : i32
      %get3A_548 = arith.constant 0 : i32
      %get3A_549 = tpu.memref_slice %arg9[%scan3A_311, %get3A_547, %get3A_548] : memref<4x64x128xf32, #tpu.memory_space<vmem>> -> memref<1x64x128xf32, #tpu.memory_space<vmem>>
      %get3A_550 = tpu.memref_squeeze %get3A_549 : memref<1x64x128xf32, #tpu.memory_space<vmem>> -> memref<64x128xf32, #tpu.memory_space<vmem>>
      %get3A_551 = arith.index_cast %add3A_546 : i32 to index
      %get3A_552 = arith.constant 48 : index
      %get3A_553 = tpu.vector_load %get3A_550[%get3A_551, %get3A_552] {strides = array<i32>} : memref<64x128xf32, #tpu.memory_space<vmem>>, vector<1x16xf32>,
      %get3A_554 = vector.shape_cast %get3A_553 : vector<1x16xf32> to vector<16xf32>
      %add3A_555 = arith.addf %add3A_475, %get3A_554 : vector<16xf32>
      %add3A_556 = arith.constant 1 : i32
      %add3A_557 = arith.addi %mul3A_440, %add3A_556 : i32
      %get3A_558 = arith.constant 0 : i32
      %get3A_559 = arith.constant 0 : i32
      %get3A_560 = tpu.memref_slice %arg9[%scan3A_311, %get3A_558, %get3A_559] : memref<4x64x128xf32, #tpu.memory_space<vmem>> -> memref<1x64x128xf32, #tpu.memory_space<vmem>>
      %get3A_561 = tpu.memref_squeeze %get3A_560 : memref<1x64x128xf32, #tpu.memory_space<vmem>> -> memref<64x128xf32, #tpu.memory_space<vmem>>
      %get3A_562 = arith.index_cast %add3A_557 : i32 to index
      %get3A_563 = arith.constant 64 : index
      %get3A_564 = tpu.vector_load %get3A_561[%get3A_562, %get3A_563] {strides = array<i32>} : memref<64x128xf32, #tpu.memory_space<vmem>>, vector<1x16xf32>,
      %get3A_565 = vector.shape_cast %get3A_564 : vector<1x16xf32> to vector<16xf32>
      %add3A_566 = arith.addf %add3A_484, %get3A_565 : vector<16xf32>
      %add3A_567 = arith.constant 1 : i32
      %add3A_568 = arith.addi %mul3A_440, %add3A_567 : i32
      %get3A_569 = arith.constant 0 : i32
      %get3A_570 = arith.constant 0 : i32
      %get3A_571 = tpu.memref_slice %arg9[%scan3A_311, %get3A_569, %get3A_570] : memref<4x64x128xf32, #tpu.memory_space<vmem>> -> memref<1x64x128xf32, #tpu.memory_space<vmem>>
      %get3A_572 = tpu.memref_squeeze %get3A_571 : memref<1x64x128xf32, #tpu.memory_space<vmem>> -> memref<64x128xf32, #tpu.memory_space<vmem>>
      %get3A_573 = arith.index_cast %add3A_568 : i32 to index
      %get3A_574 = arith.constant 80 : index
      %get3A_575 = tpu.vector_load %get3A_572[%get3A_573, %get3A_574] {strides = array<i32>} : memref<64x128xf32, #tpu.memory_space<vmem>>, vector<1x16xf32>,
      %get3A_576 = vector.shape_cast %get3A_575 : vector<1x16xf32> to vector<16xf32>
      %add3A_577 = arith.addf %add3A_493, %get3A_576 : vector<16xf32>
      %add3A_578 = arith.constant 1 : i32
      %add3A_579 = arith.addi %mul3A_440, %add3A_578 : i32
      %get3A_580 = arith.constant 0 : i32
      %get3A_581 = arith.constant 0 : i32
      %get3A_582 = tpu.memref_slice %arg9[%scan3A_311, %get3A_580, %get3A_581] : memref<4x64x128xf32, #tpu.memory_space<vmem>> -> memref<1x64x128xf32, #tpu.memory_space<vmem>>
      %get3A_583 = tpu.memref_squeeze %get3A_582 : memref<1x64x128xf32, #tpu.memory_space<vmem>> -> memref<64x128xf32, #tpu.memory_space<vmem>>
      %get3A_584 = arith.index_cast %add3A_579 : i32 to index
      %get3A_585 = arith.constant 96 : index
      %get3A_586 = tpu.vector_load %get3A_583[%get3A_584, %get3A_585] {strides = array<i32>} : memref<64x128xf32, #tpu.memory_space<vmem>>, vector<1x16xf32>,
      %get3A_587 = vector.shape_cast %get3A_586 : vector<1x16xf32> to vector<16xf32>
      %add3A_588 = arith.addf %add3A_502, %get3A_587 : vector<16xf32>
      %add3A_589 = arith.constant 1 : i32
      %add3A_590 = arith.addi %mul3A_440, %add3A_589 : i32
      %get3A_591 = arith.constant 0 : i32
      %get3A_592 = arith.constant 0 : i32
      %get3A_593 = tpu.memref_slice %arg9[%scan3A_311, %get3A_591, %get3A_592] : memref<4x64x128xf32, #tpu.memory_space<vmem>> -> memref<1x64x128xf32, #tpu.memory_space<vmem>>
      %get3A_594 = tpu.memref_squeeze %get3A_593 : memref<1x64x128xf32, #tpu.memory_space<vmem>> -> memref<64x128xf32, #tpu.memory_space<vmem>>
      %get3A_595 = arith.index_cast %add3A_590 : i32 to index
      %get3A_596 = arith.constant 112 : index
      %get3A_597 = tpu.vector_load %get3A_594[%get3A_595, %get3A_596] {strides = array<i32>} : memref<64x128xf32, #tpu.memory_space<vmem>>, vector<1x16xf32>,
      %get3A_598 = vector.shape_cast %get3A_597 : vector<1x16xf32> to vector<16xf32>
      %add3A_599 = arith.addf %add3A_511, %get3A_598 : vector<16xf32>
      scf.yield %add3A_522, %add3A_533, %add3A_544, %add3A_555, %add3A_566, %add3A_577, %add3A_588, %add3A_599 : vector<16xf32>, vector<16xf32>, vector<16xf32>, vector<16xf32>, vector<16xf32>, vector<16xf32>, vector<16xf32>, vector<16xf32>
    }
    %scan3A_317 = arith.constant 32 : i32
    %dma_wait3A_318 = arith.constant 1 : i32
    %dma_wait3A_319 = arith.constant 0 : i32
    %dma_wait3A_320 = arith.constant 0 : i32
    %dma_wait3A_321 = tpu.memref_slice %arg9[%dma_wait3A_318, %dma_wait3A_319, %dma_wait3A_320] : memref<4x64x128xf32, #tpu.memory_space<vmem>> -> memref<1x64x128xf32, #tpu.memory_space<vmem>>
    %dma_wait3A_322 = tpu.memref_squeeze %dma_wait3A_321 : memref<1x64x128xf32, #tpu.memory_space<vmem>> -> memref<64x128xf32, #tpu.memory_space<vmem>>
    %dma_wait3A_323 = arith.constant 320 : i32
    %dma_wait3A_324 = tpu.memref_slice %arg7[%dma_wait3A_323] : memref<512xi32, #tpu.memory_space<vmem>> -> memref<64xi32, #tpu.memory_space<vmem>>
    %dma_wait3A_325 = arith.constant 0 : i32
    %dma_wait3A_326 = arith.constant 0 : i32
    %dma_wait3A_327 = tpu.memref_slice %arg4[%dma_wait3A_325, %dma_wait3A_326] : memref<100000x128xf32, #tpu.memory_space<hbm>> -> memref<100000x128xf32, #tpu.memory_space<hbm>>
    tpu.wait_indirect_dma semaphore(%arg14 : memref<!tpu.dma_semaphore, #tpu.memory_space<semaphore_mem>>) src(%dma_wait3A_327 : memref<100000x128xf32, #tpu.memory_space<hbm>>) dst(%dma_wait3A_322 : memref<64x128xf32, #tpu.memory_space<vmem>>)
    %dma_wait3A_328 = arith.constant 1 : i32
    %dma_wait3A_329 = arith.constant 0 : i32
    %dma_wait3A_330 = arith.constant 0 : i32
    %dma_wait3A_331 = tpu.memref_slice %arg10[%dma_wait3A_328, %dma_wait3A_329, %dma_wait3A_330] : memref<4x64x128xf32, #tpu.memory_space<vmem>> -> memref<1x64x128xf32, #tpu.memory_space<vmem>>
    %dma_wait3A_332 = tpu.memref_squeeze %dma_wait3A_331 : memref<1x64x128xf32, #tpu.memory_space<vmem>> -> memref<64x128xf32, #tpu.memory_space<vmem>>
    %dma_wait3A_333 = arith.constant 320 : i32
    %dma_wait3A_334 = tpu.memref_slice %arg8[%dma_wait3A_333] : memref<512xi32, #tpu.memory_space<vmem>> -> memref<64xi32, #tpu.memory_space<vmem>>
    %dma_wait3A_335 = arith.constant 0 : i32
    %dma_wait3A_336 = arith.constant 0 : i32
    %dma_wait3A_337 = tpu.memref_slice %arg5[%dma_wait3A_335, %dma_wait3A_336] : memref<100000x128xf32, #tpu.memory_space<hbm>> -> memref<100000x128xf32, #tpu.memory_space<hbm>>
    tpu.wait_indirect_dma semaphore(%arg14 : memref<!tpu.dma_semaphore, #tpu.memory_space<semaphore_mem>>) src(%dma_wait3A_337 : memref<100000x128xf32, #tpu.memory_space<hbm>>) dst(%dma_wait3A_332 : memref<64x128xf32, #tpu.memory_space<vmem>>)
    %scan3A_338 = arith.constant 1 : i32
    %scan3A_339 = arith.constant 0 : i32
    %scan3A_340 = arith.constant 32 : i32
    %scan3A_341 = arith.addi %scan3A_339, %scan3A_340 : i32
    %scan3A_342 = arith.constant 1 : i32
    %scan3A_343:8 = scf.for %scan3A_430 = %scan3A_339 to %scan3A_341 step %scan3A_342 iter_args(%scan3A_431 = %scan3A_316#0, %scan3A_432 = %scan3A_316#1, %scan3A_433 = %scan3A_316#2, %scan3A_434 = %scan3A_316#3, %scan3A_435 = %scan3A_316#4, %scan3A_436 = %scan3A_316#5, %scan3A_437 = %scan3A_316#6, %scan3A_438 = %scan3A_316#7) -> (vector<16xf32>, vector<16xf32>, vector<16xf32>, vector<16xf32>, vector<16xf32>, vector<16xf32>, vector<16xf32>, vector<16xf32>)  : i32 {
      %mul3A_439 = arith.constant 2 : i32
      %mul3A_440 = arith.muli %scan3A_430, %mul3A_439 : i32
      %get3A = arith.constant 0 : i32
      %get3A_441 = arith.constant 0 : i32
      %get3A_442 = tpu.memref_slice %arg9[%scan3A_338, %get3A, %get3A_441] : memref<4x64x128xf32, #tpu.memory_space<vmem>> -> memref<1x64x128xf32, #tpu.memory_space<vmem>>
      %get3A_443 = tpu.memref_squeeze %get3A_442 : memref<1x64x128xf32, #tpu.memory_space<vmem>> -> memref<64x128xf32, #tpu.memory_space<vmem>>
      %get3A_444 = arith.index_cast %mul3A_440 : i32 to index
      %get3A_445 = arith.constant 0 : index
      %get3A_446 = tpu.vector_load %get3A_443[%get3A_444, %get3A_445] {strides = array<i32>} : memref<64x128xf32, #tpu.memory_space<vmem>>, vector<1x16xf32>,
      %get3A_447 = vector.shape_cast %get3A_446 : vector<1x16xf32> to vector<16xf32>
      %add3A_448 = arith.addf %scan3A_431, %get3A_447 : vector<16xf32>
      %get3A_449 = arith.constant 0 : i32
      %get3A_450 = arith.constant 0 : i32
      %get3A_451 = tpu.memref_slice %arg9[%scan3A_338, %get3A_449, %get3A_450] : memref<4x64x128xf32, #tpu.memory_space<vmem>> -> memref<1x64x128xf32, #tpu.memory_space<vmem>>
      %get3A_452 = tpu.memref_squeeze %get3A_451 : memref<1x64x128xf32, #tpu.memory_space<vmem>> -> memref<64x128xf32, #tpu.memory_space<vmem>>
      %get3A_453 = arith.index_cast %mul3A_440 : i32 to index
      %get3A_454 = arith.constant 16 : index
      %get3A_455 = tpu.vector_load %get3A_452[%get3A_453, %get3A_454] {strides = array<i32>} : memref<64x128xf32, #tpu.memory_space<vmem>>, vector<1x16xf32>,
      %get3A_456 = vector.shape_cast %get3A_455 : vector<1x16xf32> to vector<16xf32>
      %add3A_457 = arith.addf %scan3A_432, %get3A_456 : vector<16xf32>
      %get3A_458 = arith.constant 0 : i32
      %get3A_459 = arith.constant 0 : i32
      %get3A_460 = tpu.memref_slice %arg9[%scan3A_338, %get3A_458, %get3A_459] : memref<4x64x128xf32, #tpu.memory_space<vmem>> -> memref<1x64x128xf32, #tpu.memory_space<vmem>>
      %get3A_461 = tpu.memref_squeeze %get3A_460 : memref<1x64x128xf32, #tpu.memory_space<vmem>> -> memref<64x128xf32, #tpu.memory_space<vmem>>
      %get3A_462 = arith.index_cast %mul3A_440 : i32 to index
      %get3A_463 = arith.constant 32 : index
      %get3A_464 = tpu.vector_load %get3A_461[%get3A_462, %get3A_463] {strides = array<i32>} : memref<64x128xf32, #tpu.memory_space<vmem>>, vector<1x16xf32>,
      %get3A_465 = vector.shape_cast %get3A_464 : vector<1x16xf32> to vector<16xf32>
      %add3A_466 = arith.addf %scan3A_433, %get3A_465 : vector<16xf32>
      %get3A_467 = arith.constant 0 : i32
      %get3A_468 = arith.constant 0 : i32
      %get3A_469 = tpu.memref_slice %arg9[%scan3A_338, %get3A_467, %get3A_468] : memref<4x64x128xf32, #tpu.memory_space<vmem>> -> memref<1x64x128xf32, #tpu.memory_space<vmem>>
      %get3A_470 = tpu.memref_squeeze %get3A_469 : memref<1x64x128xf32, #tpu.memory_space<vmem>> -> memref<64x128xf32, #tpu.memory_space<vmem>>
      %get3A_471 = arith.index_cast %mul3A_440 : i32 to index
      %get3A_472 = arith.constant 48 : index
      %get3A_473 = tpu.vector_load %get3A_470[%get3A_471, %get3A_472] {strides = array<i32>} : memref<64x128xf32, #tpu.memory_space<vmem>>, vector<1x16xf32>,
      %get3A_474 = vector.shape_cast %get3A_473 : vector<1x16xf32> to vector<16xf32>
      %add3A_475 = arith.addf %scan3A_434, %get3A_474 : vector<16xf32>
      %get3A_476 = arith.constant 0 : i32
      %get3A_477 = arith.constant 0 : i32
      %get3A_478 = tpu.memref_slice %arg9[%scan3A_338, %get3A_476, %get3A_477] : memref<4x64x128xf32, #tpu.memory_space<vmem>> -> memref<1x64x128xf32, #tpu.memory_space<vmem>>
      %get3A_479 = tpu.memref_squeeze %get3A_478 : memref<1x64x128xf32, #tpu.memory_space<vmem>> -> memref<64x128xf32, #tpu.memory_space<vmem>>
      %get3A_480 = arith.index_cast %mul3A_440 : i32 to index
      %get3A_481 = arith.constant 64 : index
      %get3A_482 = tpu.vector_load %get3A_479[%get3A_480, %get3A_481] {strides = array<i32>} : memref<64x128xf32, #tpu.memory_space<vmem>>, vector<1x16xf32>,
      %get3A_483 = vector.shape_cast %get3A_482 : vector<1x16xf32> to vector<16xf32>
      %add3A_484 = arith.addf %scan3A_435, %get3A_483 : vector<16xf32>
      %get3A_485 = arith.constant 0 : i32
      %get3A_486 = arith.constant 0 : i32
      %get3A_487 = tpu.memref_slice %arg9[%scan3A_338, %get3A_485, %get3A_486] : memref<4x64x128xf32, #tpu.memory_space<vmem>> -> memref<1x64x128xf32, #tpu.memory_space<vmem>>
      %get3A_488 = tpu.memref_squeeze %get3A_487 : memref<1x64x128xf32, #tpu.memory_space<vmem>> -> memref<64x128xf32, #tpu.memory_space<vmem>>
      %get3A_489 = arith.index_cast %mul3A_440 : i32 to index
      %get3A_490 = arith.constant 80 : index
      %get3A_491 = tpu.vector_load %get3A_488[%get3A_489, %get3A_490] {strides = array<i32>} : memref<64x128xf32, #tpu.memory_space<vmem>>, vector<1x16xf32>,
      %get3A_492 = vector.shape_cast %get3A_491 : vector<1x16xf32> to vector<16xf32>
      %add3A_493 = arith.addf %scan3A_436, %get3A_492 : vector<16xf32>
      %get3A_494 = arith.constant 0 : i32
      %get3A_495 = arith.constant 0 : i32
      %get3A_496 = tpu.memref_slice %arg9[%scan3A_338, %get3A_494, %get3A_495] : memref<4x64x128xf32, #tpu.memory_space<vmem>> -> memref<1x64x128xf32, #tpu.memory_space<vmem>>
      %get3A_497 = tpu.memref_squeeze %get3A_496 : memref<1x64x128xf32, #tpu.memory_space<vmem>> -> memref<64x128xf32, #tpu.memory_space<vmem>>
      %get3A_498 = arith.index_cast %mul3A_440 : i32 to index
      %get3A_499 = arith.constant 96 : index
      %get3A_500 = tpu.vector_load %get3A_497[%get3A_498, %get3A_499] {strides = array<i32>} : memref<64x128xf32, #tpu.memory_space<vmem>>, vector<1x16xf32>,
      %get3A_501 = vector.shape_cast %get3A_500 : vector<1x16xf32> to vector<16xf32>
      %add3A_502 = arith.addf %scan3A_437, %get3A_501 : vector<16xf32>
      %get3A_503 = arith.constant 0 : i32
      %get3A_504 = arith.constant 0 : i32
      %get3A_505 = tpu.memref_slice %arg9[%scan3A_338, %get3A_503, %get3A_504] : memref<4x64x128xf32, #tpu.memory_space<vmem>> -> memref<1x64x128xf32, #tpu.memory_space<vmem>>
      %get3A_506 = tpu.memref_squeeze %get3A_505 : memref<1x64x128xf32, #tpu.memory_space<vmem>> -> memref<64x128xf32, #tpu.memory_space<vmem>>
      %get3A_507 = arith.index_cast %mul3A_440 : i32 to index
      %get3A_508 = arith.constant 112 : index
      %get3A_509 = tpu.vector_load %get3A_506[%get3A_507, %get3A_508] {strides = array<i32>} : memref<64x128xf32, #tpu.memory_space<vmem>>, vector<1x16xf32>,
      %get3A_510 = vector.shape_cast %get3A_509 : vector<1x16xf32> to vector<16xf32>
      %add3A_511 = arith.addf %scan3A_438, %get3A_510 : vector<16xf32>
      %add3A_512 = arith.constant 1 : i32
      %add3A_513 = arith.addi %mul3A_440, %add3A_512 : i32
      %get3A_514 = arith.constant 0 : i32
      %get3A_515 = arith.constant 0 : i32
      %get3A_516 = tpu.memref_slice %arg9[%scan3A_338, %get3A_514, %get3A_515] : memref<4x64x128xf32, #tpu.memory_space<vmem>> -> memref<1x64x128xf32, #tpu.memory_space<vmem>>
      %get3A_517 = tpu.memref_squeeze %get3A_516 : memref<1x64x128xf32, #tpu.memory_space<vmem>> -> memref<64x128xf32, #tpu.memory_space<vmem>>
      %get3A_518 = arith.index_cast %add3A_513 : i32 to index
      %get3A_519 = arith.constant 0 : index
      %get3A_520 = tpu.vector_load %get3A_517[%get3A_518, %get3A_519] {strides = array<i32>} : memref<64x128xf32, #tpu.memory_space<vmem>>, vector<1x16xf32>,
      %get3A_521 = vector.shape_cast %get3A_520 : vector<1x16xf32> to vector<16xf32>
      %add3A_522 = arith.addf %add3A_448, %get3A_521 : vector<16xf32>
      %add3A_523 = arith.constant 1 : i32
      %add3A_524 = arith.addi %mul3A_440, %add3A_523 : i32
      %get3A_525 = arith.constant 0 : i32
      %get3A_526 = arith.constant 0 : i32
      %get3A_527 = tpu.memref_slice %arg9[%scan3A_338, %get3A_525, %get3A_526] : memref<4x64x128xf32, #tpu.memory_space<vmem>> -> memref<1x64x128xf32, #tpu.memory_space<vmem>>
      %get3A_528 = tpu.memref_squeeze %get3A_527 : memref<1x64x128xf32, #tpu.memory_space<vmem>> -> memref<64x128xf32, #tpu.memory_space<vmem>>
      %get3A_529 = arith.index_cast %add3A_524 : i32 to index
      %get3A_530 = arith.constant 16 : index
      %get3A_531 = tpu.vector_load %get3A_528[%get3A_529, %get3A_530] {strides = array<i32>} : memref<64x128xf32, #tpu.memory_space<vmem>>, vector<1x16xf32>,
      %get3A_532 = vector.shape_cast %get3A_531 : vector<1x16xf32> to vector<16xf32>
      %add3A_533 = arith.addf %add3A_457, %get3A_532 : vector<16xf32>
      %add3A_534 = arith.constant 1 : i32
      %add3A_535 = arith.addi %mul3A_440, %add3A_534 : i32
      %get3A_536 = arith.constant 0 : i32
      %get3A_537 = arith.constant 0 : i32
      %get3A_538 = tpu.memref_slice %arg9[%scan3A_338, %get3A_536, %get3A_537] : memref<4x64x128xf32, #tpu.memory_space<vmem>> -> memref<1x64x128xf32, #tpu.memory_space<vmem>>
      %get3A_539 = tpu.memref_squeeze %get3A_538 : memref<1x64x128xf32, #tpu.memory_space<vmem>> -> memref<64x128xf32, #tpu.memory_space<vmem>>
      %get3A_540 = arith.index_cast %add3A_535 : i32 to index
      %get3A_541 = arith.constant 32 : index
      %get3A_542 = tpu.vector_load %get3A_539[%get3A_540, %get3A_541] {strides = array<i32>} : memref<64x128xf32, #tpu.memory_space<vmem>>, vector<1x16xf32>,
      %get3A_543 = vector.shape_cast %get3A_542 : vector<1x16xf32> to vector<16xf32>
      %add3A_544 = arith.addf %add3A_466, %get3A_543 : vector<16xf32>
      %add3A_545 = arith.constant 1 : i32
      %add3A_546 = arith.addi %mul3A_440, %add3A_545 : i32
      %get3A_547 = arith.constant 0 : i32
      %get3A_548 = arith.constant 0 : i32
      %get3A_549 = tpu.memref_slice %arg9[%scan3A_338, %get3A_547, %get3A_548] : memref<4x64x128xf32, #tpu.memory_space<vmem>> -> memref<1x64x128xf32, #tpu.memory_space<vmem>>
      %get3A_550 = tpu.memref_squeeze %get3A_549 : memref<1x64x128xf32, #tpu.memory_space<vmem>> -> memref<64x128xf32, #tpu.memory_space<vmem>>
      %get3A_551 = arith.index_cast %add3A_546 : i32 to index
      %get3A_552 = arith.constant 48 : index
      %get3A_553 = tpu.vector_load %get3A_550[%get3A_551, %get3A_552] {strides = array<i32>} : memref<64x128xf32, #tpu.memory_space<vmem>>, vector<1x16xf32>,
      %get3A_554 = vector.shape_cast %get3A_553 : vector<1x16xf32> to vector<16xf32>
      %add3A_555 = arith.addf %add3A_475, %get3A_554 : vector<16xf32>
      %add3A_556 = arith.constant 1 : i32
      %add3A_557 = arith.addi %mul3A_440, %add3A_556 : i32
      %get3A_558 = arith.constant 0 : i32
      %get3A_559 = arith.constant 0 : i32
      %get3A_560 = tpu.memref_slice %arg9[%scan3A_338, %get3A_558, %get3A_559] : memref<4x64x128xf32, #tpu.memory_space<vmem>> -> memref<1x64x128xf32, #tpu.memory_space<vmem>>
      %get3A_561 = tpu.memref_squeeze %get3A_560 : memref<1x64x128xf32, #tpu.memory_space<vmem>> -> memref<64x128xf32, #tpu.memory_space<vmem>>
      %get3A_562 = arith.index_cast %add3A_557 : i32 to index
      %get3A_563 = arith.constant 64 : index
      %get3A_564 = tpu.vector_load %get3A_561[%get3A_562, %get3A_563] {strides = array<i32>} : memref<64x128xf32, #tpu.memory_space<vmem>>, vector<1x16xf32>,
      %get3A_565 = vector.shape_cast %get3A_564 : vector<1x16xf32> to vector<16xf32>
      %add3A_566 = arith.addf %add3A_484, %get3A_565 : vector<16xf32>
      %add3A_567 = arith.constant 1 : i32
      %add3A_568 = arith.addi %mul3A_440, %add3A_567 : i32
      %get3A_569 = arith.constant 0 : i32
      %get3A_570 = arith.constant 0 : i32
      %get3A_571 = tpu.memref_slice %arg9[%scan3A_338, %get3A_569, %get3A_570] : memref<4x64x128xf32, #tpu.memory_space<vmem>> -> memref<1x64x128xf32, #tpu.memory_space<vmem>>
      %get3A_572 = tpu.memref_squeeze %get3A_571 : memref<1x64x128xf32, #tpu.memory_space<vmem>> -> memref<64x128xf32, #tpu.memory_space<vmem>>
      %get3A_573 = arith.index_cast %add3A_568 : i32 to index
      %get3A_574 = arith.constant 80 : index
      %get3A_575 = tpu.vector_load %get3A_572[%get3A_573, %get3A_574] {strides = array<i32>} : memref<64x128xf32, #tpu.memory_space<vmem>>, vector<1x16xf32>,
      %get3A_576 = vector.shape_cast %get3A_575 : vector<1x16xf32> to vector<16xf32>
      %add3A_577 = arith.addf %add3A_493, %get3A_576 : vector<16xf32>
      %add3A_578 = arith.constant 1 : i32
      %add3A_579 = arith.addi %mul3A_440, %add3A_578 : i32
      %get3A_580 = arith.constant 0 : i32
      %get3A_581 = arith.constant 0 : i32
      %get3A_582 = tpu.memref_slice %arg9[%scan3A_338, %get3A_580, %get3A_581] : memref<4x64x128xf32, #tpu.memory_space<vmem>> -> memref<1x64x128xf32, #tpu.memory_space<vmem>>
      %get3A_583 = tpu.memref_squeeze %get3A_582 : memref<1x64x128xf32, #tpu.memory_space<vmem>> -> memref<64x128xf32, #tpu.memory_space<vmem>>
      %get3A_584 = arith.index_cast %add3A_579 : i32 to index
      %get3A_585 = arith.constant 96 : index
      %get3A_586 = tpu.vector_load %get3A_583[%get3A_584, %get3A_585] {strides = array<i32>} : memref<64x128xf32, #tpu.memory_space<vmem>>, vector<1x16xf32>,
      %get3A_587 = vector.shape_cast %get3A_586 : vector<1x16xf32> to vector<16xf32>
      %add3A_588 = arith.addf %add3A_502, %get3A_587 : vector<16xf32>
      %add3A_589 = arith.constant 1 : i32
      %add3A_590 = arith.addi %mul3A_440, %add3A_589 : i32
      %get3A_591 = arith.constant 0 : i32
      %get3A_592 = arith.constant 0 : i32
      %get3A_593 = tpu.memref_slice %arg9[%scan3A_338, %get3A_591, %get3A_592] : memref<4x64x128xf32, #tpu.memory_space<vmem>> -> memref<1x64x128xf32, #tpu.memory_space<vmem>>
      %get3A_594 = tpu.memref_squeeze %get3A_593 : memref<1x64x128xf32, #tpu.memory_space<vmem>> -> memref<64x128xf32, #tpu.memory_space<vmem>>
      %get3A_595 = arith.index_cast %add3A_590 : i32 to index
      %get3A_596 = arith.constant 112 : index
      %get3A_597 = tpu.vector_load %get3A_594[%get3A_595, %get3A_596] {strides = array<i32>} : memref<64x128xf32, #tpu.memory_space<vmem>>, vector<1x16xf32>,
      %get3A_598 = vector.shape_cast %get3A_597 : vector<1x16xf32> to vector<16xf32>
      %add3A_599 = arith.addf %add3A_511, %get3A_598 : vector<16xf32>
      scf.yield %add3A_522, %add3A_533, %add3A_544, %add3A_555, %add3A_566, %add3A_577, %add3A_588, %add3A_599 : vector<16xf32>, vector<16xf32>, vector<16xf32>, vector<16xf32>, vector<16xf32>, vector<16xf32>, vector<16xf32>, vector<16xf32>
    }
    %scan3A_344 = arith.constant 32 : i32
    %dma_wait3A_345 = arith.constant 2 : i32
    %dma_wait3A_346 = arith.constant 0 : i32
    %dma_wait3A_347 = arith.constant 0 : i32
    %dma_wait3A_348 = tpu.memref_slice %arg9[%dma_wait3A_345, %dma_wait3A_346, %dma_wait3A_347] : memref<4x64x128xf32, #tpu.memory_space<vmem>> -> memref<1x64x128xf32, #tpu.memory_space<vmem>>
    %dma_wait3A_349 = tpu.memref_squeeze %dma_wait3A_348 : memref<1x64x128xf32, #tpu.memory_space<vmem>> -> memref<64x128xf32, #tpu.memory_space<vmem>>
    %dma_wait3A_350 = arith.constant 384 : i32
    %dma_wait3A_351 = tpu.memref_slice %arg7[%dma_wait3A_350] : memref<512xi32, #tpu.memory_space<vmem>> -> memref<64xi32, #tpu.memory_space<vmem>>
    %dma_wait3A_352 = arith.constant 0 : i32
    %dma_wait3A_353 = arith.constant 0 : i32
    %dma_wait3A_354 = tpu.memref_slice %arg4[%dma_wait3A_352, %dma_wait3A_353] : memref<100000x128xf32, #tpu.memory_space<hbm>> -> memref<100000x128xf32, #tpu.memory_space<hbm>>
    tpu.wait_indirect_dma semaphore(%arg15 : memref<!tpu.dma_semaphore, #tpu.memory_space<semaphore_mem>>) src(%dma_wait3A_354 : memref<100000x128xf32, #tpu.memory_space<hbm>>) dst(%dma_wait3A_349 : memref<64x128xf32, #tpu.memory_space<vmem>>)
    %dma_wait3A_355 = arith.constant 2 : i32
    %dma_wait3A_356 = arith.constant 0 : i32
    %dma_wait3A_357 = arith.constant 0 : i32
    %dma_wait3A_358 = tpu.memref_slice %arg10[%dma_wait3A_355, %dma_wait3A_356, %dma_wait3A_357] : memref<4x64x128xf32, #tpu.memory_space<vmem>> -> memref<1x64x128xf32, #tpu.memory_space<vmem>>
    %dma_wait3A_359 = tpu.memref_squeeze %dma_wait3A_358 : memref<1x64x128xf32, #tpu.memory_space<vmem>> -> memref<64x128xf32, #tpu.memory_space<vmem>>
    %dma_wait3A_360 = arith.constant 384 : i32
    %dma_wait3A_361 = tpu.memref_slice %arg8[%dma_wait3A_360] : memref<512xi32, #tpu.memory_space<vmem>> -> memref<64xi32, #tpu.memory_space<vmem>>
    %dma_wait3A_362 = arith.constant 0 : i32
    %dma_wait3A_363 = arith.constant 0 : i32
    %dma_wait3A_364 = tpu.memref_slice %arg5[%dma_wait3A_362, %dma_wait3A_363] : memref<100000x128xf32, #tpu.memory_space<hbm>> -> memref<100000x128xf32, #tpu.memory_space<hbm>>
    tpu.wait_indirect_dma semaphore(%arg15 : memref<!tpu.dma_semaphore, #tpu.memory_space<semaphore_mem>>) src(%dma_wait3A_364 : memref<100000x128xf32, #tpu.memory_space<hbm>>) dst(%dma_wait3A_359 : memref<64x128xf32, #tpu.memory_space<vmem>>)
    %scan3A_365 = arith.constant 2 : i32
    %scan3A_366 = arith.constant 0 : i32
    %scan3A_367 = arith.constant 32 : i32
    %scan3A_368 = arith.addi %scan3A_366, %scan3A_367 : i32
    %scan3A_369 = arith.constant 1 : i32
    %scan3A_370:8 = scf.for %scan3A_430 = %scan3A_366 to %scan3A_368 step %scan3A_369 iter_args(%scan3A_431 = %scan3A_343#0, %scan3A_432 = %scan3A_343#1, %scan3A_433 = %scan3A_343#2, %scan3A_434 = %scan3A_343#3, %scan3A_435 = %scan3A_343#4, %scan3A_436 = %scan3A_343#5, %scan3A_437 = %scan3A_343#6, %scan3A_438 = %scan3A_343#7) -> (vector<16xf32>, vector<16xf32>, vector<16xf32>, vector<16xf32>, vector<16xf32>, vector<16xf32>, vector<16xf32>, vector<16xf32>)  : i32 {
      %mul3A_439 = arith.constant 2 : i32
      %mul3A_440 = arith.muli %scan3A_430, %mul3A_439 : i32
      %get3A = arith.constant 0 : i32
      %get3A_441 = arith.constant 0 : i32
      %get3A_442 = tpu.memref_slice %arg9[%scan3A_365, %get3A, %get3A_441] : memref<4x64x128xf32, #tpu.memory_space<vmem>> -> memref<1x64x128xf32, #tpu.memory_space<vmem>>
      %get3A_443 = tpu.memref_squeeze %get3A_442 : memref<1x64x128xf32, #tpu.memory_space<vmem>> -> memref<64x128xf32, #tpu.memory_space<vmem>>
      %get3A_444 = arith.index_cast %mul3A_440 : i32 to index
      %get3A_445 = arith.constant 0 : index
      %get3A_446 = tpu.vector_load %get3A_443[%get3A_444, %get3A_445] {strides = array<i32>} : memref<64x128xf32, #tpu.memory_space<vmem>>, vector<1x16xf32>,
      %get3A_447 = vector.shape_cast %get3A_446 : vector<1x16xf32> to vector<16xf32>
      %add3A_448 = arith.addf %scan3A_431, %get3A_447 : vector<16xf32>
      %get3A_449 = arith.constant 0 : i32
      %get3A_450 = arith.constant 0 : i32
      %get3A_451 = tpu.memref_slice %arg9[%scan3A_365, %get3A_449, %get3A_450] : memref<4x64x128xf32, #tpu.memory_space<vmem>> -> memref<1x64x128xf32, #tpu.memory_space<vmem>>
      %get3A_452 = tpu.memref_squeeze %get3A_451 : memref<1x64x128xf32, #tpu.memory_space<vmem>> -> memref<64x128xf32, #tpu.memory_space<vmem>>
      %get3A_453 = arith.index_cast %mul3A_440 : i32 to index
      %get3A_454 = arith.constant 16 : index
      %get3A_455 = tpu.vector_load %get3A_452[%get3A_453, %get3A_454] {strides = array<i32>} : memref<64x128xf32, #tpu.memory_space<vmem>>, vector<1x16xf32>,
      %get3A_456 = vector.shape_cast %get3A_455 : vector<1x16xf32> to vector<16xf32>
      %add3A_457 = arith.addf %scan3A_432, %get3A_456 : vector<16xf32>
      %get3A_458 = arith.constant 0 : i32
      %get3A_459 = arith.constant 0 : i32
      %get3A_460 = tpu.memref_slice %arg9[%scan3A_365, %get3A_458, %get3A_459] : memref<4x64x128xf32, #tpu.memory_space<vmem>> -> memref<1x64x128xf32, #tpu.memory_space<vmem>>
      %get3A_461 = tpu.memref_squeeze %get3A_460 : memref<1x64x128xf32, #tpu.memory_space<vmem>> -> memref<64x128xf32, #tpu.memory_space<vmem>>
      %get3A_462 = arith.index_cast %mul3A_440 : i32 to index
      %get3A_463 = arith.constant 32 : index
      %get3A_464 = tpu.vector_load %get3A_461[%get3A_462, %get3A_463] {strides = array<i32>} : memref<64x128xf32, #tpu.memory_space<vmem>>, vector<1x16xf32>,
      %get3A_465 = vector.shape_cast %get3A_464 : vector<1x16xf32> to vector<16xf32>
      %add3A_466 = arith.addf %scan3A_433, %get3A_465 : vector<16xf32>
      %get3A_467 = arith.constant 0 : i32
      %get3A_468 = arith.constant 0 : i32
      %get3A_469 = tpu.memref_slice %arg9[%scan3A_365, %get3A_467, %get3A_468] : memref<4x64x128xf32, #tpu.memory_space<vmem>> -> memref<1x64x128xf32, #tpu.memory_space<vmem>>
      %get3A_470 = tpu.memref_squeeze %get3A_469 : memref<1x64x128xf32, #tpu.memory_space<vmem>> -> memref<64x128xf32, #tpu.memory_space<vmem>>
      %get3A_471 = arith.index_cast %mul3A_440 : i32 to index
      %get3A_472 = arith.constant 48 : index
      %get3A_473 = tpu.vector_load %get3A_470[%get3A_471, %get3A_472] {strides = array<i32>} : memref<64x128xf32, #tpu.memory_space<vmem>>, vector<1x16xf32>,
      %get3A_474 = vector.shape_cast %get3A_473 : vector<1x16xf32> to vector<16xf32>
      %add3A_475 = arith.addf %scan3A_434, %get3A_474 : vector<16xf32>
      %get3A_476 = arith.constant 0 : i32
      %get3A_477 = arith.constant 0 : i32
      %get3A_478 = tpu.memref_slice %arg9[%scan3A_365, %get3A_476, %get3A_477] : memref<4x64x128xf32, #tpu.memory_space<vmem>> -> memref<1x64x128xf32, #tpu.memory_space<vmem>>
      %get3A_479 = tpu.memref_squeeze %get3A_478 : memref<1x64x128xf32, #tpu.memory_space<vmem>> -> memref<64x128xf32, #tpu.memory_space<vmem>>
      %get3A_480 = arith.index_cast %mul3A_440 : i32 to index
      %get3A_481 = arith.constant 64 : index
      %get3A_482 = tpu.vector_load %get3A_479[%get3A_480, %get3A_481] {strides = array<i32>} : memref<64x128xf32, #tpu.memory_space<vmem>>, vector<1x16xf32>,
      %get3A_483 = vector.shape_cast %get3A_482 : vector<1x16xf32> to vector<16xf32>
      %add3A_484 = arith.addf %scan3A_435, %get3A_483 : vector<16xf32>
      %get3A_485 = arith.constant 0 : i32
      %get3A_486 = arith.constant 0 : i32
      %get3A_487 = tpu.memref_slice %arg9[%scan3A_365, %get3A_485, %get3A_486] : memref<4x64x128xf32, #tpu.memory_space<vmem>> -> memref<1x64x128xf32, #tpu.memory_space<vmem>>
      %get3A_488 = tpu.memref_squeeze %get3A_487 : memref<1x64x128xf32, #tpu.memory_space<vmem>> -> memref<64x128xf32, #tpu.memory_space<vmem>>
      %get3A_489 = arith.index_cast %mul3A_440 : i32 to index
      %get3A_490 = arith.constant 80 : index
      %get3A_491 = tpu.vector_load %get3A_488[%get3A_489, %get3A_490] {strides = array<i32>} : memref<64x128xf32, #tpu.memory_space<vmem>>, vector<1x16xf32>,
      %get3A_492 = vector.shape_cast %get3A_491 : vector<1x16xf32> to vector<16xf32>
      %add3A_493 = arith.addf %scan3A_436, %get3A_492 : vector<16xf32>
      %get3A_494 = arith.constant 0 : i32
      %get3A_495 = arith.constant 0 : i32
      %get3A_496 = tpu.memref_slice %arg9[%scan3A_365, %get3A_494, %get3A_495] : memref<4x64x128xf32, #tpu.memory_space<vmem>> -> memref<1x64x128xf32, #tpu.memory_space<vmem>>
      %get3A_497 = tpu.memref_squeeze %get3A_496 : memref<1x64x128xf32, #tpu.memory_space<vmem>> -> memref<64x128xf32, #tpu.memory_space<vmem>>
      %get3A_498 = arith.index_cast %mul3A_440 : i32 to index
      %get3A_499 = arith.constant 96 : index
      %get3A_500 = tpu.vector_load %get3A_497[%get3A_498, %get3A_499] {strides = array<i32>} : memref<64x128xf32, #tpu.memory_space<vmem>>, vector<1x16xf32>,
      %get3A_501 = vector.shape_cast %get3A_500 : vector<1x16xf32> to vector<16xf32>
      %add3A_502 = arith.addf %scan3A_437, %get3A_501 : vector<16xf32>
      %get3A_503 = arith.constant 0 : i32
      %get3A_504 = arith.constant 0 : i32
      %get3A_505 = tpu.memref_slice %arg9[%scan3A_365, %get3A_503, %get3A_504] : memref<4x64x128xf32, #tpu.memory_space<vmem>> -> memref<1x64x128xf32, #tpu.memory_space<vmem>>
      %get3A_506 = tpu.memref_squeeze %get3A_505 : memref<1x64x128xf32, #tpu.memory_space<vmem>> -> memref<64x128xf32, #tpu.memory_space<vmem>>
      %get3A_507 = arith.index_cast %mul3A_440 : i32 to index
      %get3A_508 = arith.constant 112 : index
      %get3A_509 = tpu.vector_load %get3A_506[%get3A_507, %get3A_508] {strides = array<i32>} : memref<64x128xf32, #tpu.memory_space<vmem>>, vector<1x16xf32>,
      %get3A_510 = vector.shape_cast %get3A_509 : vector<1x16xf32> to vector<16xf32>
      %add3A_511 = arith.addf %scan3A_438, %get3A_510 : vector<16xf32>
      %add3A_512 = arith.constant 1 : i32
      %add3A_513 = arith.addi %mul3A_440, %add3A_512 : i32
      %get3A_514 = arith.constant 0 : i32
      %get3A_515 = arith.constant 0 : i32
      %get3A_516 = tpu.memref_slice %arg9[%scan3A_365, %get3A_514, %get3A_515] : memref<4x64x128xf32, #tpu.memory_space<vmem>> -> memref<1x64x128xf32, #tpu.memory_space<vmem>>
      %get3A_517 = tpu.memref_squeeze %get3A_516 : memref<1x64x128xf32, #tpu.memory_space<vmem>> -> memref<64x128xf32, #tpu.memory_space<vmem>>
      %get3A_518 = arith.index_cast %add3A_513 : i32 to index
      %get3A_519 = arith.constant 0 : index
      %get3A_520 = tpu.vector_load %get3A_517[%get3A_518, %get3A_519] {strides = array<i32>} : memref<64x128xf32, #tpu.memory_space<vmem>>, vector<1x16xf32>,
      %get3A_521 = vector.shape_cast %get3A_520 : vector<1x16xf32> to vector<16xf32>
      %add3A_522 = arith.addf %add3A_448, %get3A_521 : vector<16xf32>
      %add3A_523 = arith.constant 1 : i32
      %add3A_524 = arith.addi %mul3A_440, %add3A_523 : i32
      %get3A_525 = arith.constant 0 : i32
      %get3A_526 = arith.constant 0 : i32
      %get3A_527 = tpu.memref_slice %arg9[%scan3A_365, %get3A_525, %get3A_526] : memref<4x64x128xf32, #tpu.memory_space<vmem>> -> memref<1x64x128xf32, #tpu.memory_space<vmem>>
      %get3A_528 = tpu.memref_squeeze %get3A_527 : memref<1x64x128xf32, #tpu.memory_space<vmem>> -> memref<64x128xf32, #tpu.memory_space<vmem>>
      %get3A_529 = arith.index_cast %add3A_524 : i32 to index
      %get3A_530 = arith.constant 16 : index
      %get3A_531 = tpu.vector_load %get3A_528[%get3A_529, %get3A_530] {strides = array<i32>} : memref<64x128xf32, #tpu.memory_space<vmem>>, vector<1x16xf32>,
      %get3A_532 = vector.shape_cast %get3A_531 : vector<1x16xf32> to vector<16xf32>
      %add3A_533 = arith.addf %add3A_457, %get3A_532 : vector<16xf32>
      %add3A_534 = arith.constant 1 : i32
      %add3A_535 = arith.addi %mul3A_440, %add3A_534 : i32
      %get3A_536 = arith.constant 0 : i32
      %get3A_537 = arith.constant 0 : i32
      %get3A_538 = tpu.memref_slice %arg9[%scan3A_365, %get3A_536, %get3A_537] : memref<4x64x128xf32, #tpu.memory_space<vmem>> -> memref<1x64x128xf32, #tpu.memory_space<vmem>>
      %get3A_539 = tpu.memref_squeeze %get3A_538 : memref<1x64x128xf32, #tpu.memory_space<vmem>> -> memref<64x128xf32, #tpu.memory_space<vmem>>
      %get3A_540 = arith.index_cast %add3A_535 : i32 to index
      %get3A_541 = arith.constant 32 : index
      %get3A_542 = tpu.vector_load %get3A_539[%get3A_540, %get3A_541] {strides = array<i32>} : memref<64x128xf32, #tpu.memory_space<vmem>>, vector<1x16xf32>,
      %get3A_543 = vector.shape_cast %get3A_542 : vector<1x16xf32> to vector<16xf32>
      %add3A_544 = arith.addf %add3A_466, %get3A_543 : vector<16xf32>
      %add3A_545 = arith.constant 1 : i32
      %add3A_546 = arith.addi %mul3A_440, %add3A_545 : i32
      %get3A_547 = arith.constant 0 : i32
      %get3A_548 = arith.constant 0 : i32
      %get3A_549 = tpu.memref_slice %arg9[%scan3A_365, %get3A_547, %get3A_548] : memref<4x64x128xf32, #tpu.memory_space<vmem>> -> memref<1x64x128xf32, #tpu.memory_space<vmem>>
      %get3A_550 = tpu.memref_squeeze %get3A_549 : memref<1x64x128xf32, #tpu.memory_space<vmem>> -> memref<64x128xf32, #tpu.memory_space<vmem>>
      %get3A_551 = arith.index_cast %add3A_546 : i32 to index
      %get3A_552 = arith.constant 48 : index
      %get3A_553 = tpu.vector_load %get3A_550[%get3A_551, %get3A_552] {strides = array<i32>} : memref<64x128xf32, #tpu.memory_space<vmem>>, vector<1x16xf32>,
      %get3A_554 = vector.shape_cast %get3A_553 : vector<1x16xf32> to vector<16xf32>
      %add3A_555 = arith.addf %add3A_475, %get3A_554 : vector<16xf32>
      %add3A_556 = arith.constant 1 : i32
      %add3A_557 = arith.addi %mul3A_440, %add3A_556 : i32
      %get3A_558 = arith.constant 0 : i32
      %get3A_559 = arith.constant 0 : i32
      %get3A_560 = tpu.memref_slice %arg9[%scan3A_365, %get3A_558, %get3A_559] : memref<4x64x128xf32, #tpu.memory_space<vmem>> -> memref<1x64x128xf32, #tpu.memory_space<vmem>>
      %get3A_561 = tpu.memref_squeeze %get3A_560 : memref<1x64x128xf32, #tpu.memory_space<vmem>> -> memref<64x128xf32, #tpu.memory_space<vmem>>
      %get3A_562 = arith.index_cast %add3A_557 : i32 to index
      %get3A_563 = arith.constant 64 : index
      %get3A_564 = tpu.vector_load %get3A_561[%get3A_562, %get3A_563] {strides = array<i32>} : memref<64x128xf32, #tpu.memory_space<vmem>>, vector<1x16xf32>,
      %get3A_565 = vector.shape_cast %get3A_564 : vector<1x16xf32> to vector<16xf32>
      %add3A_566 = arith.addf %add3A_484, %get3A_565 : vector<16xf32>
      %add3A_567 = arith.constant 1 : i32
      %add3A_568 = arith.addi %mul3A_440, %add3A_567 : i32
      %get3A_569 = arith.constant 0 : i32
      %get3A_570 = arith.constant 0 : i32
      %get3A_571 = tpu.memref_slice %arg9[%scan3A_365, %get3A_569, %get3A_570] : memref<4x64x128xf32, #tpu.memory_space<vmem>> -> memref<1x64x128xf32, #tpu.memory_space<vmem>>
      %get3A_572 = tpu.memref_squeeze %get3A_571 : memref<1x64x128xf32, #tpu.memory_space<vmem>> -> memref<64x128xf32, #tpu.memory_space<vmem>>
      %get3A_573 = arith.index_cast %add3A_568 : i32 to index
      %get3A_574 = arith.constant 80 : index
      %get3A_575 = tpu.vector_load %get3A_572[%get3A_573, %get3A_574] {strides = array<i32>} : memref<64x128xf32, #tpu.memory_space<vmem>>, vector<1x16xf32>,
      %get3A_576 = vector.shape_cast %get3A_575 : vector<1x16xf32> to vector<16xf32>
      %add3A_577 = arith.addf %add3A_493, %get3A_576 : vector<16xf32>
      %add3A_578 = arith.constant 1 : i32
      %add3A_579 = arith.addi %mul3A_440, %add3A_578 : i32
      %get3A_580 = arith.constant 0 : i32
      %get3A_581 = arith.constant 0 : i32
      %get3A_582 = tpu.memref_slice %arg9[%scan3A_365, %get3A_580, %get3A_581] : memref<4x64x128xf32, #tpu.memory_space<vmem>> -> memref<1x64x128xf32, #tpu.memory_space<vmem>>
      %get3A_583 = tpu.memref_squeeze %get3A_582 : memref<1x64x128xf32, #tpu.memory_space<vmem>> -> memref<64x128xf32, #tpu.memory_space<vmem>>
      %get3A_584 = arith.index_cast %add3A_579 : i32 to index
      %get3A_585 = arith.constant 96 : index
      %get3A_586 = tpu.vector_load %get3A_583[%get3A_584, %get3A_585] {strides = array<i32>} : memref<64x128xf32, #tpu.memory_space<vmem>>, vector<1x16xf32>,
      %get3A_587 = vector.shape_cast %get3A_586 : vector<1x16xf32> to vector<16xf32>
      %add3A_588 = arith.addf %add3A_502, %get3A_587 : vector<16xf32>
      %add3A_589 = arith.constant 1 : i32
      %add3A_590 = arith.addi %mul3A_440, %add3A_589 : i32
      %get3A_591 = arith.constant 0 : i32
      %get3A_592 = arith.constant 0 : i32
      %get3A_593 = tpu.memref_slice %arg9[%scan3A_365, %get3A_591, %get3A_592] : memref<4x64x128xf32, #tpu.memory_space<vmem>> -> memref<1x64x128xf32, #tpu.memory_space<vmem>>
      %get3A_594 = tpu.memref_squeeze %get3A_593 : memref<1x64x128xf32, #tpu.memory_space<vmem>> -> memref<64x128xf32, #tpu.memory_space<vmem>>
      %get3A_595 = arith.index_cast %add3A_590 : i32 to index
      %get3A_596 = arith.constant 112 : index
      %get3A_597 = tpu.vector_load %get3A_594[%get3A_595, %get3A_596] {strides = array<i32>} : memref<64x128xf32, #tpu.memory_space<vmem>>, vector<1x16xf32>,
      %get3A_598 = vector.shape_cast %get3A_597 : vector<1x16xf32> to vector<16xf32>
      %add3A_599 = arith.addf %add3A_511, %get3A_598 : vector<16xf32>
      scf.yield %add3A_522, %add3A_533, %add3A_544, %add3A_555, %add3A_566, %add3A_577, %add3A_588, %add3A_599 : vector<16xf32>, vector<16xf32>, vector<16xf32>, vector<16xf32>, vector<16xf32>, vector<16xf32>, vector<16xf32>, vector<16xf32>
    }
    %scan3A_371 = arith.constant 32 : i32
    %dma_wait3A_372 = arith.constant 3 : i32
    %dma_wait3A_373 = arith.constant 0 : i32
    %dma_wait3A_374 = arith.constant 0 : i32
    %dma_wait3A_375 = tpu.memref_slice %arg9[%dma_wait3A_372, %dma_wait3A_373, %dma_wait3A_374] : memref<4x64x128xf32, #tpu.memory_space<vmem>> -> memref<1x64x128xf32, #tpu.memory_space<vmem>>
    %dma_wait3A_376 = tpu.memref_squeeze %dma_wait3A_375 : memref<1x64x128xf32, #tpu.memory_space<vmem>> -> memref<64x128xf32, #tpu.memory_space<vmem>>
    %dma_wait3A_377 = arith.constant 448 : i32
    %dma_wait3A_378 = tpu.memref_slice %arg7[%dma_wait3A_377] : memref<512xi32, #tpu.memory_space<vmem>> -> memref<64xi32, #tpu.memory_space<vmem>>
    %dma_wait3A_379 = arith.constant 0 : i32
    %dma_wait3A_380 = arith.constant 0 : i32
    %dma_wait3A_381 = tpu.memref_slice %arg4[%dma_wait3A_379, %dma_wait3A_380] : memref<100000x128xf32, #tpu.memory_space<hbm>> -> memref<100000x128xf32, #tpu.memory_space<hbm>>
    tpu.wait_indirect_dma semaphore(%arg16 : memref<!tpu.dma_semaphore, #tpu.memory_space<semaphore_mem>>) src(%dma_wait3A_381 : memref<100000x128xf32, #tpu.memory_space<hbm>>) dst(%dma_wait3A_376 : memref<64x128xf32, #tpu.memory_space<vmem>>)
    %dma_wait3A_382 = arith.constant 3 : i32
    %dma_wait3A_383 = arith.constant 0 : i32
    %dma_wait3A_384 = arith.constant 0 : i32
    %dma_wait3A_385 = tpu.memref_slice %arg10[%dma_wait3A_382, %dma_wait3A_383, %dma_wait3A_384] : memref<4x64x128xf32, #tpu.memory_space<vmem>> -> memref<1x64x128xf32, #tpu.memory_space<vmem>>
    %dma_wait3A_386 = tpu.memref_squeeze %dma_wait3A_385 : memref<1x64x128xf32, #tpu.memory_space<vmem>> -> memref<64x128xf32, #tpu.memory_space<vmem>>
    %dma_wait3A_387 = arith.constant 448 : i32
    %dma_wait3A_388 = tpu.memref_slice %arg8[%dma_wait3A_387] : memref<512xi32, #tpu.memory_space<vmem>> -> memref<64xi32, #tpu.memory_space<vmem>>
    %dma_wait3A_389 = arith.constant 0 : i32
    %dma_wait3A_390 = arith.constant 0 : i32
    %dma_wait3A_391 = tpu.memref_slice %arg5[%dma_wait3A_389, %dma_wait3A_390] : memref<100000x128xf32, #tpu.memory_space<hbm>> -> memref<100000x128xf32, #tpu.memory_space<hbm>>
    tpu.wait_indirect_dma semaphore(%arg16 : memref<!tpu.dma_semaphore, #tpu.memory_space<semaphore_mem>>) src(%dma_wait3A_391 : memref<100000x128xf32, #tpu.memory_space<hbm>>) dst(%dma_wait3A_386 : memref<64x128xf32, #tpu.memory_space<vmem>>)
    %scan3A_392 = arith.constant 3 : i32
    %scan3A_393 = arith.constant 0 : i32
    %scan3A_394 = arith.constant 32 : i32
    %scan3A_395 = arith.addi %scan3A_393, %scan3A_394 : i32
    %scan3A_396 = arith.constant 1 : i32
    %scan3A_397:8 = scf.for %scan3A_430 = %scan3A_393 to %scan3A_395 step %scan3A_396 iter_args(%scan3A_431 = %scan3A_370#0, %scan3A_432 = %scan3A_370#1, %scan3A_433 = %scan3A_370#2, %scan3A_434 = %scan3A_370#3, %scan3A_435 = %scan3A_370#4, %scan3A_436 = %scan3A_370#5, %scan3A_437 = %scan3A_370#6, %scan3A_438 = %scan3A_370#7) -> (vector<16xf32>, vector<16xf32>, vector<16xf32>, vector<16xf32>, vector<16xf32>, vector<16xf32>, vector<16xf32>, vector<16xf32>)  : i32 {
      %mul3A_439 = arith.constant 2 : i32
      %mul3A_440 = arith.muli %scan3A_430, %mul3A_439 : i32
      %get3A = arith.constant 0 : i32
      %get3A_441 = arith.constant 0 : i32
      %get3A_442 = tpu.memref_slice %arg9[%scan3A_392, %get3A, %get3A_441] : memref<4x64x128xf32, #tpu.memory_space<vmem>> -> memref<1x64x128xf32, #tpu.memory_space<vmem>>
      %get3A_443 = tpu.memref_squeeze %get3A_442 : memref<1x64x128xf32, #tpu.memory_space<vmem>> -> memref<64x128xf32, #tpu.memory_space<vmem>>
      %get3A_444 = arith.index_cast %mul3A_440 : i32 to index
      %get3A_445 = arith.constant 0 : index
      %get3A_446 = tpu.vector_load %get3A_443[%get3A_444, %get3A_445] {strides = array<i32>} : memref<64x128xf32, #tpu.memory_space<vmem>>, vector<1x16xf32>,
      %get3A_447 = vector.shape_cast %get3A_446 : vector<1x16xf32> to vector<16xf32>
      %add3A_448 = arith.addf %scan3A_431, %get3A_447 : vector<16xf32>
      %get3A_449 = arith.constant 0 : i32
      %get3A_450 = arith.constant 0 : i32
      %get3A_451 = tpu.memref_slice %arg9[%scan3A_392, %get3A_449, %get3A_450] : memref<4x64x128xf32, #tpu.memory_space<vmem>> -> memref<1x64x128xf32, #tpu.memory_space<vmem>>
      %get3A_452 = tpu.memref_squeeze %get3A_451 : memref<1x64x128xf32, #tpu.memory_space<vmem>> -> memref<64x128xf32, #tpu.memory_space<vmem>>
      %get3A_453 = arith.index_cast %mul3A_440 : i32 to index
      %get3A_454 = arith.constant 16 : index
      %get3A_455 = tpu.vector_load %get3A_452[%get3A_453, %get3A_454] {strides = array<i32>} : memref<64x128xf32, #tpu.memory_space<vmem>>, vector<1x16xf32>,
      %get3A_456 = vector.shape_cast %get3A_455 : vector<1x16xf32> to vector<16xf32>
      %add3A_457 = arith.addf %scan3A_432, %get3A_456 : vector<16xf32>
      %get3A_458 = arith.constant 0 : i32
      %get3A_459 = arith.constant 0 : i32
      %get3A_460 = tpu.memref_slice %arg9[%scan3A_392, %get3A_458, %get3A_459] : memref<4x64x128xf32, #tpu.memory_space<vmem>> -> memref<1x64x128xf32, #tpu.memory_space<vmem>>
      %get3A_461 = tpu.memref_squeeze %get3A_460 : memref<1x64x128xf32, #tpu.memory_space<vmem>> -> memref<64x128xf32, #tpu.memory_space<vmem>>
      %get3A_462 = arith.index_cast %mul3A_440 : i32 to index
      %get3A_463 = arith.constant 32 : index
      %get3A_464 = tpu.vector_load %get3A_461[%get3A_462, %get3A_463] {strides = array<i32>} : memref<64x128xf32, #tpu.memory_space<vmem>>, vector<1x16xf32>,
      %get3A_465 = vector.shape_cast %get3A_464 : vector<1x16xf32> to vector<16xf32>
      %add3A_466 = arith.addf %scan3A_433, %get3A_465 : vector<16xf32>
      %get3A_467 = arith.constant 0 : i32
      %get3A_468 = arith.constant 0 : i32
      %get3A_469 = tpu.memref_slice %arg9[%scan3A_392, %get3A_467, %get3A_468] : memref<4x64x128xf32, #tpu.memory_space<vmem>> -> memref<1x64x128xf32, #tpu.memory_space<vmem>>
      %get3A_470 = tpu.memref_squeeze %get3A_469 : memref<1x64x128xf32, #tpu.memory_space<vmem>> -> memref<64x128xf32, #tpu.memory_space<vmem>>
      %get3A_471 = arith.index_cast %mul3A_440 : i32 to index
      %get3A_472 = arith.constant 48 : index
      %get3A_473 = tpu.vector_load %get3A_470[%get3A_471, %get3A_472] {strides = array<i32>} : memref<64x128xf32, #tpu.memory_space<vmem>>, vector<1x16xf32>,
      %get3A_474 = vector.shape_cast %get3A_473 : vector<1x16xf32> to vector<16xf32>
      %add3A_475 = arith.addf %scan3A_434, %get3A_474 : vector<16xf32>
      %get3A_476 = arith.constant 0 : i32
      %get3A_477 = arith.constant 0 : i32
      %get3A_478 = tpu.memref_slice %arg9[%scan3A_392, %get3A_476, %get3A_477] : memref<4x64x128xf32, #tpu.memory_space<vmem>> -> memref<1x64x128xf32, #tpu.memory_space<vmem>>
      %get3A_479 = tpu.memref_squeeze %get3A_478 : memref<1x64x128xf32, #tpu.memory_space<vmem>> -> memref<64x128xf32, #tpu.memory_space<vmem>>
      %get3A_480 = arith.index_cast %mul3A_440 : i32 to index
      %get3A_481 = arith.constant 64 : index
      %get3A_482 = tpu.vector_load %get3A_479[%get3A_480, %get3A_481] {strides = array<i32>} : memref<64x128xf32, #tpu.memory_space<vmem>>, vector<1x16xf32>,
      %get3A_483 = vector.shape_cast %get3A_482 : vector<1x16xf32> to vector<16xf32>
      %add3A_484 = arith.addf %scan3A_435, %get3A_483 : vector<16xf32>
      %get3A_485 = arith.constant 0 : i32
      %get3A_486 = arith.constant 0 : i32
      %get3A_487 = tpu.memref_slice %arg9[%scan3A_392, %get3A_485, %get3A_486] : memref<4x64x128xf32, #tpu.memory_space<vmem>> -> memref<1x64x128xf32, #tpu.memory_space<vmem>>
      %get3A_488 = tpu.memref_squeeze %get3A_487 : memref<1x64x128xf32, #tpu.memory_space<vmem>> -> memref<64x128xf32, #tpu.memory_space<vmem>>
      %get3A_489 = arith.index_cast %mul3A_440 : i32 to index
      %get3A_490 = arith.constant 80 : index
      %get3A_491 = tpu.vector_load %get3A_488[%get3A_489, %get3A_490] {strides = array<i32>} : memref<64x128xf32, #tpu.memory_space<vmem>>, vector<1x16xf32>,
      %get3A_492 = vector.shape_cast %get3A_491 : vector<1x16xf32> to vector<16xf32>
      %add3A_493 = arith.addf %scan3A_436, %get3A_492 : vector<16xf32>
      %get3A_494 = arith.constant 0 : i32
      %get3A_495 = arith.constant 0 : i32
      %get3A_496 = tpu.memref_slice %arg9[%scan3A_392, %get3A_494, %get3A_495] : memref<4x64x128xf32, #tpu.memory_space<vmem>> -> memref<1x64x128xf32, #tpu.memory_space<vmem>>
      %get3A_497 = tpu.memref_squeeze %get3A_496 : memref<1x64x128xf32, #tpu.memory_space<vmem>> -> memref<64x128xf32, #tpu.memory_space<vmem>>
      %get3A_498 = arith.index_cast %mul3A_440 : i32 to index
      %get3A_499 = arith.constant 96 : index
      %get3A_500 = tpu.vector_load %get3A_497[%get3A_498, %get3A_499] {strides = array<i32>} : memref<64x128xf32, #tpu.memory_space<vmem>>, vector<1x16xf32>,
      %get3A_501 = vector.shape_cast %get3A_500 : vector<1x16xf32> to vector<16xf32>
      %add3A_502 = arith.addf %scan3A_437, %get3A_501 : vector<16xf32>
      %get3A_503 = arith.constant 0 : i32
      %get3A_504 = arith.constant 0 : i32
      %get3A_505 = tpu.memref_slice %arg9[%scan3A_392, %get3A_503, %get3A_504] : memref<4x64x128xf32, #tpu.memory_space<vmem>> -> memref<1x64x128xf32, #tpu.memory_space<vmem>>
      %get3A_506 = tpu.memref_squeeze %get3A_505 : memref<1x64x128xf32, #tpu.memory_space<vmem>> -> memref<64x128xf32, #tpu.memory_space<vmem>>
      %get3A_507 = arith.index_cast %mul3A_440 : i32 to index
      %get3A_508 = arith.constant 112 : index
      %get3A_509 = tpu.vector_load %get3A_506[%get3A_507, %get3A_508] {strides = array<i32>} : memref<64x128xf32, #tpu.memory_space<vmem>>, vector<1x16xf32>,
      %get3A_510 = vector.shape_cast %get3A_509 : vector<1x16xf32> to vector<16xf32>
      %add3A_511 = arith.addf %scan3A_438, %get3A_510 : vector<16xf32>
      %add3A_512 = arith.constant 1 : i32
      %add3A_513 = arith.addi %mul3A_440, %add3A_512 : i32
      %get3A_514 = arith.constant 0 : i32
      %get3A_515 = arith.constant 0 : i32
      %get3A_516 = tpu.memref_slice %arg9[%scan3A_392, %get3A_514, %get3A_515] : memref<4x64x128xf32, #tpu.memory_space<vmem>> -> memref<1x64x128xf32, #tpu.memory_space<vmem>>
      %get3A_517 = tpu.memref_squeeze %get3A_516 : memref<1x64x128xf32, #tpu.memory_space<vmem>> -> memref<64x128xf32, #tpu.memory_space<vmem>>
      %get3A_518 = arith.index_cast %add3A_513 : i32 to index
      %get3A_519 = arith.constant 0 : index
      %get3A_520 = tpu.vector_load %get3A_517[%get3A_518, %get3A_519] {strides = array<i32>} : memref<64x128xf32, #tpu.memory_space<vmem>>, vector<1x16xf32>,
      %get3A_521 = vector.shape_cast %get3A_520 : vector<1x16xf32> to vector<16xf32>
      %add3A_522 = arith.addf %add3A_448, %get3A_521 : vector<16xf32>
      %add3A_523 = arith.constant 1 : i32
      %add3A_524 = arith.addi %mul3A_440, %add3A_523 : i32
      %get3A_525 = arith.constant 0 : i32
      %get3A_526 = arith.constant 0 : i32
      %get3A_527 = tpu.memref_slice %arg9[%scan3A_392, %get3A_525, %get3A_526] : memref<4x64x128xf32, #tpu.memory_space<vmem>> -> memref<1x64x128xf32, #tpu.memory_space<vmem>>
      %get3A_528 = tpu.memref_squeeze %get3A_527 : memref<1x64x128xf32, #tpu.memory_space<vmem>> -> memref<64x128xf32, #tpu.memory_space<vmem>>
      %get3A_529 = arith.index_cast %add3A_524 : i32 to index
      %get3A_530 = arith.constant 16 : index
      %get3A_531 = tpu.vector_load %get3A_528[%get3A_529, %get3A_530] {strides = array<i32>} : memref<64x128xf32, #tpu.memory_space<vmem>>, vector<1x16xf32>,
      %get3A_532 = vector.shape_cast %get3A_531 : vector<1x16xf32> to vector<16xf32>
      %add3A_533 = arith.addf %add3A_457, %get3A_532 : vector<16xf32>
      %add3A_534 = arith.constant 1 : i32
      %add3A_535 = arith.addi %mul3A_440, %add3A_534 : i32
      %get3A_536 = arith.constant 0 : i32
      %get3A_537 = arith.constant 0 : i32
      %get3A_538 = tpu.memref_slice %arg9[%scan3A_392, %get3A_536, %get3A_537] : memref<4x64x128xf32, #tpu.memory_space<vmem>> -> memref<1x64x128xf32, #tpu.memory_space<vmem>>
      %get3A_539 = tpu.memref_squeeze %get3A_538 : memref<1x64x128xf32, #tpu.memory_space<vmem>> -> memref<64x128xf32, #tpu.memory_space<vmem>>
      %get3A_540 = arith.index_cast %add3A_535 : i32 to index
      %get3A_541 = arith.constant 32 : index
      %get3A_542 = tpu.vector_load %get3A_539[%get3A_540, %get3A_541] {strides = array<i32>} : memref<64x128xf32, #tpu.memory_space<vmem>>, vector<1x16xf32>,
      %get3A_543 = vector.shape_cast %get3A_542 : vector<1x16xf32> to vector<16xf32>
      %add3A_544 = arith.addf %add3A_466, %get3A_543 : vector<16xf32>
      %add3A_545 = arith.constant 1 : i32
      %add3A_546 = arith.addi %mul3A_440, %add3A_545 : i32
      %get3A_547 = arith.constant 0 : i32
      %get3A_548 = arith.constant 0 : i32
      %get3A_549 = tpu.memref_slice %arg9[%scan3A_392, %get3A_547, %get3A_548] : memref<4x64x128xf32, #tpu.memory_space<vmem>> -> memref<1x64x128xf32, #tpu.memory_space<vmem>>
      %get3A_550 = tpu.memref_squeeze %get3A_549 : memref<1x64x128xf32, #tpu.memory_space<vmem>> -> memref<64x128xf32, #tpu.memory_space<vmem>>
      %get3A_551 = arith.index_cast %add3A_546 : i32 to index
      %get3A_552 = arith.constant 48 : index
      %get3A_553 = tpu.vector_load %get3A_550[%get3A_551, %get3A_552] {strides = array<i32>} : memref<64x128xf32, #tpu.memory_space<vmem>>, vector<1x16xf32>,
      %get3A_554 = vector.shape_cast %get3A_553 : vector<1x16xf32> to vector<16xf32>
      %add3A_555 = arith.addf %add3A_475, %get3A_554 : vector<16xf32>
      %add3A_556 = arith.constant 1 : i32
      %add3A_557 = arith.addi %mul3A_440, %add3A_556 : i32
      %get3A_558 = arith.constant 0 : i32
      %get3A_559 = arith.constant 0 : i32
      %get3A_560 = tpu.memref_slice %arg9[%scan3A_392, %get3A_558, %get3A_559] : memref<4x64x128xf32, #tpu.memory_space<vmem>> -> memref<1x64x128xf32, #tpu.memory_space<vmem>>
      %get3A_561 = tpu.memref_squeeze %get3A_560 : memref<1x64x128xf32, #tpu.memory_space<vmem>> -> memref<64x128xf32, #tpu.memory_space<vmem>>
      %get3A_562 = arith.index_cast %add3A_557 : i32 to index
      %get3A_563 = arith.constant 64 : index
      %get3A_564 = tpu.vector_load %get3A_561[%get3A_562, %get3A_563] {strides = array<i32>} : memref<64x128xf32, #tpu.memory_space<vmem>>, vector<1x16xf32>,
      %get3A_565 = vector.shape_cast %get3A_564 : vector<1x16xf32> to vector<16xf32>
      %add3A_566 = arith.addf %add3A_484, %get3A_565 : vector<16xf32>
      %add3A_567 = arith.constant 1 : i32
      %add3A_568 = arith.addi %mul3A_440, %add3A_567 : i32
      %get3A_569 = arith.constant 0 : i32
      %get3A_570 = arith.constant 0 : i32
      %get3A_571 = tpu.memref_slice %arg9[%scan3A_392, %get3A_569, %get3A_570] : memref<4x64x128xf32, #tpu.memory_space<vmem>> -> memref<1x64x128xf32, #tpu.memory_space<vmem>>
      %get3A_572 = tpu.memref_squeeze %get3A_571 : memref<1x64x128xf32, #tpu.memory_space<vmem>> -> memref<64x128xf32, #tpu.memory_space<vmem>>
      %get3A_573 = arith.index_cast %add3A_568 : i32 to index
      %get3A_574 = arith.constant 80 : index
      %get3A_575 = tpu.vector_load %get3A_572[%get3A_573, %get3A_574] {strides = array<i32>} : memref<64x128xf32, #tpu.memory_space<vmem>>, vector<1x16xf32>,
      %get3A_576 = vector.shape_cast %get3A_575 : vector<1x16xf32> to vector<16xf32>
      %add3A_577 = arith.addf %add3A_493, %get3A_576 : vector<16xf32>
      %add3A_578 = arith.constant 1 : i32
      %add3A_579 = arith.addi %mul3A_440, %add3A_578 : i32
      %get3A_580 = arith.constant 0 : i32
      %get3A_581 = arith.constant 0 : i32
      %get3A_582 = tpu.memref_slice %arg9[%scan3A_392, %get3A_580, %get3A_581] : memref<4x64x128xf32, #tpu.memory_space<vmem>> -> memref<1x64x128xf32, #tpu.memory_space<vmem>>
      %get3A_583 = tpu.memref_squeeze %get3A_582 : memref<1x64x128xf32, #tpu.memory_space<vmem>> -> memref<64x128xf32, #tpu.memory_space<vmem>>
      %get3A_584 = arith.index_cast %add3A_579 : i32 to index
      %get3A_585 = arith.constant 96 : index
      %get3A_586 = tpu.vector_load %get3A_583[%get3A_584, %get3A_585] {strides = array<i32>} : memref<64x128xf32, #tpu.memory_space<vmem>>, vector<1x16xf32>,
      %get3A_587 = vector.shape_cast %get3A_586 : vector<1x16xf32> to vector<16xf32>
      %add3A_588 = arith.addf %add3A_502, %get3A_587 : vector<16xf32>
      %add3A_589 = arith.constant 1 : i32
      %add3A_590 = arith.addi %mul3A_440, %add3A_589 : i32
      %get3A_591 = arith.constant 0 : i32
      %get3A_592 = arith.constant 0 : i32
      %get3A_593 = tpu.memref_slice %arg9[%scan3A_392, %get3A_591, %get3A_592] : memref<4x64x128xf32, #tpu.memory_space<vmem>> -> memref<1x64x128xf32, #tpu.memory_space<vmem>>
      %get3A_594 = tpu.memref_squeeze %get3A_593 : memref<1x64x128xf32, #tpu.memory_space<vmem>> -> memref<64x128xf32, #tpu.memory_space<vmem>>
      %get3A_595 = arith.index_cast %add3A_590 : i32 to index
      %get3A_596 = arith.constant 112 : index
      %get3A_597 = tpu.vector_load %get3A_594[%get3A_595, %get3A_596] {strides = array<i32>} : memref<64x128xf32, #tpu.memory_space<vmem>>, vector<1x16xf32>,
      %get3A_598 = vector.shape_cast %get3A_597 : vector<1x16xf32> to vector<16xf32>
      %add3A_599 = arith.addf %add3A_511, %get3A_598 : vector<16xf32>
      scf.yield %add3A_522, %add3A_533, %add3A_544, %add3A_555, %add3A_566, %add3A_577, %add3A_588, %add3A_599 : vector<16xf32>, vector<16xf32>, vector<16xf32>, vector<16xf32>, vector<16xf32>, vector<16xf32>, vector<16xf32>, vector<16xf32>
    }
    %scan3A_398 = arith.constant 32 : i32
    %swap3A = arith.constant 0 : index
    %swap3A_399 = tpu.vector_load %arg11[%swap3A] {strides = array<i32>} : memref<128xf32, #tpu.memory_space<vmem>>, vector<16xf32>,
    %swap3A_400 = vector.shape_cast %swap3A_399 : vector<16xf32> to vector<16xf32>
    %swap3A_401 = vector.shape_cast %scan3A_397#0 : vector<16xf32> to vector<16xf32>
    tpu.vector_store %arg11[%swap3A], %swap3A_401 {strides = array<i32>} : memref<128xf32, #tpu.memory_space<vmem>>, vector<16xf32>,
    %swap3A_402 = arith.constant 16 : index
    %swap3A_403 = tpu.vector_load %arg11[%swap3A_402] {strides = array<i32>} : memref<128xf32, #tpu.memory_space<vmem>>, vector<16xf32>,
    %swap3A_404 = vector.shape_cast %swap3A_403 : vector<16xf32> to vector<16xf32>
    %swap3A_405 = vector.shape_cast %scan3A_397#1 : vector<16xf32> to vector<16xf32>
    tpu.vector_store %arg11[%swap3A_402], %swap3A_405 {strides = array<i32>} : memref<128xf32, #tpu.memory_space<vmem>>, vector<16xf32>,
    %swap3A_406 = arith.constant 32 : index
    %swap3A_407 = tpu.vector_load %arg11[%swap3A_406] {strides = array<i32>} : memref<128xf32, #tpu.memory_space<vmem>>, vector<16xf32>,
    %swap3A_408 = vector.shape_cast %swap3A_407 : vector<16xf32> to vector<16xf32>
    %swap3A_409 = vector.shape_cast %scan3A_397#2 : vector<16xf32> to vector<16xf32>
    tpu.vector_store %arg11[%swap3A_406], %swap3A_409 {strides = array<i32>} : memref<128xf32, #tpu.memory_space<vmem>>, vector<16xf32>,
    %swap3A_410 = arith.constant 48 : index
    %swap3A_411 = tpu.vector_load %arg11[%swap3A_410] {strides = array<i32>} : memref<128xf32, #tpu.memory_space<vmem>>, vector<16xf32>,
    %swap3A_412 = vector.shape_cast %swap3A_411 : vector<16xf32> to vector<16xf32>
    %swap3A_413 = vector.shape_cast %scan3A_397#3 : vector<16xf32> to vector<16xf32>
    tpu.vector_store %arg11[%swap3A_410], %swap3A_413 {strides = array<i32>} : memref<128xf32, #tpu.memory_space<vmem>>, vector<16xf32>,
    %swap3A_414 = arith.constant 64 : index
    %swap3A_415 = tpu.vector_load %arg11[%swap3A_414] {strides = array<i32>} : memref<128xf32, #tpu.memory_space<vmem>>, vector<16xf32>,
    %swap3A_416 = vector.shape_cast %swap3A_415 : vector<16xf32> to vector<16xf32>
    %swap3A_417 = vector.shape_cast %scan3A_397#4 : vector<16xf32> to vector<16xf32>
    tpu.vector_store %arg11[%swap3A_414], %swap3A_417 {strides = array<i32>} : memref<128xf32, #tpu.memory_space<vmem>>, vector<16xf32>,
    %swap3A_418 = arith.constant 80 : index
    %swap3A_419 = tpu.vector_load %arg11[%swap3A_418] {strides = array<i32>} : memref<128xf32, #tpu.memory_space<vmem>>, vector<16xf32>,
    %swap3A_420 = vector.shape_cast %swap3A_419 : vector<16xf32> to vector<16xf32>
    %swap3A_421 = vector.shape_cast %scan3A_397#5 : vector<16xf32> to vector<16xf32>
    tpu.vector_store %arg11[%swap3A_418], %swap3A_421 {strides = array<i32>} : memref<128xf32, #tpu.memory_space<vmem>>, vector<16xf32>,
    %swap3A_422 = arith.constant 96 : index
    %swap3A_423 = tpu.vector_load %arg11[%swap3A_422] {strides = array<i32>} : memref<128xf32, #tpu.memory_space<vmem>>, vector<16xf32>,
    %swap3A_424 = vector.shape_cast %swap3A_423 : vector<16xf32> to vector<16xf32>
    %swap3A_425 = vector.shape_cast %scan3A_397#6 : vector<16xf32> to vector<16xf32>
    tpu.vector_store %arg11[%swap3A_422], %swap3A_425 {strides = array<i32>} : memref<128xf32, #tpu.memory_space<vmem>>, vector<16xf32>,
    %swap3A_426 = arith.constant 112 : index
    %swap3A_427 = tpu.vector_load %arg11[%swap3A_426] {strides = array<i32>} : memref<128xf32, #tpu.memory_space<vmem>>, vector<16xf32>,
    %swap3A_428 = vector.shape_cast %swap3A_427 : vector<16xf32> to vector<16xf32>
    %swap3A_429 = vector.shape_cast %scan3A_397#7 : vector<16xf32> to vector<16xf32>
    tpu.vector_store %arg11[%swap3A_426], %swap3A_429 {strides = array<i32>} : memref<128xf32, #tpu.memory_space<vmem>>, vector<16xf32>,
    "tpu.region"() ({
      %run_scoped3A = tpu.sem_alloc : memref<!tpu.dma_semaphore, #tpu.memory_space<semaphore_mem>>
      %dma_start3A_430 = arith.constant 0 : i32
      %dma_start3A_431 = tpu.memref_slice %arg6[%add3A, %dma_start3A_430] : memref<32x128xf32, #tpu.memory_space<hbm>> -> memref<1x128xf32, #tpu.memory_space<hbm>>
      %dma_start3A_432 = tpu.memref_squeeze %dma_start3A_431 : memref<1x128xf32, #tpu.memory_space<hbm>> -> memref<128xf32, #tpu.memory_space<hbm>>
      %dma_start3A_433 = arith.constant 0 : i32
      %dma_start3A_434 = tpu.memref_slice %arg6[%add3A, %dma_start3A_433] : memref<32x128xf32, #tpu.memory_space<hbm>> -> memref<1x128xf32, #tpu.memory_space<hbm>>
      %dma_start3A_435 = tpu.memref_squeeze %dma_start3A_434 : memref<1x128xf32, #tpu.memory_space<hbm>> -> memref<128xf32, #tpu.memory_space<hbm>>
      tpu.enqueue_dma source(%arg11 : memref<128xf32, #tpu.memory_space<vmem>>) target(%dma_start3A_435 : memref<128xf32, #tpu.memory_space<hbm>>) target_semaphore(%run_scoped3A : memref<!tpu.dma_semaphore, #tpu.memory_space<semaphore_mem>>)
      %dma_wait3A_436 = arith.constant 0 : i32
      %dma_wait3A_437 = tpu.memref_slice %arg6[%add3A, %dma_wait3A_436] : memref<32x128xf32, #tpu.memory_space<hbm>> -> memref<1x128xf32, #tpu.memory_space<hbm>>
      %dma_wait3A_438 = tpu.memref_squeeze %dma_wait3A_437 : memref<1x128xf32, #tpu.memory_space<hbm>> -> memref<128xf32, #tpu.memory_space<hbm>>
      %dma_wait3A_439 = arith.constant 0 : i32
      %dma_wait3A_440 = tpu.memref_slice %arg6[%add3A, %dma_wait3A_439] : memref<32x128xf32, #tpu.memory_space<hbm>> -> memref<1x128xf32, #tpu.memory_space<hbm>>
      %dma_wait3A_441 = tpu.memref_squeeze %dma_wait3A_440 : memref<1x128xf32, #tpu.memory_space<hbm>> -> memref<128xf32, #tpu.memory_space<hbm>>
      tpu.wait_dma2 semaphore(%run_scoped3A : memref<!tpu.dma_semaphore, #tpu.memory_space<semaphore_mem>>) src(%arg11 : memref<128xf32, #tpu.memory_space<vmem>>) dst(%dma_wait3A_441 : memref<128xf32, #tpu.memory_space<hbm>>)
      tpu.yield
    }) : () -> ()
    return
  }
}

module attributes {stable_mosaic.version = 14 : i64} {
  func.func @_finale(%arg0: memref<32x128xf32, #tpu.memory_space<vmem>>, %arg1: memref<1x1xf32, #tpu.memory_space<vmem>>, %arg2: memref<1x128xf32, #tpu.memory_space<vmem>>) attributes {dimension_semantics = [], scalar_prefetch = 0 : i64, scratch_operands = 0 : i64, tpu.core_type = #tpu.core_type<tc>} {
    %get3A = arith.constant 0 : index
    %get3A_0 = arith.constant 0 : index
    %get3A_1 = vector.load %arg0[%get3A, %get3A_0] : memref<32x128xf32, #tpu.memory_space<vmem>>, vector<32x128xf32>
    %reduce_sum3A = arith.constant dense<0.000000e+00> : vector<128xf32>
    %reduce_sum3A_2 = vector.multi_reduction <add>, %get3A_1, %reduce_sum3A [0] : vector<32x128xf32> to vector<128xf32>
    %broadcast_in_dim3A = vector.shape_cast %reduce_sum3A_2 : vector<128xf32> to vector<1x128xf32>
    %neg3A = arith.constant 0.000000e+00 : f32
    %neg3A_3 = vector.broadcast %neg3A : f32 to vector<1x128xf32>
    %neg3A_4 = arith.subf %neg3A_3, %broadcast_in_dim3A : vector<1x128xf32>
    %exp3A = math.exp %neg3A_4 : vector<1x128xf32>
    %add3A = arith.constant 1.000000e+00 : f32
    %add3A_5 = vector.broadcast %add3A : f32 to vector<1x128xf32>
    %add3A_6 = arith.addf %add3A_5, %exp3A : vector<1x128xf32>
    %div3A = arith.constant 1.000000e+00 : f32
    %div3A_7 = vector.broadcast %div3A : f32 to vector<1x128xf32>
    %div3A_8 = arith.divf %div3A_7, %add3A_6 : vector<1x128xf32>
    %get3A_9 = arith.constant 0 : index
    %get3A_10 = arith.constant 0 : index
    %get3A_11 = vector.load %arg1[%get3A_9, %get3A_10] : memref<1x1xf32, #tpu.memory_space<vmem>>, vector<1x1xf32>
    %get3A_12 = vector.extract %get3A_11[0, 0] : f32 from vector<1x1xf32>
    %sub3A = arith.constant 1.000000e+00 : f32
    %sub3A_13 = arith.subf %get3A_12, %sub3A : f32
    %mul3A = arith.constant 2.500000e-01 : f32
    %mul3A_14 = arith.mulf %sub3A_13, %mul3A : f32
    %sub3A_15 = vector.broadcast %mul3A_14 : f32 to vector<1x128xf32>
    %sub3A_16 = arith.subf %div3A_8, %sub3A_15 : vector<1x128xf32>
    %mul3A_17 = arith.mulf %sub3A_16, %sub3A_16 : vector<1x128xf32>
    %swap3A = arith.constant 0 : index
    %swap3A_18 = arith.constant 0 : index
    %swap3A_19 = vector.load %arg2[%swap3A, %swap3A_18] : memref<1x128xf32, #tpu.memory_space<vmem>>, vector<1x128xf32>
    tpu.vector_store %arg2[%swap3A, %swap3A_18], %mul3A_17 {strides = array<i32>} : memref<1x128xf32, #tpu.memory_space<vmem>>, vector<1x128xf32>,
    return
  }
}

</mosaic_0001>

<sc_bundles>
// kernel: kernel.4.cloned.1.call-start
scs
__scs_entry_jumppad:
0x0: {  	(pc) =	sbr.rel $0x88, $3  }
0x1: {  	(tag) =	ssettag $0x0;
	lr =	simm.s32 $0x1  }
0x2: {  	[smem:$0x3F9C] =	sst lr;
	_ =	strace $0xD0000000  }
0x3: {  	_ = 	snop  }
0x4: {  	_ = 	snop  }
0x5: {  	_ = 	snop  }
0x6: {  	_ = 	snop  }
0x7: {  	_ = 	snop  }
__scs_overlays_trampoline_lowered:
0x8: {  	[smem:$0x3FAB] =	sst s0  }
0x9: {  	[smem:$0x3FAC] =	sst s1  }
0xa: {  	[smem:$0x3FAD] =	sst s2  }
0xb: {  	[smem:$0x3FAE] =	sst s3  }
0xc: {  	[smem:$0x3FAF] =	sst s4  }
0xd: {  	[smem:$0x3FB0] =	sst s5  }
0xe: {  	[smem:$0x3FB1] =	sst s6  }
0xf: {  	[smem:$0x3FB2] =	sst s7  }
0x10: {  	[smem:$0x3FB3] =	sst s8  }
0x11: {  	[smem:$0x3FB4] =	sst s9;
	s0 =	simm.s32 @!p0 $0x0  }
0x12: {  	s1 =	sld [smem:$0x3F9A];
	s0 =	simm.s32 @p0 $0x1  }
0x13: {  	[smem:$0x3FB5] =	sst s0;
	s0 =	simm.s32 @!p1 $0x0  }
0x14: {  	s2 =	sld [smem:$0x3F99];
	s0 =	simm.s32 @p1 $0x1  }
0x15: {  	[smem:$0x3FB6] =	sst s0;
	s0 =	simm.s32 @!p2 $0x0  }
0x16: {  	s3 =	sld [smem:$0x3FDB];
	s0 =	simm.s32 @p2 $0x1  }
0x17: {  	s4 =	simm.s32 $0x1BF5;
	[smem:$0x3FB8] =	sst s0  }
0x18: {  	s0 =	sld [smem:$0x3F9B];
	_ =	swait.ge [sflag:s4], $0x0  }
0x19: {  	s7 =	sld [smem:$0x3F9C]  }
0x1a: {  	s8 =	sadd.s32 $0xFFFFE003, lr  }
0x1b: {  	s9 =	sadd.s32 $0xFFFFFEF7, lr;
	s5 =	simm.s32 $0xFFFFFFFF;
	p2 =	slt.u32 s8, $0xFFFFF086  }
0x1c: {  	p1 =	slt.u32 s9, $0xF7A;
	s5 =	simm.s32 @!p2 $0x0  }
0x1d: {  	s5 =	simm.s32 @p1 $0x1;
	p0 =	seq.s32 s7, s2  }
0x1e: {  	s7 =	smul.u32 @!p0 $0xF7A, s2;
	p2 =	seq.s32 @!p0 s5, $0x0  }
0x1f: {  	s9 =	smul.u32 $0xF7A, s1;
	s8 =	simm.s32 @!p0 $0x1BF5;
	p2 =	por !p2, p0  }
0x20: {  	[sflag:s8] =	ssyncset.s32 @!p0 $0xFFFFF086;
	s6 =	sadd.s32 @!p0 s3, s7;
	s7 =	simm.s32 @!p0 $0x108  }
0x21: {  	s3 =	sadd.s32 s3, s9;
	s6 =	sadd.s32 @!p0 $0x88, s6;
	s7 =	simm.s32 @p2 $0x1082  }
0x22: {  	[simem:s7], [sflag:s8] =	dma.local @!p0 [hbm:s6], $0xF7A  }
0x23: {  	s9 =	sor.u32 $0xD0000000, s2;
	s6 =	simm.s32 $0x108;
	_ =	swait.ge @!p0 [sflag:s8], $0x0  }
0x24: {  	s3 =	sadd.s32 $0x88, s3;
	s6 =	simm.s32 @!p1 $0x1082;
	[sflag:s4] =	ssyncset.s32 $0xFFFFF086  }
0x25: {  	[simem:s6], [sflag:s4] =	dma.local [hbm:s3], $0xF7A  }
0x26: {  	[smem:$0x3F9C] =	sst s1;
	(tag) =	ssettag s2;
	_ =	strace s9  }
0x27: {  	s1 =	sld [smem:$0x3FAC]  }
0x28: {  	s2 =	sld [smem:$0x3FAD]  }
0x29: {  	s4 =	sld [smem:$0x3FAF]  }
0x2a: {  	p0 =	seq.s32 s5, $0x0;
	s5 =	sld [smem:$0x3FB0]  }
0x2b: {  	s6 =	sld [smem:$0x3FB1]  }
0x2c: {  	s7 =	sld [smem:$0x3FB2]  }
0x2d: {  	s3 =	simm.s32 $0x108;
	s8 =	sld [smem:$0x3FB3]  }
0x2e: {  	s3 =	simm.s32 @!p0 $0x1082;
	s9 =	sld [smem:$0x3FB4]  }
0x2f: {  	lr =	sadd.s32 s0, s3;
	s0 =	sld [smem:$0x3FAB]  }
0x30: {  	s3 =	sld [smem:$0x3FAE]  }
0x31: {  	[smem:$0x3FB7] =	sst s10  }
0x32: {  	s10 =	sld [smem:$0x3FB5];
	_ =	sdelay $0x3  }
0x33: {  	p0 =	seq.s32 s10, $0x1;
	s10 =	sld [smem:$0x3FB7];
	_ =	sdelay $0x3  }
0x34: {  	[smem:$0x3FB7] =	sst s10  }
0x35: {  	s10 =	sld [smem:$0x3FB6];
	_ =	sdelay $0x3  }
0x36: {  	p1 =	seq.s32 s10, $0x1;
	s10 =	sld [smem:$0x3FB7];
	_ =	sdelay $0x3  }
0x37: {  	[smem:$0x3FB7] =	sst s10  }
0x38: {  	s10 =	sld [smem:$0x3FB8]  }
0x39: {  	_ = 	snop;
	(pc) =	sbr.ind lr, $3  }
0x3a: {  	_ = 	snop  }
0x3b: {  	_ = 	snop  }
0x3c: {  	p2 =	seq.s32 s10, $0x1;
	s10 =	sld [smem:$0x3FB7]  }
0x3d: {  	_ =	shalt  }
0x3e: {  	_ =	shalt  }
0x3f: {  	_ =	shalt  }
0x40: {  	_ =	shalt  }
0x41: {  	_ =	shalt  }
0x42: {  	_ =	shalt  }
0x43: {  	_ =	shalt  }
0x44: {  	_ =	shalt  }
0x45: {  	_ =	shalt  }
0x46: {  	_ =	shalt  }
0x47: {  	_ =	shalt  }
0x48: {  	_ =	shalt  }
0x49: {  	_ =	shalt  }
0x4a: {  	_ =	shalt  }
0x4b: {  	_ =	shalt  }
0x4c: {  	_ =	shalt  }
0x4d: {  	_ =	shalt  }
0x4e: {  	_ =	shalt  }
0x4f: {  	_ =	shalt  }
0x50: {  	_ =	shalt  }
0x51: {  	_ =	shalt  }
0x52: {  	_ =	shalt  }
0x53: {  	_ =	shalt  }
0x54: {  	_ =	shalt  }
0x55: {  	_ =	shalt  }
0x56: {  	_ =	shalt  }
0x57: {  	_ =	shalt  }
0x58: {  	_ =	shalt  }
0x59: {  	_ =	shalt  }
0x5a: {  	_ =	shalt  }
0x5b: {  	_ =	shalt  }
0x5c: {  	_ =	shalt  }
0x5d: {  	_ =	shalt  }
0x5e: {  	_ =	shalt  }
0x5f: {  	_ =	shalt  }
0x60: {  	_ =	shalt  }
0x61: {  	_ =	shalt  }
0x62: {  	_ =	shalt  }
0x63: {  	_ =	shalt  }
0x64: {  	_ =	shalt  }
0x65: {  	_ =	shalt  }
0x66: {  	_ =	shalt  }
0x67: {  	_ =	shalt  }
0x68: {  	_ =	shalt  }
0x69: {  	_ =	shalt  }
0x6a: {  	_ =	shalt  }
0x6b: {  	_ =	shalt  }
0x6c: {  	_ =	shalt  }
0x6d: {  	_ =	shalt  }
0x6e: {  	_ =	shalt  }
0x6f: {  	_ =	shalt  }
0x70: {  	_ =	shalt  }
0x71: {  	_ =	shalt  }
0x72: {  	_ =	shalt  }
0x73: {  	_ =	shalt  }
0x74: {  	_ =	shalt  }
0x75: {  	_ =	shalt  }
0x76: {  	_ =	shalt  }
0x77: {  	_ =	shalt  }
0x78: {  	_ =	shalt  }
0x79: {  	_ =	shalt  }
0x7a: {  	_ =	shalt  }
0x7b: {  	_ =	shalt  }
0x7c: {  	_ =	shalt  }
0x7d: {  	_ =	shalt  }
0x7e: {  	_ =	shalt  }
0x7f: {  	_ =	shalt  }
0x80: {  	_ =	shalt  }
0x81: {  	_ =	shalt  }
0x82: {  	_ =	shalt  }
0x83: {  	_ =	shalt  }
0x84: {  	_ =	shalt  }
0x85: {  	_ =	shalt  }
0x86: {  	_ =	shalt  }
0x87: {  	_ =	shalt  }
.Lfunc_end0:
.L_simem_size_0:
called_computation_lowered:
.L_overlay_start_0:
0x88: {  	s2 =	sld [smem:$0x3FD9]  }
0x89: {  	s3 =	sld [smem:$0x3FFE];
	_ =	sdelay $0x1  }
0x8a: {  	s1 =	srdreg.scid  }
0x8b: {  	s0 =	sand.u32 $0x1, s1  }
0x8c: {  	s17 =	sshll.u32 s0, $0xA;
	s2 =	sadd.s32 s3, s2  }
0x8d: {  	s2 =	sadd.s32 s2, s17  }
0x8e: {  	[smem:$0x3FC3] =	sst s2  }
0x8f: {  	_ = 	snop  }
0x90: {  	s2 =	sld [smem:$0x3FC9]  }
0x91: {  	s18 =	sld [smem:$0x3FC8]  }
0x92: {  	s4 =	sld [smem:$0x3FC6]  }
0x93: {  	s5 =	sld [smem:$0x3FC5];
	(tm) =	ssettm $0x1  }
0x94: {  	s6 =	sld [smem:$0x3FFB];
	_ =	sdelay $0x3  }
0x95: {  	_ =	strace s6  }
0x96: {  	s6 =	sld [smem:$0x3FFC];
	_ =	sdelay $0x3  }
0x97: {  	_ =	strace s6  }
0x98: {  	s6 =	sld [smem:$0x3FFD];
	_ =	sdelay $0x3  }
0x99: {  	_ =	strace s6  }
0x9a: {  	_ =	strace $0x8FFFFFFF  }
0x9b: {  	s19 =	sld [smem:$0x3FDB];
	_ =	sdelay $0x1  }
0x9c: {  	s7 =	simm.s32 $_scs_section_size  }
0x9d: {  	s8 =	simm.s32 $_size__tile_overlayer_lowered;
	s9 =	simm.s32 $_tile_overlayer_lowered  }
0x9e: {  	s22 =	simm.s32 $0x1BFF;
	s21 =	sshll.u32 s9, $0x1;
	s6 =	sadd.s32 s7, s19  }
0x9f: {  	s10 =	simm.s32 $0x0;
	s20 =	sshll.u32 s8, $0x1;
	s8 =	sadd.s32 s21, s6  }
0xa0: {  	[timem:s10], [sflag:s22] =	dma.local [hbm:s8], s20  }
0xa1: {  	_ =	swait.ge [sflag:s22], s20  }
0xa2: {  	s7 =	ssub.s32 $0x0, s20;
	[sflag:s22] =	ssyncset.done $0x0  }
0xa3: {  	[sflag:s22] =	ssyncadd.s32 s7;
	_ =	sdelay $0x1  }
0xa4: {  	s23 =	simm.s32 $0x1B8B  }
0xa5: {  	_ =	swait.ge [sflag:s23], $0x1  }
0xa6: {  	[sflag:s23] =	ssyncset.done $0x0  }
0xa7: {  	s25 =	simm.s32 $0x1B8E;
	s24 =	sld [smem:$0x3FFE];
	[sflag:s23] =	ssyncadd.s32 $0xFFFFFFFF  }
0xa8: {  	s26 =	simm.s32 $execute0_lowered;
	[smem:$0x3FD2] =	sst s25  }
0xa9: {  	s8 =	sshll.u32 s26, $0x1;
	_ =	strace $0x80000046;
	[dreg:$0x1] =	wrdreg $0xFFFFFFFF  }
0xaa: {  	s28 =	simm.s32 $_size_execute0_lowered;
	s6 =	sadd.s32 s6, s8;
	[dreg:$0x0] =	wrdreg $0x0  }
0xab: {  	s8 =	sshll.u32 s28, $0x1;
	[dreg:$0x2] =	wrdreg s6  }
0xac: {  	[dreg:$0x3] =	wrdreg s8  }
0xad: {  	[dreg:$0x4] =	wrdreg $0xC0  }
0xae: {  	_ =	task [dreg:s10], $0x5FFFF  }
0xaf: {  	[dreg:$0x1] =	wrdreg $0xFFFFFFFF  }
0xb0: {  	[dreg:$0x0] =	wrdreg $0x60  }
0xb1: {  	[dreg:$0x2] =	wrdreg s2  }
0xb2: {  	[dreg:$0x3] =	wrdreg s18  }
0xb3: {  	[dreg:$0x4] =	wrdreg s4  }
0xb4: {  	[dreg:$0x5] =	wrdreg s5  }
0xb5: {  	[dreg:$0x6] =	wrdreg s24  }
0xb6: {  	[dreg:$0x7] =	wrdreg $0x9  }
0xb7: {  	_ =	task.clear_ibuf [dreg:s10], $0x8FFFF;
	_ =	strace $0x90000046  }
0xb8: {  	s29 =	simm.s32 $0x9;
	_ =	strace $0x80000048  }
0xb9: {  	_ =	swait.ge [sflag:s29], $0x1  }
0xba: {  	[sflag:s29] =	ssyncadd.s32 $0xFFFFFFFF  }
0xbb: {  	_ =	strace $0x90000048  }
0xbc: {  	_ =	sfence  }
0xbd: {  	s30 =	sld [smem:$0x0];
	_ =	sdelay $0x2  }
0xbe: {  	s31 =	sshll.u32 s1, $0xD;
	s1 =	sshrl.u32 s1, $0x2  }
0xbf: {  	s3 =	sand.u32 $0x4000, s31;
	s1 =	sadd.s32 s1, s30  }
0xc0: {  	s0 =	sor.u32 s3, s0;
	s1 =	sshll.u32 s1, $0x11  }
0xc1: {  	s0 =	sor.u32 s1, s0  }
0xc2: {  	s0 =	sadd.s32 $0x8F2B, s0  }
0xc3: {  	[sflag:s0] =	ssyncadd.remote.s32 $0x1  }
0xc4: {  	_ =	sfence.sel $0xFFFF  }
0xc5: {  	[dreg:$0x0] =	wrdreg $0xFFFFFFFF;
	(pc) =	sbr.abs _section_cstart, $3  }
0xc6: {  	[dreg:$0x1] =	wrdreg $0xFFFFFFFF  }
0xc7: {  	_ =	task.clear_ibuf [dreg:s10], $0x2FFFF;
	_ =	strace $0x9FFFFFFF  }
0xc8: {  	(tm) =	ssettm $0x7FFFFFFF  }
0xc9: {  	_ =	shalt  }
tec
execute0_lowered:
.L_overlay_start_1:
0x0: {  	(tag) =	ssettag $0x1  }
0x1: {  	s0 =	rddreg [dreg:$0x0]  }
0x2: {  	s2 =	rddreg [dreg:$0x1]  }
0x3: {  	s1 =	rddreg [dreg:$0x2]  }
0x4: {  	s3 =	rddreg [dreg:$0x3]  }
0x5: {  	s5 =	rddreg [dreg:$0x4];
	s6 =	srdreg.scid  }
0x6: {  	s7 =	stileid.u32;
	s4 =	simm.s32 $0x0;
	s10 =	simm.s32 $0x1  }
0x7: {  	s11 =	simm.s32 $0x40;
	s12 =	simm.s32 $0x400;
	s13 =	simm.s32 $0x8400  }
0x8: {  	s14 =	simm.s32 $0x2400;
	s16 =	simm.s32 $0xA400;
	s18 =	simm.s32 $0x4400  }
0x9: {  	s20 =	simm.s32 $0xC400;
	s22 =	simm.s32 $0x6400;
	s24 =	simm.s32 $0xE400  }
0xa: {  	s25 =	simm.s32 $0x2;
	s29 =	simm.s32 $0x3;
	s15 =	simm.s32 $0x380  }
0xb: {  	s17 =	simm.s32 $0x5;
	s19 =	simm.s32 $0x1C0;
	s21 =	simm.s32 $0x3C0  }
0xc: {  	s23 =	simm.s32 $0x10400;
	s26 =	simm.s32 $0x6;
	s28 =	simm.s32 $0x0  }
0xd: {  	s6 =	sand.u32 $0x1, s6;
	s7 =	sshll.u32 s7, $0x1;
	[smem:$0x7FF] =	sst s4  }
0xe: {  	s7 =	sor.u32 s6, s7;
	_ =	strace $0x80000047;
	s6 =	ssub.s32 $0x2, s6  }
0xf: {  	s8 =	sshll.u32 s7, $0x4;
	s31 =	sshrl.u32 s6, $0x1;
	s7 =	sshll.u32 s7, $0x6  }
0x10: {  	s8 =	sadd.s32 s8, s5;
	s9 =	ssub.s32 s6, s31;
	s5 =	sadd.s32 s0, s7  }
0x11: {  	s6 =	sadd.s32 s2, s7;
	s0 =	simm.s32 $0x4;
	s2 =	simm.s32 $0x180  }
0x12: {  	s7 =	sadd.s32 $0x600, s8;
	s8 =	smax.u32 s9, $0x1;
	s9 =	simm.s32 $0x200  }
.LBB2_1:
0x13: {  	[tilespmem:s4], [sflag:$0x1] =	stream.linear.gather [hbm4b:s5+s4], $0x200, $0x38;
	[tilespmem:$0x10480] =	vst v63  }
0x14: {  	_ = 	snop  }
0x15: {  	[tilespmem:s9], [sflag:$0x1] =	stream.linear.gather [hbm4b:s6+s4], $0x200, $0x38;
	[tilespmem:$0x10480] =	vst v63  }
0x16: {  	_ =	swait.ge [sflag:s10], $0x200  }
0x17: {  	[sflag:s10] =	ssyncset.done $0x0  }
0x18: {  	[sflag:s10] =	ssyncadd.s32 $0xFFFFFE00  }
0x19: {  	_ =	swait.ge [sflag:s10], $0x200  }
0x1a: {  	[sflag:s10] =	ssyncset.done $0x0  }
0x1b: {  	[sflag:s10] =	ssyncadd.s32 $0xFFFFFE00  }
0x1c: {  	[tilespmem:s12], [sflag:$0x2] =	stream.indirect.gather [hbm4b:s1+s11], $0x80, s4, s11, $0xb8;
	[tilespmem:$0x10480] =	vst v63  }
0x1d: {  	_ = 	snop  }
0x1e: {  	[tilespmem:s13], [sflag:$0x2] =	stream.indirect.gather [hbm4b:s3+s11], $0x80, s9, s11, $0xb8;
	[tilespmem:$0x10480] =	vst v63  }
0x1f: {  	_ = 	snop  }
0x20: {  	[tilespmem:s14], [sflag:$0x3] =	stream.indirect.gather [hbm4b:s1+s11], $0x80, s11, s11, $0xb8;
	[tilespmem:$0x10480] =	vst v63  }
0x21: {  	s30 =	simm.s32 $0x240  }
0x22: {  	[tilespmem:s16], [sflag:$0x3] =	stream.indirect.gather [hbm4b:s3+s11], $0x80, s30, s11, $0xb8;
	[tilespmem:$0x10480] =	vst v63  }
0x23: {  	s30 =	simm.s32 $0x80  }
0x24: {  	[tilespmem:s18], [sflag:$0x4] =	stream.indirect.gather [hbm4b:s1+s11], $0x80, s30, s11, $0xb8;
	[tilespmem:$0x10480] =	vst v63  }
0x25: {  	s30 =	simm.s32 $0x280  }
0x26: {  	[tilespmem:s20], [sflag:$0x4] =	stream.indirect.gather [hbm4b:s3+s11], $0x80, s30, s11, $0xb8;
	[tilespmem:$0x10480] =	vst v63  }
0x27: {  	s30 =	simm.s32 $0xC0  }
0x28: {  	[tilespmem:s22], [sflag:$0x5] =	stream.indirect.gather [hbm4b:s1+s11], $0x80, s30, s11, $0xb8;
	[tilespmem:$0x10480] =	vst v63  }
0x29: {  	s30 =	simm.s32 $0x2C0  }
0x2a: {  	[tilespmem:s24], [sflag:$0x5] =	stream.indirect.gather [hbm4b:s3+s11], $0x80, s30, s11, $0xb8;
	[tilespmem:$0x10480] =	vst v63  }
0x2b: {  	_ =	swait.ge [sflag:s25], $0x2000  }
0x2c: {  	[sflag:s25] =	ssyncset.done $0x0  }
0x2d: {  	[sflag:s25] =	ssyncadd.s32 $0xFFFFE000  }
0x2e: {  	_ =	swait.ge [sflag:s25], $0x2000  }
0x2f: {  	[sflag:s25] =	ssyncset.done $0x0  }
0x30: {  	s30 =	simm.s32 $0x0;
	[sflag:s25] =	ssyncadd.s32 $0xFFFFE000  }
0x31: {  	v5 =	vld [tilespmem:s30+$0x480]  }
0x32: {  	v9 =	vld [tilespmem:s30+$0x490]  }
0x33: {  	v7 =	vld [tilespmem:s30+$0x4A0]  }
0x34: {  	v11 =	vld [tilespmem:s30+$0x4B0]  }
0x35: {  	v1 =	vld [tilespmem:s30+$0x4C0]  }
0x36: {  	v3 =	vld [tilespmem:s30+$0x4D0]  }
0x37: {  	v23 =	vld [tilespmem:s30+$0x400]  }
0x38: {  	v25 =	vld [tilespmem:s30+$0x410]  }
0x39: {  	v19 =	vld [tilespmem:s30+$0x420]  }
0x3a: {  	v24 =	vld [tilespmem:s30+$0x430]  }
0x3b: {  	v2 =	vimm.f32 $0.0e+00;
	v12 =	vimm.f32 $0.0e+00;
	v20 =	vld [tilespmem:s30+$0x440]  }
0x3c: {  	v13 =	vimm.f32 $0.0e+00;
	v18 =	vimm.f32 $0.0e+00;
	v14 =	vimm.f32 $0.0e+00;
	v21 =	vld [tilespmem:s30+$0x450]  }
0x3d: {  	s31 =	simm.s32 $0x400;
	v17 =	vimm.f32 $0.0e+00;
	v15 =	vimm.f32 $0.0e+00;
	v16 =	vimm.f32 $0.0e+00;
	v22 =	vld [tilespmem:s30+$0x460]  }
.LBB2_2:
0x3e: {  	p0 =	sne.s32 s31, $0x7C00;
	v0 =	vadd.f32 v23, v2;
	v4 =	vadd.f32 v25, v12;
	v6 =	vld [tilespmem:s30+$0x470]  }
0x3f: {  	v8 =	vadd.f32 v19, v13;
	v10 =	vadd.f32 v24, v18;
	v19 =	vld [tilespmem:s30+$0x4E0]  }
0x40: {  	v2 =	vadd.f32 v5, v0;
	v12 =	vadd.f32 v9, v4;
	v0 =	vld [tilespmem:s30+$0x4F0];
	s30 =	sshra.s32 s31, $0x2  }
0x41: {  	v13 =	vadd.f32 v7, v8;
	v5 =	vld [tilespmem:s30+$0x480];
	v18 =	vadd.f32 v11, v10  }
0x42: {  	v4 =	vadd.f32 v20, v14;
	v8 =	vadd.f32 v21, v17;
	v9 =	vld [tilespmem:s30+$0x490]  }
0x43: {  	v10 =	vadd.f32 v22, v15;
	v7 =	vld [tilespmem:s30+$0x4A0];
	v6 =	vadd.f32 v6, v16  }
0x44: {  	v14 =	vadd.f32 v1, v4;
	v17 =	vadd.f32 v3, v8;
	v11 =	vld [tilespmem:s30+$0x4B0]  }
0x45: {  	v15 =	vadd.f32 v19, v10;
	v1 =	vld [tilespmem:s30+$0x4C0];
	v16 =	vadd.f32 v0, v6  }
0x46: {  	v3 =	vld [tilespmem:s30+$0x4D0]  }
0x47: {  	v23 =	vld [tilespmem:s30+$0x400]  }
0x48: {  	v25 =	vld [tilespmem:s30+$0x410]  }
.Ltmp0:
0x49: {  	v19 =	vld [tilespmem:s30+$0x420];
	(pc) =	sbr.rel @p0 .LBB2_2-.Ltmp0, $4  }
0x4a: {  	v24 =	vld [tilespmem:s30+$0x430]  }
0x4b: {  	v20 =	vld [tilespmem:s30+$0x440]  }
0x4c: {  	v21 =	vld [tilespmem:s30+$0x450]  }
0x4d: {  	s31 =	sadd.s32 $0x400, s31;
	v22 =	vld [tilespmem:s30+$0x460]  }
0x4e: {  	v27 =	vld [tilespmem:s30+$0x470]  }
0x4f: {  	v28 =	vld [tilespmem:s30+$0x4E0]  }
0x50: {  	v29 =	vld [tilespmem:s30+$0x4F0];
	s30 =	simm.s32 $0x100  }
0x51: {  	[tilespmem:s12], [sflag:$0x2] =	stream.indirect.gather [hbm4b:s1+s11], $0x80, s30, s11, $0xb8;
	[tilespmem:$0x10480] =	vst v63  }
0x52: {  	s30 =	simm.s32 $0x300  }
0x53: {  	[tilespmem:s13], [sflag:$0x2] =	stream.indirect.gather [hbm4b:s3+s11], $0x80, s30, s11, $0xb8;
	[tilespmem:$0x10480] =	vst v63  }
0x54: {  	_ =	swait.ge [sflag:s29], $0x2000  }
0x55: {  	[sflag:s29] =	ssyncset.done $0x0  }
0x56: {  	[sflag:s29] =	ssyncadd.s32 $0xFFFFE000  }
0x57: {  	_ =	swait.ge [sflag:s29], $0x2000  }
0x58: {  	[sflag:s29] =	ssyncset.done $0x0  }
0x59: {  	s30 =	simm.s32 $0x0;
	[sflag:s29] =	ssyncadd.s32 $0xFFFFE000  }
0x5a: {  	v4 =	vld [tilespmem:s30+$0x2480]  }
0x5b: {  	v8 =	vld [tilespmem:s30+$0x2490]  }
0x5c: {  	v6 =	vld [tilespmem:s30+$0x24A0]  }
0x5d: {  	v10 =	vld [tilespmem:s30+$0x24B0]  }
0x5e: {  	v0 =	vld [tilespmem:s30+$0x24C0]  }
0x5f: {  	v26 =	vadd.f32 v23, v2;
	v25 =	vadd.f32 v25, v12;
	v2 =	vld [tilespmem:s30+$0x24D0]  }
0x60: {  	v19 =	vadd.f32 v19, v13;
	v30 =	vadd.f32 v24, v18;
	v23 =	vld [tilespmem:s30+$0x2400]  }
0x61: {  	v12 =	vadd.f32 v5, v26;
	v13 =	vadd.f32 v9, v25;
	v24 =	vld [tilespmem:s30+$0x2410]  }
0x62: {  	v18 =	vadd.f32 v7, v19;
	v5 =	vadd.f32 v20, v14;
	v25 =	vld [tilespmem:s30+$0x2420]  }
0x63: {  	v19 =	vadd.f32 v11, v30;
	v7 =	vadd.f32 v21, v17;
	v26 =	vld [tilespmem:s30+$0x2430]  }
0x64: {  	v9 =	vadd.f32 v22, v15;
	v11 =	vadd.f32 v27, v16;
	v20 =	vld [tilespmem:s30+$0x2440]  }
0x65: {  	v14 =	vadd.f32 v1, v5;
	v15 =	vadd.f32 v3, v7;
	v21 =	vld [tilespmem:s30+$0x2450]  }
0x66: {  	s31 =	simm.s32 $0x400;
	v16 =	vadd.f32 v28, v9;
	v17 =	vadd.f32 v29, v11;
	v22 =	vld [tilespmem:s30+$0x2460]  }
.LBB2_4:
0x67: {  	p0 =	sne.s32 s31, $0x7C00;
	v1 =	vadd.f32 v23, v12;
	v3 =	vadd.f32 v24, v13;
	v5 =	vld [tilespmem:s30+$0x2470]  }
0x68: {  	v7 =	vadd.f32 v25, v18;
	v9 =	vadd.f32 v26, v19;
	v11 =	vld [tilespmem:s30+$0x24E0]  }
0x69: {  	v12 =	vadd.f32 v4, v1;
	v13 =	vadd.f32 v8, v3;
	v1 =	vld [tilespmem:s30+$0x24F0];
	s30 =	sshra.s32 s31, $0x2  }
0x6a: {  	v18 =	vadd.f32 v6, v7;
	v4 =	vld [tilespmem:s30+$0x2480];
	v19 =	vadd.f32 v10, v9  }
0x6b: {  	v3 =	vadd.f32 v20, v14;
	v7 =	vadd.f32 v21, v15;
	v8 =	vld [tilespmem:s30+$0x2490]  }
0x6c: {  	v9 =	vadd.f32 v22, v16;
	v6 =	vld [tilespmem:s30+$0x24A0];
	v5 =	vadd.f32 v5, v17  }
0x6d: {  	v14 =	vadd.f32 v0, v3;
	v15 =	vadd.f32 v2, v7;
	v10 =	vld [tilespmem:s30+$0x24B0]  }
0x6e: {  	v16 =	vadd.f32 v11, v9;
	v0 =	vld [tilespmem:s30+$0x24C0];
	v17 =	vadd.f32 v1, v5  }
0x6f: {  	v2 =	vld [tilespmem:s30+$0x24D0]  }
0x70: {  	v23 =	vld [tilespmem:s30+$0x2400]  }
0x71: {  	v24 =	vld [tilespmem:s30+$0x2410]  }
.Ltmp1:
0x72: {  	v25 =	vld [tilespmem:s30+$0x2420];
	(pc) =	sbr.rel @p0 .LBB2_4-.Ltmp1, $4  }
0x73: {  	v26 =	vld [tilespmem:s30+$0x2430]  }
0x74: {  	v20 =	vld [tilespmem:s30+$0x2440]  }
0x75: {  	v21 =	vld [tilespmem:s30+$0x2450]  }
0x76: {  	s31 =	sadd.s32 $0x400, s31;
	v22 =	vld [tilespmem:s30+$0x2460]  }
0x77: {  	v27 =	vld [tilespmem:s30+$0x2470]  }
0x78: {  	v28 =	vld [tilespmem:s30+$0x24E0]  }
0x79: {  	v29 =	vld [tilespmem:s30+$0x24F0];
	s30 =	simm.s32 $0x140  }
0x7a: {  	[tilespmem:s14], [sflag:$0x3] =	stream.indirect.gather [hbm4b:s1+s11], $0x80, s30, s11, $0xb8;
	[tilespmem:$0x10480] =	vst v63  }
0x7b: {  	s30 =	simm.s32 $0x340  }
0x7c: {  	[tilespmem:s16], [sflag:$0x3] =	stream.indirect.gather [hbm4b:s3+s11], $0x80, s30, s11, $0xb8;
	[tilespmem:$0x10480] =	vst v63  }
0x7d: {  	_ =	swait.ge [sflag:s0], $0x2000  }
0x7e: {  	[sflag:s0] =	ssyncset.done $0x0  }
0x7f: {  	[sflag:s0] =	ssyncadd.s32 $0xFFFFE000  }
0x80: {  	_ =	swait.ge [sflag:s0], $0x2000  }
0x81: {  	[sflag:s0] =	ssyncset.done $0x0  }
0x82: {  	s30 =	simm.s32 $0x0;
	[sflag:s0] =	ssyncadd.s32 $0xFFFFE000  }
0x83: {  	v5 =	vld [tilespmem:s30+$0x4480]  }
0x84: {  	v9 =	vld [tilespmem:s30+$0x4490]  }
0x85: {  	v7 =	vld [tilespmem:s30+$0x44A0]  }
0x86: {  	v11 =	vld [tilespmem:s30+$0x44B0]  }
0x87: {  	v1 =	vld [tilespmem:s30+$0x44C0]  }
0x88: {  	v12 =	vadd.f32 v23, v12;
	v13 =	vadd.f32 v24, v13;
	v3 =	vld [tilespmem:s30+$0x44D0]  }
0x89: {  	v18 =	vadd.f32 v25, v18;
	v19 =	vadd.f32 v26, v19;
	v23 =	vld [tilespmem:s30+$0x4400]  }
0x8a: {  	v12 =	vadd.f32 v4, v12;
	v13 =	vadd.f32 v8, v13;
	v24 =	vld [tilespmem:s30+$0x4410]  }
0x8b: {  	v18 =	vadd.f32 v6, v18;
	v4 =	vadd.f32 v20, v14;
	v25 =	vld [tilespmem:s30+$0x4420]  }
0x8c: {  	v19 =	vadd.f32 v10, v19;
	v6 =	vadd.f32 v21, v15;
	v26 =	vld [tilespmem:s30+$0x4430]  }
0x8d: {  	v8 =	vadd.f32 v22, v16;
	v10 =	vadd.f32 v27, v17;
	v20 =	vld [tilespmem:s30+$0x4440]  }
0x8e: {  	v14 =	vadd.f32 v0, v4;
	v15 =	vadd.f32 v2, v6;
	v21 =	vld [tilespmem:s30+$0x4450]  }
0x8f: {  	s31 =	simm.s32 $0x400;
	v16 =	vadd.f32 v28, v8;
	v17 =	vadd.f32 v29, v10;
	v22 =	vld [tilespmem:s30+$0x4460]  }
.LBB2_6:
0x90: {  	p0 =	sne.s32 s31, $0x7C00;
	v0 =	vadd.f32 v23, v12;
	v2 =	vadd.f32 v24, v13;
	v4 =	vld [tilespmem:s30+$0x4470]  }
0x91: {  	v6 =	vadd.f32 v25, v18;
	v8 =	vadd.f32 v26, v19;
	v10 =	vld [tilespmem:s30+$0x44E0]  }
0x92: {  	v12 =	vadd.f32 v5, v0;
	v13 =	vadd.f32 v9, v2;
	v0 =	vld [tilespmem:s30+$0x44F0];
	s30 =	sshra.s32 s31, $0x2  }
0x93: {  	v18 =	vadd.f32 v7, v6;
	v5 =	vld [tilespmem:s30+$0x4480];
	v19 =	vadd.f32 v11, v8  }
0x94: {  	v2 =	vadd.f32 v20, v14;
	v6 =	vadd.f32 v21, v15;
	v9 =	vld [tilespmem:s30+$0x4490]  }
0x95: {  	v8 =	vadd.f32 v22, v16;
	v7 =	vld [tilespmem:s30+$0x44A0];
	v4 =	vadd.f32 v4, v17  }
0x96: {  	v14 =	vadd.f32 v1, v2;
	v15 =	vadd.f32 v3, v6;
	v11 =	vld [tilespmem:s30+$0x44B0]  }
0x97: {  	v16 =	vadd.f32 v10, v8;
	v1 =	vld [tilespmem:s30+$0x44C0];
	v17 =	vadd.f32 v0, v4  }
0x98: {  	v3 =	vld [tilespmem:s30+$0x44D0]  }
0x99: {  	v23 =	vld [tilespmem:s30+$0x4400]  }
0x9a: {  	v24 =	vld [tilespmem:s30+$0x4410]  }
.Ltmp2:
0x9b: {  	v25 =	vld [tilespmem:s30+$0x4420];
	(pc) =	sbr.rel @p0 .LBB2_6-.Ltmp2, $4  }
0x9c: {  	v26 =	vld [tilespmem:s30+$0x4430]  }
0x9d: {  	v20 =	vld [tilespmem:s30+$0x4440]  }
0x9e: {  	v21 =	vld [tilespmem:s30+$0x4450]  }
0x9f: {  	s31 =	sadd.s32 $0x400, s31;
	v22 =	vld [tilespmem:s30+$0x4460]  }
0xa0: {  	v27 =	vld [tilespmem:s30+$0x4470]  }
0xa1: {  	v28 =	vld [tilespmem:s30+$0x44E0]  }
0xa2: {  	v29 =	vld [tilespmem:s30+$0x44F0];
	[tilespmem:s18], [sflag:$0x4] =	stream.indirect.gather [hbm4b:s1+s11], $0x80, s2, s11, $0xb8  }
0xa3: {  	_ = 	snop  }
0xa4: {  	[tilespmem:s20], [sflag:$0x4] =	stream.indirect.gather [hbm4b:s3+s11], $0x80, s15, s11, $0xb8;
	[tilespmem:$0x10480] =	vst v63  }
0xa5: {  	_ =	swait.ge [sflag:s17], $0x2000  }
0xa6: {  	[sflag:s17] =	ssyncset.done $0x0  }
0xa7: {  	[sflag:s17] =	ssyncadd.s32 $0xFFFFE000  }
0xa8: {  	_ =	swait.ge [sflag:s17], $0x2000  }
0xa9: {  	[sflag:s17] =	ssyncset.done $0x0  }
0xaa: {  	s30 =	simm.s32 $0x0;
	[sflag:s17] =	ssyncadd.s32 $0xFFFFE000  }
0xab: {  	v4 =	vld [tilespmem:s30+$0x6480]  }
0xac: {  	v8 =	vld [tilespmem:s30+$0x6490]  }
0xad: {  	v6 =	vld [tilespmem:s30+$0x64A0]  }
0xae: {  	v10 =	vld [tilespmem:s30+$0x64B0]  }
0xaf: {  	v0 =	vld [tilespmem:s30+$0x64C0]  }
0xb0: {  	v12 =	vadd.f32 v23, v12;
	v13 =	vadd.f32 v24, v13;
	v2 =	vld [tilespmem:s30+$0x64D0]  }
0xb1: {  	v18 =	vadd.f32 v25, v18;
	v19 =	vadd.f32 v26, v19;
	v23 =	vld [tilespmem:s30+$0x6400]  }
0xb2: {  	v12 =	vadd.f32 v5, v12;
	v13 =	vadd.f32 v9, v13;
	v24 =	vld [tilespmem:s30+$0x6410]  }
0xb3: {  	v18 =	vadd.f32 v7, v18;
	v5 =	vadd.f32 v20, v14;
	v25 =	vld [tilespmem:s30+$0x6420]  }
0xb4: {  	v19 =	vadd.f32 v11, v19;
	v7 =	vadd.f32 v21, v15;
	v26 =	vld [tilespmem:s30+$0x6430]  }
0xb5: {  	v9 =	vadd.f32 v22, v16;
	v11 =	vadd.f32 v27, v17;
	v20 =	vld [tilespmem:s30+$0x6440]  }
0xb6: {  	v14 =	vadd.f32 v1, v5;
	v15 =	vadd.f32 v3, v7;
	v21 =	vld [tilespmem:s30+$0x6450]  }
0xb7: {  	s31 =	simm.s32 $0x400;
	v16 =	vadd.f32 v28, v9;
	v17 =	vadd.f32 v29, v11;
	v22 =	vld [tilespmem:s30+$0x6460]  }
.LBB2_8:
0xb8: {  	p0 =	sne.s32 s31, $0x7C00;
	v1 =	vadd.f32 v23, v12;
	v3 =	vadd.f32 v24, v13;
	v5 =	vld [tilespmem:s30+$0x6470]  }
0xb9: {  	v7 =	vadd.f32 v25, v18;
	v9 =	vadd.f32 v26, v19;
	v11 =	vld [tilespmem:s30+$0x64E0]  }
0xba: {  	v12 =	vadd.f32 v4, v1;
	v13 =	vadd.f32 v8, v3;
	v1 =	vld [tilespmem:s30+$0x64F0];
	s30 =	sshra.s32 s31, $0x2  }
0xbb: {  	v18 =	vadd.f32 v6, v7;
	v4 =	vld [tilespmem:s30+$0x6480];
	v19 =	vadd.f32 v10, v9  }
0xbc: {  	v3 =	vadd.f32 v20, v14;
	v7 =	vadd.f32 v21, v15;
	v8 =	vld [tilespmem:s30+$0x6490]  }
0xbd: {  	v9 =	vadd.f32 v22, v16;
	v6 =	vld [tilespmem:s30+$0x64A0];
	v5 =	vadd.f32 v5, v17  }
0xbe: {  	v14 =	vadd.f32 v0, v3;
	v15 =	vadd.f32 v2, v7;
	v10 =	vld [tilespmem:s30+$0x64B0]  }
0xbf: {  	v16 =	vadd.f32 v11, v9;
	v0 =	vld [tilespmem:s30+$0x64C0];
	v17 =	vadd.f32 v1, v5  }
0xc0: {  	v2 =	vld [tilespmem:s30+$0x64D0]  }
0xc1: {  	v23 =	vld [tilespmem:s30+$0x6400]  }
0xc2: {  	v24 =	vld [tilespmem:s30+$0x6410]  }
.Ltmp3:
0xc3: {  	v25 =	vld [tilespmem:s30+$0x6420];
	(pc) =	sbr.rel @p0 .LBB2_8-.Ltmp3, $4  }
0xc4: {  	v26 =	vld [tilespmem:s30+$0x6430]  }
0xc5: {  	v20 =	vld [tilespmem:s30+$0x6440]  }
0xc6: {  	v21 =	vld [tilespmem:s30+$0x6450]  }
0xc7: {  	s31 =	sadd.s32 $0x400, s31;
	v22 =	vld [tilespmem:s30+$0x6460]  }
0xc8: {  	v27 =	vld [tilespmem:s30+$0x6470]  }
0xc9: {  	v28 =	vld [tilespmem:s30+$0x64E0]  }
0xca: {  	v29 =	vld [tilespmem:s30+$0x64F0];
	[tilespmem:s22], [sflag:$0x5] =	stream.indirect.gather [hbm4b:s1+s11], $0x80, s19, s11, $0xb8  }
0xcb: {  	_ = 	snop  }
0xcc: {  	[tilespmem:s24], [sflag:$0x5] =	stream.indirect.gather [hbm4b:s3+s11], $0x80, s21, s11, $0xb8;
	[tilespmem:$0x10480] =	vst v63  }
0xcd: {  	_ =	swait.ge [sflag:s25], $0x2000  }
0xce: {  	[sflag:s25] =	ssyncset.done $0x0  }
0xcf: {  	[sflag:s25] =	ssyncadd.s32 $0xFFFFE000  }
0xd0: {  	_ =	swait.ge [sflag:s25], $0x2000  }
0xd1: {  	[sflag:s25] =	ssyncset.done $0x0  }
0xd2: {  	s30 =	simm.s32 $0x0;
	[sflag:s25] =	ssyncadd.s32 $0xFFFFE000  }
0xd3: {  	v5 =	vld [tilespmem:s30+$0x480]  }
0xd4: {  	v9 =	vld [tilespmem:s30+$0x490]  }
0xd5: {  	v7 =	vld [tilespmem:s30+$0x4A0]  }
0xd6: {  	v11 =	vld [tilespmem:s30+$0x4B0]  }
0xd7: {  	v1 =	vld [tilespmem:s30+$0x4C0]  }
0xd8: {  	v12 =	vadd.f32 v23, v12;
	v13 =	vadd.f32 v24, v13;
	v3 =	vld [tilespmem:s30+$0x4D0]  }
0xd9: {  	v18 =	vadd.f32 v25, v18;
	v19 =	vadd.f32 v26, v19;
	v23 =	vld [tilespmem:s30+$0x400]  }
0xda: {  	v12 =	vadd.f32 v4, v12;
	v13 =	vadd.f32 v8, v13;
	v24 =	vld [tilespmem:s30+$0x410]  }
0xdb: {  	v18 =	vadd.f32 v6, v18;
	v4 =	vadd.f32 v20, v14;
	v25 =	vld [tilespmem:s30+$0x420]  }
0xdc: {  	v19 =	vadd.f32 v10, v19;
	v6 =	vadd.f32 v21, v15;
	v26 =	vld [tilespmem:s30+$0x430]  }
0xdd: {  	v8 =	vadd.f32 v22, v16;
	v10 =	vadd.f32 v27, v17;
	v20 =	vld [tilespmem:s30+$0x440]  }
0xde: {  	v14 =	vadd.f32 v0, v4;
	v15 =	vadd.f32 v2, v6;
	v21 =	vld [tilespmem:s30+$0x450]  }
0xdf: {  	s31 =	simm.s32 $0x400;
	v16 =	vadd.f32 v28, v8;
	v17 =	vadd.f32 v29, v10;
	v22 =	vld [tilespmem:s30+$0x460]  }
.LBB2_10:
0xe0: {  	p0 =	sne.s32 s31, $0x7C00;
	v0 =	vadd.f32 v23, v12;
	v2 =	vadd.f32 v24, v13;
	v4 =	vld [tilespmem:s30+$0x470]  }
0xe1: {  	v6 =	vadd.f32 v25, v18;
	v8 =	vadd.f32 v26, v19;
	v10 =	vld [tilespmem:s30+$0x4E0]  }
0xe2: {  	v12 =	vadd.f32 v5, v0;
	v13 =	vadd.f32 v9, v2;
	v0 =	vld [tilespmem:s30+$0x4F0];
	s30 =	sshra.s32 s31, $0x2  }
0xe3: {  	v18 =	vadd.f32 v7, v6;
	v5 =	vld [tilespmem:s30+$0x480];
	v19 =	vadd.f32 v11, v8  }
0xe4: {  	v2 =	vadd.f32 v20, v14;
	v6 =	vadd.f32 v21, v15;
	v9 =	vld [tilespmem:s30+$0x490]  }
0xe5: {  	v8 =	vadd.f32 v22, v16;
	v7 =	vld [tilespmem:s30+$0x4A0];
	v4 =	vadd.f32 v4, v17  }
0xe6: {  	v14 =	vadd.f32 v1, v2;
	v15 =	vadd.f32 v3, v6;
	v11 =	vld [tilespmem:s30+$0x4B0]  }
0xe7: {  	v16 =	vadd.f32 v10, v8;
	v1 =	vld [tilespmem:s30+$0x4C0];
	v17 =	vadd.f32 v0, v4  }
0xe8: {  	v3 =	vld [tilespmem:s30+$0x4D0]  }
0xe9: {  	v23 =	vld [tilespmem:s30+$0x400]  }
0xea: {  	v24 =	vld [tilespmem:s30+$0x410]  }
.Ltmp4:
0xeb: {  	v25 =	vld [tilespmem:s30+$0x420];
	(pc) =	sbr.rel @p0 .LBB2_10-.Ltmp4, $4  }
0xec: {  	v26 =	vld [tilespmem:s30+$0x430]  }
0xed: {  	v20 =	vld [tilespmem:s30+$0x440]  }
0xee: {  	v21 =	vld [tilespmem:s30+$0x450]  }
0xef: {  	s31 =	sadd.s32 $0x400, s31;
	v22 =	vld [tilespmem:s30+$0x460]  }
0xf0: {  	v27 =	vld [tilespmem:s30+$0x470]  }
0xf1: {  	v28 =	vld [tilespmem:s30+$0x4E0]  }
0xf2: {  	v29 =	vld [tilespmem:s30+$0x4F0];
	_ =	swait.ge [sflag:s29], $0x2000  }
0xf3: {  	[sflag:s29] =	ssyncset.done $0x0  }
0xf4: {  	[sflag:s29] =	ssyncadd.s32 $0xFFFFE000  }
0xf5: {  	_ =	swait.ge [sflag:s29], $0x2000  }
0xf6: {  	[sflag:s29] =	ssyncset.done $0x0  }
0xf7: {  	s30 =	simm.s32 $0x0;
	[sflag:s29] =	ssyncadd.s32 $0xFFFFE000  }
0xf8: {  	v4 =	vld [tilespmem:s30+$0x2480]  }
0xf9: {  	v8 =	vld [tilespmem:s30+$0x2490]  }
0xfa: {  	v6 =	vld [tilespmem:s30+$0x24A0]  }
0xfb: {  	v10 =	vld [tilespmem:s30+$0x24B0]  }
0xfc: {  	v0 =	vld [tilespmem:s30+$0x24C0]  }
0xfd: {  	v12 =	vadd.f32 v23, v12;
	v13 =	vadd.f32 v24, v13;
	v2 =	vld [tilespmem:s30+$0x24D0]  }
0xfe: {  	v18 =	vadd.f32 v25, v18;
	v19 =	vadd.f32 v26, v19;
	v23 =	vld [tilespmem:s30+$0x2400]  }
0xff: {  	v12 =	vadd.f32 v5, v12;
	v13 =	vadd.f32 v9, v13;
	v24 =	vld [tilespmem:s30+$0x2410]  }
0x100: {  	v18 =	vadd.f32 v7, v18;
	v5 =	vadd.f32 v20, v14;
	v25 =	vld [tilespmem:s30+$0x2420]  }
0x101: {  	v19 =	vadd.f32 v11, v19;
	v7 =	vadd.f32 v21, v15;
	v26 =	vld [tilespmem:s30+$0x2430]  }
0x102: {  	v9 =	vadd.f32 v22, v16;
	v11 =	vadd.f32 v27, v17;
	v20 =	vld [tilespmem:s30+$0x2440]  }
0x103: {  	v14 =	vadd.f32 v1, v5;
	v15 =	vadd.f32 v3, v7;
	v21 =	vld [tilespmem:s30+$0x2450]  }
0x104: {  	s31 =	simm.s32 $0x400;
	v16 =	vadd.f32 v28, v9;
	v22 =	vld [tilespmem:s30+$0x2460];
	v17 =	vadd.f32 v29, v11  }
.LBB2_12:
0x105: {  	p0 =	sne.s32 s31, $0x7C00;
	v1 =	vadd.f32 v23, v12;
	v3 =	vadd.f32 v24, v13;
	v5 =	vld [tilespmem:s30+$0x2470]  }
0x106: {  	v7 =	vadd.f32 v25, v18;
	v9 =	vadd.f32 v26, v19;
	v11 =	vld [tilespmem:s30+$0x24E0]  }
0x107: {  	v12 =	vadd.f32 v4, v1;
	v13 =	vadd.f32 v8, v3;
	v1 =	vld [tilespmem:s30+$0x24F0];
	s30 =	sshra.s32 s31, $0x2  }
0x108: {  	v18 =	vadd.f32 v6, v7;
	v4 =	vld [tilespmem:s30+$0x2480];
	v19 =	vadd.f32 v10, v9  }
0x109: {  	v3 =	vadd.f32 v20, v14;
	v7 =	vadd.f32 v21, v15;
	v8 =	vld [tilespmem:s30+$0x2490]  }
0x10a: {  	v9 =	vadd.f32 v22, v16;
	v6 =	vld [tilespmem:s30+$0x24A0];
	v5 =	vadd.f32 v5, v17  }
0x10b: {  	v14 =	vadd.f32 v0, v3;
	v15 =	vadd.f32 v2, v7;
	v10 =	vld [tilespmem:s30+$0x24B0]  }
0x10c: {  	v16 =	vadd.f32 v11, v9;
	v0 =	vld [tilespmem:s30+$0x24C0];
	v17 =	vadd.f32 v1, v5  }
0x10d: {  	v2 =	vld [tilespmem:s30+$0x24D0]  }
0x10e: {  	v23 =	vld [tilespmem:s30+$0x2400]  }
0x10f: {  	v24 =	vld [tilespmem:s30+$0x2410]  }
.Ltmp5:
0x110: {  	v25 =	vld [tilespmem:s30+$0x2420];
	(pc) =	sbr.rel @p0 .LBB2_12-.Ltmp5, $4  }
0x111: {  	v26 =	vld [tilespmem:s30+$0x2430]  }
0x112: {  	v20 =	vld [tilespmem:s30+$0x2440]  }
0x113: {  	v21 =	vld [tilespmem:s30+$0x2450]  }
0x114: {  	s31 =	sadd.s32 $0x400, s31;
	v22 =	vld [tilespmem:s30+$0x2460]  }
0x115: {  	v27 =	vld [tilespmem:s30+$0x2470]  }
0x116: {  	v28 =	vld [tilespmem:s30+$0x24E0]  }
0x117: {  	v29 =	vld [tilespmem:s30+$0x24F0];
	_ =	swait.ge [sflag:s0], $0x2000  }
0x118: {  	[sflag:s0] =	ssyncset.done $0x0  }
0x119: {  	[sflag:s0] =	ssyncadd.s32 $0xFFFFE000  }
0x11a: {  	_ =	swait.ge [sflag:s0], $0x2000  }
0x11b: {  	[sflag:s0] =	ssyncset.done $0x0  }
0x11c: {  	s30 =	simm.s32 $0x0;
	[sflag:s0] =	ssyncadd.s32 $0xFFFFE000  }
0x11d: {  	v5 =	vld [tilespmem:s30+$0x4480]  }
0x11e: {  	v9 =	vld [tilespmem:s30+$0x4490]  }
0x11f: {  	v7 =	vld [tilespmem:s30+$0x44A0]  }
0x120: {  	v11 =	vld [tilespmem:s30+$0x44B0]  }
0x121: {  	v1 =	vld [tilespmem:s30+$0x44C0]  }
0x122: {  	v12 =	vadd.f32 v23, v12;
	v13 =	vadd.f32 v24, v13;
	v3 =	vld [tilespmem:s30+$0x44D0]  }
0x123: {  	v18 =	vadd.f32 v25, v18;
	v19 =	vadd.f32 v26, v19;
	v23 =	vld [tilespmem:s30+$0x4400]  }
0x124: {  	v12 =	vadd.f32 v4, v12;
	v13 =	vadd.f32 v8, v13;
	v24 =	vld [tilespmem:s30+$0x4410]  }
0x125: {  	v18 =	vadd.f32 v6, v18;
	v4 =	vadd.f32 v20, v14;
	v25 =	vld [tilespmem:s30+$0x4420]  }
0x126: {  	v19 =	vadd.f32 v10, v19;
	v6 =	vadd.f32 v21, v15;
	v26 =	vld [tilespmem:s30+$0x4430]  }
0x127: {  	v8 =	vadd.f32 v22, v16;
	v10 =	vadd.f32 v27, v17;
	v20 =	vld [tilespmem:s30+$0x4440]  }
0x128: {  	v14 =	vadd.f32 v0, v4;
	v15 =	vadd.f32 v2, v6;
	v21 =	vld [tilespmem:s30+$0x4450]  }
0x129: {  	s31 =	simm.s32 $0x400;
	v16 =	vadd.f32 v28, v8;
	v22 =	vld [tilespmem:s30+$0x4460];
	v17 =	vadd.f32 v29, v10  }
.LBB2_14:
0x12a: {  	p0 =	sne.s32 s31, $0x7C00;
	v0 =	vadd.f32 v23, v12;
	v2 =	vadd.f32 v24, v13;
	v4 =	vld [tilespmem:s30+$0x4470]  }
0x12b: {  	v6 =	vadd.f32 v25, v18;
	v8 =	vadd.f32 v26, v19;
	v10 =	vld [tilespmem:s30+$0x44E0]  }
0x12c: {  	v12 =	vadd.f32 v5, v0;
	v13 =	vadd.f32 v9, v2;
	v0 =	vld [tilespmem:s30+$0x44F0];
	s30 =	sshra.s32 s31, $0x2  }
0x12d: {  	v18 =	vadd.f32 v7, v6;
	v5 =	vld [tilespmem:s30+$0x4480];
	v19 =	vadd.f32 v11, v8  }
0x12e: {  	v2 =	vadd.f32 v20, v14;
	v6 =	vadd.f32 v21, v15;
	v9 =	vld [tilespmem:s30+$0x4490]  }
0x12f: {  	v8 =	vadd.f32 v22, v16;
	v7 =	vld [tilespmem:s30+$0x44A0];
	v4 =	vadd.f32 v4, v17  }
0x130: {  	v14 =	vadd.f32 v1, v2;
	v15 =	vadd.f32 v3, v6;
	v11 =	vld [tilespmem:s30+$0x44B0]  }
0x131: {  	v16 =	vadd.f32 v10, v8;
	v1 =	vld [tilespmem:s30+$0x44C0];
	v17 =	vadd.f32 v0, v4  }
0x132: {  	v3 =	vld [tilespmem:s30+$0x44D0]  }
0x133: {  	v23 =	vld [tilespmem:s30+$0x4400]  }
0x134: {  	v24 =	vld [tilespmem:s30+$0x4410]  }
.Ltmp6:
0x135: {  	v25 =	vld [tilespmem:s30+$0x4420];
	(pc) =	sbr.rel @p0 .LBB2_14-.Ltmp6, $4  }
0x136: {  	v26 =	vld [tilespmem:s30+$0x4430]  }
0x137: {  	v20 =	vld [tilespmem:s30+$0x4440]  }
0x138: {  	v21 =	vld [tilespmem:s30+$0x4450]  }
0x139: {  	s31 =	sadd.s32 $0x400, s31;
	v22 =	vld [tilespmem:s30+$0x4460]  }
0x13a: {  	v27 =	vld [tilespmem:s30+$0x4470]  }
0x13b: {  	v28 =	vld [tilespmem:s30+$0x44E0]  }
0x13c: {  	v29 =	vld [tilespmem:s30+$0x44F0];
	_ =	swait.ge [sflag:s17], $0x2000  }
0x13d: {  	[sflag:s17] =	ssyncset.done $0x0  }
0x13e: {  	[sflag:s17] =	ssyncadd.s32 $0xFFFFE000  }
0x13f: {  	_ =	swait.ge [sflag:s17], $0x2000  }
0x140: {  	[sflag:s17] =	ssyncset.done $0x0  }
0x141: {  	s30 =	simm.s32 $0x0;
	[sflag:s17] =	ssyncadd.s32 $0xFFFFE000  }
0x142: {  	v4 =	vld [tilespmem:s30+$0x6480]  }
0x143: {  	v10 =	vld [tilespmem:s30+$0x6490]  }
0x144: {  	v6 =	vld [tilespmem:s30+$0x64A0]  }
0x145: {  	v8 =	vld [tilespmem:s30+$0x64B0]  }
0x146: {  	v0 =	vld [tilespmem:s30+$0x64C0]  }
0x147: {  	v12 =	vadd.f32 v23, v12;
	v13 =	vadd.f32 v24, v13;
	v2 =	vld [tilespmem:s30+$0x64D0]  }
0x148: {  	v23 =	vadd.f32 v25, v18;
	v63 =	vadd.f32 v26, v19;
	v18 =	vld [tilespmem:s30+$0x6400]  }
0x149: {  	v5 =	vadd.f32 v5, v12;
	v9 =	vadd.f32 v9, v13;
	v19 =	vld [tilespmem:s30+$0x6410]  }
0x14a: {  	v12 =	vadd.f32 v7, v23;
	v7 =	vadd.f32 v11, v63;
	v23 =	vld [tilespmem:s30+$0x6420]  }
0x14b: {  	v11 =	vadd.f32 v20, v14;
	v15 =	vadd.f32 v21, v15;
	v20 =	vld [tilespmem:s30+$0x6430]  }
0x14c: {  	v16 =	vadd.f32 v22, v16;
	v17 =	vadd.f32 v27, v17;
	v14 =	vld [tilespmem:s30+$0x6440]  }
0x14d: {  	v13 =	vadd.f32 v1, v11;
	v3 =	vadd.f32 v3, v15;
	v15 =	vld [tilespmem:s30+$0x6450]  }
0x14e: {  	s31 =	simm.s32 $0x400;
	v11 =	vadd.f32 v28, v16;
	v16 =	vld [tilespmem:s30+$0x6460];
	v1 =	vadd.f32 v29, v17  }
.LBB2_16:
0x14f: {  	p0 =	sne.s32 s31, $0x7C00;
	v5 =	vadd.f32 v18, v5;
	v9 =	vadd.f32 v19, v9;
	v17 =	vld [tilespmem:s30+$0x6470]  }
0x150: {  	v12 =	vadd.f32 v23, v12;
	v7 =	vadd.f32 v20, v7;
	v18 =	vld [tilespmem:s30+$0x64E0]  }
0x151: {  	v5 =	vadd.f32 v4, v5;
	v9 =	vadd.f32 v10, v9;
	v19 =	vld [tilespmem:s30+$0x64F0];
	s30 =	sshra.s32 s31, $0x2  }
0x152: {  	v12 =	vadd.f32 v6, v12;
	v4 =	vld [tilespmem:s30+$0x6480];
	v7 =	vadd.f32 v8, v7  }
0x153: {  	v13 =	vadd.f32 v14, v13;
	v3 =	vadd.f32 v15, v3;
	v10 =	vld [tilespmem:s30+$0x6490]  }
0x154: {  	v11 =	vadd.f32 v16, v11;
	v6 =	vld [tilespmem:s30+$0x64A0];
	v1 =	vadd.f32 v17, v1  }
0x155: {  	v13 =	vadd.f32 v0, v13;
	v3 =	vadd.f32 v2, v3;
	v8 =	vld [tilespmem:s30+$0x64B0]  }
0x156: {  	v11 =	vadd.f32 v18, v11;
	v0 =	vld [tilespmem:s30+$0x64C0];
	v1 =	vadd.f32 v19, v1  }
0x157: {  	v2 =	vld [tilespmem:s30+$0x64D0]  }
0x158: {  	v18 =	vld [tilespmem:s30+$0x6400]  }
0x159: {  	v19 =	vld [tilespmem:s30+$0x6410]  }
.Ltmp7:
0x15a: {  	v23 =	vld [tilespmem:s30+$0x6420];
	(pc) =	sbr.rel @p0 .LBB2_16-.Ltmp7, $4  }
0x15b: {  	v20 =	vld [tilespmem:s30+$0x6430]  }
0x15c: {  	v14 =	vld [tilespmem:s30+$0x6440]  }
0x15d: {  	v15 =	vld [tilespmem:s30+$0x6450]  }
0x15e: {  	s31 =	sadd.s32 $0x400, s31;
	v16 =	vld [tilespmem:s30+$0x6460]  }
0x15f: {  	v5 =	vadd.f32 v18, v5  }
0x160: {  	v9 =	vadd.f32 v19, v9  }
0x161: {  	v17 =	vld [tilespmem:s30+$0x6470];
	v12 =	vadd.f32 v23, v12;
	v4 =	vadd.f32 v4, v5  }
0x162: {  	v55 =	vld [tilespmem:s30+$0x64E0];
	v56 =	vadd.f32 v20, v7;
	v57 =	vadd.f32 v10, v9  }
0x163: {  	v58 =	vld [tilespmem:s30+$0x64F0];
	v6 =	vadd.f32 v6, v12;
	v59 =	vadd.f32 v14, v13;
	[tilespmem:$0x10400] =	vst v4  }
0x164: {  	v60 =	vadd.f32 v8, v56;
	v3 =	vadd.f32 v15, v3;
	[tilespmem:$0x10410] =	vst v57  }
0x165: {  	v61 =	vadd.f32 v16, v11;
	v0 =	vadd.f32 v0, v59;
	[tilespmem:$0x10420] =	vst v6  }
0x166: {  	v1 =	vadd.f32 v17, v1;
	v2 =	vadd.f32 v2, v3;
	[tilespmem:$0x10430] =	vst v60  }
0x167: {  	v62 =	vadd.f32 v55, v61;
	[tilespmem:$0x10440] =	vst v0  }
0x168: {  	s28 =	sadd.s32 $0x1, s28;
	v63 =	vadd.f32 v58, v1;
	[tilespmem:$0x10450] =	vst v2  }
0x169: {  	p0 =	sne.s32 s28, s8;
	[tilespmem:$0x10460] =	vst v62  }
.Ltmp8:
0x16a: {  	[tilespmem:$0x10470] =	vst v63;
	(pc) =	sbr.rel @p0 .LBB2_1-.Ltmp8, $4  }
0x16b: {  	[hbm4b:s7+s4] =	stream.linear.scatter [tilespmem:s23], [sflag:$0x6], $0x80, $0x38;
	[tilespmem:$0x10480] =	vst v63  }
0x16c: {  	_ =	swait.ge [sflag:s26], $0x80  }
0x16d: {  	[sflag:s26] =	ssyncset.done $0x0  }
0x16e: {  	[sflag:s26] =	ssyncadd.s32 $0xFFFFFF80  }
0x16f: {  	_ =	sfence.sel $0x180000  }
0x170: {  	[bflag:$0x0] =	sbarrier.arrive $0xFFFF  }
0x171: {  	_ =	strace $0x90000047  }
0x172: {  	s0 =	stileid.u32;
	[bflag:$0x2] =	sbarrier.arrive $0xFFFF  }
0x173: {  	p0 =	sne.s32 s0, $0x0;
	s0 =	rddreg [dreg:$0x5]  }
0x174: {  	s0 =	sadd.s32 @!p0 $0x100000, s0  }
0x175: {  	[sflag:s0] =	ssyncadd.tile.s32 @!p0 $0x1;
	_ =	shalt  }
.Lfunc_end2:
_tile_overlayer_lowered:
.L_overlay_start_2:
0x176: {  	(tag) =	ssettag $0x2  }
0x177: {  	s0 =	rddreg [dreg:$0x0];
	s2 =	stileid.u32  }
0x178: {  	s1 =	rddreg [dreg:$0x1];
	p0 =	sne.s32 s2, $0x0  }
0x179: {  	s3 =	rddreg [dreg:$0x2];
	[bflag:$0x3] =	sbarrier.arrive $0xFFFF;
	s2 =	simm.s32 @!p0 $0x1C06  }
0x17a: {  	[timem:s3], [sflag:s2] =	dma.local @!p0 [hbm:s0], s1  }
0x17b: {  	s0 =	simm.s32 @!p0 $0x6  }
0x17c: {  	_ =	swait.ge @!p0 [sflag:s0], s1  }
0x17d: {  	s1 =	ssub.s32 @!p0 $0x0, s1;
	[sflag:s0] =	ssyncset.done @!p0 $0x0  }
0x17e: {  	[sflag:s0] =	ssyncadd.s32 @!p0 s1  }
0x17f: {  	[bflag:$0x3] =	sbarrier.arrive $0xFFFF  }
0x180: {  	_ =	shalt  }

</sc_bundles>
